<compile_context>
chip_gen: v7x
topology: tpu7x:2x2x1
jax: 0.10.2.dev20260603
libtpu: 0.0.44.dev20260713+nightly
codegen_flags: <defaults>
</compile_context>

<pallas_src>
import jax
import jax.numpy as jnp
from jax import lax
from jax.experimental import pallas as pl
from jax.experimental.pallas import tpu as pltpu
from jax.experimental.pallas import tpu_sc as plsc

_VOCAB = 100000
_D = 64
_S = 200
_B = 4096
_NC = 2
_NS = 16
_NW = _NC * _NS
_BT = _B // _NW
_ST = _S // 8
_NBUF = 5
_PDIST = _NBUF - 1
_NGROUPS = _S // _NBUF
_SCALE = 8.0
_KV = _D // 16


def _sc_body(tok_hbm, pe_hbm, table_hbm, out_hbm,
             tok_v, pe_v, r0, r1, r2, r3, r4, o0, o1, o2, o3, o4,
             sg0, sg1, sg2, sg3, sg4, sw0, sw1, sw2, sw3, sw4):
    rows = (r0, r1, r2, r3, r4)
    outs = (o0, o1, o2, o3, o4)
    sem_g = (sg0, sg1, sg2, sg3, sg4)
    sem_w = (sw0, sw1, sw2, sw3, sw4)
    cid = lax.axis_index("c")
    sid = lax.axis_index("s")
    wid = sid * _NC + cid

    pltpu.sync_copy(tok_hbm.at[:, wid], tok_v)
    pltpu.sync_copy(pe_hbm, pe_v)

    @plsc.parallel_loop(0, _ST * 8 * 8, unroll=4)
    def _(j):
        st = j // 64
        r = lax.rem(j, 64)
        s8 = lax.shift_right_logical(r, 3)
        jj = lax.bitwise_and(r, 7)
        sl = pl.ds(16 * jj, 16)
        tok_v[st, s8, sl] = lax.shift_left(tok_v[st, s8, sl], 1)

    iota = lax.iota(jnp.int32, 16)
    dtv = [lax.shift_right_logical(16 * k + iota, 3) for k in range(_KV)]
    d8v = [lax.bitwise_and(16 * k + iota, 7) for k in range(_KV)]

    def fire_gather(c, b):
        st = c // 8
        s8 = lax.rem(c, 8)
        pltpu.async_copy(table_hbm.at[tok_v.at[st, s8]], rows[b], sem_g[b])

    def drain_gather(c, b):
        pltpu.make_async_copy(table_hbm.at[tok_v.at[0, 0]], rows[b],
                              sem_g[b]).wait()

    def out_copy(c, b):
        return pltpu.make_async_copy(outs[b].at[:, :, pl.ds(0, _BT)],
                                     out_hbm.at[c, :, wid], sem_w[b])

    for b in range(_PDIST):
        fire_gather(b, b)

    def group_body(g, carry):
        c0 = g * _NBUF
        for b in range(_NBUF):
            c = c0 + b
            drain_gather(c, b)

            fb = (b + _PDIST) % _NBUF
            if b == 0:
                fire_gather(c + _PDIST, fb)
            else:
                @pl.when(g < _NGROUPS - 1)
                def _():
                    fire_gather(c + _PDIST, fb)

            @pl.when(g >= 1)
            def _():
                out_copy(c - _NBUF, b).wait()

            pe_k = [pe_v[c, pl.ds(16 * k, 16)] for k in range(_KV)]

            @plsc.parallel_loop(0, _BT, unroll=4)
            def _(i):
                colv = jnp.full((16,), i, jnp.int32)
                for k in range(_KV):
                    v = rows[b][i, pl.ds(16 * k, 16)] * _SCALE + pe_k[k]
                    plsc.store_scatter(outs[b], [dtv[k], d8v[k], colv], v)

            out_copy(c, b).start()
        return carry

    lax.fori_loop(0, _NGROUPS, group_body, 0)

    for b in range(_NBUF):
        out_copy(_S - _NBUF + b, b).wait()


@jax.jit
def _music_embedding(tok4, pe_s, table):
    mesh = plsc.VectorSubcoreMesh(
        core_axis_name="c", subcore_axis_name="s",
        num_cores=_NC, num_subcores=_NS,
    )
    run = pl.kernel(
        _sc_body,
        out_type=jax.ShapeDtypeStruct((_S, _D // 8, _NW, 8, _BT), jnp.float32),
        mesh=mesh,
        scratch_types=(
            [pltpu.VMEM((_ST, 8, _BT), jnp.int32),
             pltpu.VMEM((_S, _D), jnp.float32)]
            + [pltpu.VMEM((_BT, _D), jnp.float32) for _ in range(_NBUF)]
            + [pltpu.VMEM((_D // 8, 8, _BT + 1), jnp.float32) for _ in range(_NBUF)]
            + [pltpu.SemaphoreType.DMA for _ in range(2 * _NBUF)]
        ),
        compiler_params=pltpu.CompilerParams(
            use_tc_tiling_on_sc=False, needs_layout_passes=False),
    )
    return run(tok4, pe_s, table)


def kernel(token_ids, table, pe):
    tok4 = (token_ids.astype(jnp.int32).T
            .reshape(_ST, 8, _NW, _BT).transpose(0, 2, 1, 3))
    pe_s = pe[:_S]
    table_p = jnp.pad(table, ((0, 0), (0, _D))).reshape(2 * _VOCAB, _D)
    out5 = _music_embedding(tok4, pe_s, table_p)
    return out5.transpose(2, 4, 0, 1, 3).reshape(_B, _S, _D)

# --- scband reference (transcript-rebuilt; emitter-appended) ---
"""Pipeline reference for scband-music-embedding-16088947491394 (READ-ONLY COPY).

The authoritative reference and input builder live on the scoring server;
editing this copy changes nothing except your own understanding.
"""

import jax, jax.numpy as jnp
import numpy as np
import math

VOCAB_SIZE = 100000
HIDDEN_DIM = 64
MAX_LEN = 2048
BATCH = 4096
SEQ_LEN = 200


def _make_pe(max_len, hidden_dim):
    pe = np.zeros((max_len, hidden_dim), dtype=np.float32)
    position = np.arange(0, max_len, dtype=np.float32)[:, None]
    div_term = np.exp(np.arange(0, hidden_dim, 2, dtype=np.float32) * (-math.log(10000.0) / hidden_dim))
    pe[:, 0::2] = np.sin(position * div_term)
    pe[:, 1::2] = np.cos(position * div_term)
    return jnp.asarray(pe)


def setup_inputs(seed: int = 0) -> dict:
    key = jax.random.key(seed)
    k_idx, k_tab = jax.random.split(key)
    token_ids = jax.random.randint(k_idx, (BATCH, SEQ_LEN), 0, VOCAB_SIZE, dtype=jnp.int64 if jax.config.jax_enable_x64 else jnp.int32)
    # Xavier-uniform init for the embedding table, matching nn.init.xavier_uniform_
    bound = math.sqrt(6.0 / (VOCAB_SIZE + HIDDEN_DIM))
    table = jax.random.uniform(k_tab, (VOCAB_SIZE, HIDDEN_DIM), minval=-bound, maxval=bound, dtype=jnp.float32)
    pe = _make_pe(MAX_LEN, HIDDEN_DIM)
    return {"token_ids": token_ids, "table": table, "pe": pe}


def reference(token_ids, table, pe):
    # TokenEmbedding: gather rows from the table
    tok_emb = jnp.take(table, token_ids, axis=0)  # [B, S, D]
    scale = math.sqrt(HIDDEN_DIM)
    tok_emb = tok_emb * scale
    # PositionalEncoding: add sinusoidal PE (dropout p=0.0 -> identity)
    seq_len = token_ids.shape[1]
    out = tok_emb + pe[None, :seq_len, :]
    return out

if __name__ == "__main__":
    import jax
    _d = setup_inputs()
    print(jax.jit(kernel)(*tuple(_d.values())))

</pallas_src>

<mosaic_0001>
#map = affine_map<(d0, d1) -> (0, 0, 0, 0)>
#map1 = affine_map<(d0, d1) -> (0, 0)>
#map2 = affine_map<(d0, d1) -> (0, 0, 0, 0, 0)>
module attributes {stable_mosaic.version = 14 : i64} {
  func.func @_sc_body(%arg0: i32, %arg1: i32, %arg2: memref<25x32x8x128xi32, #tpu.memory_space<hbm>>, %arg3: memref<200x64xf32, #tpu.memory_space<hbm>>, %arg4: memref<200000x64xf32, #tpu.memory_space<hbm>>, %arg5: memref<200x8x32x8x128xf32, #tpu.memory_space<hbm>>, %arg6: memref<25x8x128xi32, #tpu.memory_space<vmem>>, %arg7: memref<200x64xf32, #tpu.memory_space<vmem>>, %arg8: memref<128x64xf32, #tpu.memory_space<vmem>>, %arg9: memref<128x64xf32, #tpu.memory_space<vmem>>, %arg10: memref<128x64xf32, #tpu.memory_space<vmem>>, %arg11: memref<128x64xf32, #tpu.memory_space<vmem>>, %arg12: memref<128x64xf32, #tpu.memory_space<vmem>>, %arg13: memref<8x8x129xf32, #tpu.memory_space<vmem>>, %arg14: memref<8x8x129xf32, #tpu.memory_space<vmem>>, %arg15: memref<8x8x129xf32, #tpu.memory_space<vmem>>, %arg16: memref<8x8x129xf32, #tpu.memory_space<vmem>>, %arg17: memref<8x8x129xf32, #tpu.memory_space<vmem>>, %arg18: memref<!tpu.dma_semaphore, #tpu.memory_space<semaphore_mem>>, %arg19: memref<!tpu.dma_semaphore, #tpu.memory_space<semaphore_mem>>, %arg20: memref<!tpu.dma_semaphore, #tpu.memory_space<semaphore_mem>>, %arg21: memref<!tpu.dma_semaphore, #tpu.memory_space<semaphore_mem>>, %arg22: memref<!tpu.dma_semaphore, #tpu.memory_space<semaphore_mem>>, %arg23: memref<!tpu.dma_semaphore, #tpu.memory_space<semaphore_mem>>, %arg24: memref<!tpu.dma_semaphore, #tpu.memory_space<semaphore_mem>>, %arg25: memref<!tpu.dma_semaphore, #tpu.memory_space<semaphore_mem>>, %arg26: memref<!tpu.dma_semaphore, #tpu.memory_space<semaphore_mem>>, %arg27: memref<!tpu.dma_semaphore, #tpu.memory_space<semaphore_mem>>) attributes {dimension_semantics = [#tpu.dimension_semantics<core_parallel>, #tpu.dimension_semantics<subcore_parallel>], iteration_bounds = array<i64: 2, 16>, scalar_prefetch = 0 : i64, scratch_operands = 22 : i64, tpu.core_type = #tpu.core_type<sc_vector_subcore>, window_params = [{transform_indices = #map}, {transform_indices = #map1}, {transform_indices = #map1}, {transform_indices = #map2}]} {
    %mul3A = arith.constant 2 : i32
    %mul3A_0 = arith.muli %arg1, %mul3A : i32
    %add3A = arith.addi %mul3A_0, %arg0 : i32
    "tpu.region"() ({
      %run_scoped3A = tpu.sem_alloc : memref<!tpu.dma_semaphore, #tpu.memory_space<semaphore_mem>>
      %dma_start3A_186 = arith.constant 0 : i32
      %dma_start3A_187 = arith.constant 0 : i32
      %dma_start3A_188 = arith.constant 0 : i32
      %dma_start3A_189 = tpu.memref_slice %arg2[%dma_start3A_186, %add3A, %dma_start3A_187, %dma_start3A_188] : memref<25x32x8x128xi32, #tpu.memory_space<hbm>> -> memref<25x1x8x128xi32, #tpu.memory_space<hbm>>
      %dma_start3A_190 = tpu.memref_squeeze %dma_start3A_189 : memref<25x1x8x128xi32, #tpu.memory_space<hbm>> -> memref<25x8x128xi32, #tpu.memory_space<hbm>>
      %dma_start3A_191 = arith.constant 0 : i32
      %dma_start3A_192 = arith.constant 0 : i32
      %dma_start3A_193 = arith.constant 0 : i32
      %dma_start3A_194 = tpu.memref_slice %arg2[%dma_start3A_191, %add3A, %dma_start3A_192, %dma_start3A_193] : memref<25x32x8x128xi32, #tpu.memory_space<hbm>> -> memref<25x1x8x128xi32, #tpu.memory_space<hbm>>
      %dma_start3A_195 = tpu.memref_squeeze %dma_start3A_194 : memref<25x1x8x128xi32, #tpu.memory_space<hbm>> -> memref<25x8x128xi32, #tpu.memory_space<hbm>>
      tpu.enqueue_dma source(%dma_start3A_195 : memref<25x8x128xi32, #tpu.memory_space<hbm>>) target(%arg6 : memref<25x8x128xi32, #tpu.memory_space<vmem>>) target_semaphore(%run_scoped3A : memref<!tpu.dma_semaphore, #tpu.memory_space<semaphore_mem>>)
      %dma_wait3A_196 = arith.constant 0 : i32
      %dma_wait3A_197 = arith.constant 0 : i32
      %dma_wait3A_198 = arith.constant 0 : i32
      %dma_wait3A_199 = tpu.memref_slice %arg2[%dma_wait3A_196, %add3A, %dma_wait3A_197, %dma_wait3A_198] : memref<25x32x8x128xi32, #tpu.memory_space<hbm>> -> memref<25x1x8x128xi32, #tpu.memory_space<hbm>>
      %dma_wait3A_200 = tpu.memref_squeeze %dma_wait3A_199 : memref<25x1x8x128xi32, #tpu.memory_space<hbm>> -> memref<25x8x128xi32, #tpu.memory_space<hbm>>
      %dma_wait3A_201 = arith.constant 0 : i32
      %dma_wait3A_202 = arith.constant 0 : i32
      %dma_wait3A_203 = arith.constant 0 : i32
      %dma_wait3A_204 = tpu.memref_slice %arg2[%dma_wait3A_201, %add3A, %dma_wait3A_202, %dma_wait3A_203] : memref<25x32x8x128xi32, #tpu.memory_space<hbm>> -> memref<25x1x8x128xi32, #tpu.memory_space<hbm>>
      %dma_wait3A_205 = tpu.memref_squeeze %dma_wait3A_204 : memref<25x1x8x128xi32, #tpu.memory_space<hbm>> -> memref<25x8x128xi32, #tpu.memory_space<hbm>>
      tpu.wait_dma2 semaphore(%run_scoped3A : memref<!tpu.dma_semaphore, #tpu.memory_space<semaphore_mem>>) src(%dma_wait3A_205 : memref<25x8x128xi32, #tpu.memory_space<hbm>>) dst(%arg6 : memref<25x8x128xi32, #tpu.memory_space<vmem>>)
      tpu.yield
    }) : () -> ()
    "tpu.region"() ({
      %run_scoped3A = tpu.sem_alloc : memref<!tpu.dma_semaphore, #tpu.memory_space<semaphore_mem>>
      tpu.enqueue_dma source(%arg3 : memref<200x64xf32, #tpu.memory_space<hbm>>) target(%arg7 : memref<200x64xf32, #tpu.memory_space<vmem>>) target_semaphore(%run_scoped3A : memref<!tpu.dma_semaphore, #tpu.memory_space<semaphore_mem>>)
      tpu.wait_dma2 semaphore(%run_scoped3A : memref<!tpu.dma_semaphore, #tpu.memory_space<semaphore_mem>>) src(%arg3 : memref<200x64xf32, #tpu.memory_space<hbm>>) dst(%arg7 : memref<200x64xf32, #tpu.memory_space<vmem>>)
      tpu.yield
    }) : () -> ()
    %parallel_loop3A = arith.constant 0 : i32
    %parallel_loop3A_1 = arith.constant 1600 : i32
    %parallel_loop3A_2 = arith.constant 1 : i32
    scf.for %parallel_loop3A_186 = %parallel_loop3A to %parallel_loop3A_1 step %parallel_loop3A_2  : i32 {
      %parallel_loop3A_187 = arith.constant 64 : i32
      %parallel_loop3A_188 = arith.divsi %parallel_loop3A_186, %parallel_loop3A_187 : i32
      %parallel_loop3A_189 = arith.constant 0 : i32
      %parallel_loop3A_190 = arith.cmpi sgt, %parallel_loop3A_186, %parallel_loop3A_189 : i32
      %parallel_loop3A_191 = arith.extui %parallel_loop3A_190 : i1 to i32
      %parallel_loop3A_192 = arith.constant 0 : i32
      %parallel_loop3A_193 = arith.cmpi slt, %parallel_loop3A_186, %parallel_loop3A_192 : i32
      %parallel_loop3A_194 = arith.extui %parallel_loop3A_193 : i1 to i32
      %parallel_loop3A_195 = arith.subi %parallel_loop3A_191, %parallel_loop3A_194 : i32
      %parallel_loop3A_196 = arith.constant 0 : i32
      %parallel_loop3A_197 = arith.cmpi sgt, %parallel_loop3A_187, %parallel_loop3A_196 : i32
      %parallel_loop3A_198 = arith.extui %parallel_loop3A_197 : i1 to i32
      %parallel_loop3A_199 = arith.constant 0 : i32
      %parallel_loop3A_200 = arith.cmpi slt, %parallel_loop3A_187, %parallel_loop3A_199 : i32
      %parallel_loop3A_201 = arith.extui %parallel_loop3A_200 : i1 to i32
      %parallel_loop3A_202 = arith.subi %parallel_loop3A_198, %parallel_loop3A_201 : i32
      %parallel_loop3A_203 = arith.cmpi ne, %parallel_loop3A_195, %parallel_loop3A_202 : i32
      %parallel_loop3A_204 = arith.remsi %parallel_loop3A_186, %parallel_loop3A_187 : i32
      %parallel_loop3A_205 = arith.constant 0 : i32
      %parallel_loop3A_206 = arith.cmpi ne, %parallel_loop3A_204, %parallel_loop3A_205 : i32
      %parallel_loop3A_207 = arith.andi %parallel_loop3A_203, %parallel_loop3A_206 : i1
      %parallel_loop3A_208 = arith.constant 1 : i32
      %parallel_loop3A_209 = arith.subi %parallel_loop3A_188, %parallel_loop3A_208 : i32
      %parallel_loop3A_210 = arith.select %parallel_loop3A_207, %parallel_loop3A_209, %parallel_loop3A_188 : i32
      %parallel_loop3A_211 = arith.constant 64 : i32
      %parallel_loop3A_212 = arith.remsi %parallel_loop3A_186, %parallel_loop3A_211 : i32
      %parallel_loop3A_213 = arith.constant 3 : i32
      %parallel_loop3A_214 = arith.shrui %parallel_loop3A_212, %parallel_loop3A_213 : i32
      %parallel_loop3A_215 = arith.constant 7 : i32
      %parallel_loop3A_216 = arith.andi %parallel_loop3A_212, %parallel_loop3A_215 : i32
      %parallel_loop3A_217 = arith.constant 16 : i32
      %parallel_loop3A_218 = arith.muli %parallel_loop3A_217, %parallel_loop3A_216 : i32
      %parallel_loop3A_219 = arith.index_cast %parallel_loop3A_210 : i32 to index
      %parallel_loop3A_220 = arith.index_cast %parallel_loop3A_214 : i32 to index
      %parallel_loop3A_221 = arith.index_cast %parallel_loop3A_218 : i32 to index
      %parallel_loop3A_222 = tpu.vector_load %arg6[%parallel_loop3A_219, %parallel_loop3A_220, %parallel_loop3A_221] {strides = array<i32>} : memref<25x8x128xi32, #tpu.memory_space<vmem>>, vector<16xi32>,
      %parallel_loop3A_223 = arith.constant 1 : i32
      %parallel_loop3A_224 = vector.broadcast %parallel_loop3A_223 : i32 to vector<16xi32>
      %parallel_loop3A_225 = arith.shli %parallel_loop3A_222, %parallel_loop3A_224 : vector<16xi32>
      %parallel_loop3A_226 = arith.index_cast %parallel_loop3A_210 : i32 to index
      %parallel_loop3A_227 = arith.index_cast %parallel_loop3A_214 : i32 to index
      %parallel_loop3A_228 = arith.index_cast %parallel_loop3A_218 : i32 to index
      %parallel_loop3A_229 = tpu.vector_load %arg6[%parallel_loop3A_226, %parallel_loop3A_227, %parallel_loop3A_228] {strides = array<i32>} : memref<25x8x128xi32, #tpu.memory_space<vmem>>, vector<16xi32>,
      tpu.vector_store %arg6[%parallel_loop3A_226, %parallel_loop3A_227, %parallel_loop3A_228], %parallel_loop3A_225 {strides = array<i32>} : memref<25x8x128xi32, #tpu.memory_space<vmem>>, vector<16xi32>,
    } {sc.loop_unroll_factor = 4 : i64, sc.parallel_access}
    %iota3A = tpu.iota {dimensions = array<i32: 0>} : vector<16xi32>
    %add3A_3 = arith.constant 0 : i32
    %add3A_4 = vector.broadcast %add3A_3 : i32 to vector<16xi32>
    %add3A_5 = arith.addi %add3A_4, %iota3A : vector<16xi32>
    %shift_right_logical3A = arith.constant 3 : i32
    %shift_right_logical3A_6 = vector.broadcast %shift_right_logical3A : i32 to vector<16xi32>
    %shift_right_logical3A_7 = arith.shrui %add3A_5, %shift_right_logical3A_6 : vector<16xi32>
    %add3A_8 = arith.constant 16 : i32
    %add3A_9 = vector.broadcast %add3A_8 : i32 to vector<16xi32>
    %add3A_10 = arith.addi %add3A_9, %iota3A : vector<16xi32>
    %shift_right_logical3A_11 = arith.constant 3 : i32
    %shift_right_logical3A_12 = vector.broadcast %shift_right_logical3A_11 : i32 to vector<16xi32>
    %shift_right_logical3A_13 = arith.shrui %add3A_10, %shift_right_logical3A_12 : vector<16xi32>
    %add3A_14 = arith.constant 32 : i32
    %add3A_15 = vector.broadcast %add3A_14 : i32 to vector<16xi32>
    %add3A_16 = arith.addi %add3A_15, %iota3A : vector<16xi32>
    %shift_right_logical3A_17 = arith.constant 3 : i32
    %shift_right_logical3A_18 = vector.broadcast %shift_right_logical3A_17 : i32 to vector<16xi32>
    %shift_right_logical3A_19 = arith.shrui %add3A_16, %shift_right_logical3A_18 : vector<16xi32>
    %add3A_20 = arith.constant 48 : i32
    %add3A_21 = vector.broadcast %add3A_20 : i32 to vector<16xi32>
    %add3A_22 = arith.addi %add3A_21, %iota3A : vector<16xi32>
    %shift_right_logical3A_23 = arith.constant 3 : i32
    %shift_right_logical3A_24 = vector.broadcast %shift_right_logical3A_23 : i32 to vector<16xi32>
    %shift_right_logical3A_25 = arith.shrui %add3A_22, %shift_right_logical3A_24 : vector<16xi32>
    %add3A_26 = arith.constant 0 : i32
    %add3A_27 = vector.broadcast %add3A_26 : i32 to vector<16xi32>
    %add3A_28 = arith.addi %add3A_27, %iota3A : vector<16xi32>
    %and3A = arith.constant 7 : i32
    %and3A_29 = vector.broadcast %and3A : i32 to vector<16xi32>
    %and3A_30 = arith.andi %add3A_28, %and3A_29 : vector<16xi32>
    %add3A_31 = arith.constant 16 : i32
    %add3A_32 = vector.broadcast %add3A_31 : i32 to vector<16xi32>
    %add3A_33 = arith.addi %add3A_32, %iota3A : vector<16xi32>
    %and3A_34 = arith.constant 7 : i32
    %and3A_35 = vector.broadcast %and3A_34 : i32 to vector<16xi32>
    %and3A_36 = arith.andi %add3A_33, %and3A_35 : vector<16xi32>
    %add3A_37 = arith.constant 32 : i32
    %add3A_38 = vector.broadcast %add3A_37 : i32 to vector<16xi32>
    %add3A_39 = arith.addi %add3A_38, %iota3A : vector<16xi32>
    %and3A_40 = arith.constant 7 : i32
    %and3A_41 = vector.broadcast %and3A_40 : i32 to vector<16xi32>
    %and3A_42 = arith.andi %add3A_39, %and3A_41 : vector<16xi32>
    %add3A_43 = arith.constant 48 : i32
    %add3A_44 = vector.broadcast %add3A_43 : i32 to vector<16xi32>
    %add3A_45 = arith.addi %add3A_44, %iota3A : vector<16xi32>
    %and3A_46 = arith.constant 7 : i32
    %and3A_47 = vector.broadcast %and3A_46 : i32 to vector<16xi32>
    %and3A_48 = arith.andi %add3A_45, %and3A_47 : vector<16xi32>
    %rem3A = arith.constant 0 : i32
    %rem3A_49 = arith.constant 8 : i32
    %rem3A_50 = arith.remsi %rem3A, %rem3A_49 : i32
    %dma_start3A = arith.constant 0 : i32
    %dma_start3A_51 = arith.constant 0 : i32
    %dma_start3A_52 = tpu.memref_slice %arg6[%dma_start3A, %rem3A_50, %dma_start3A_51] : memref<25x8x128xi32, #tpu.memory_space<vmem>> -> memref<1x1x128xi32, #tpu.memory_space<vmem>>
    %dma_start3A_53 = tpu.memref_squeeze %dma_start3A_52 : memref<1x1x128xi32, #tpu.memory_space<vmem>> -> memref<128xi32, #tpu.memory_space<vmem>>
    %dma_start3A_54 = arith.constant 0 : i32
    %dma_start3A_55 = arith.constant 0 : i32
    %dma_start3A_56 = tpu.memref_slice %arg4[%dma_start3A_54, %dma_start3A_55] : memref<200000x64xf32, #tpu.memory_space<hbm>> -> memref<200000x64xf32, #tpu.memory_space<hbm>>
    tpu.enqueue_indirect_dma source(%dma_start3A_56 : memref<200000x64xf32, #tpu.memory_space<hbm>>) target(%arg8 : memref<128x64xf32, #tpu.memory_space<vmem>>) offsets(%dma_start3A_53 : memref<128xi32, #tpu.memory_space<vmem>>) semaphore(%arg18 : memref<!tpu.dma_semaphore, #tpu.memory_space<semaphore_mem>>)
    %rem3A_57 = arith.constant 1 : i32
    %rem3A_58 = arith.constant 8 : i32
    %rem3A_59 = arith.remsi %rem3A_57, %rem3A_58 : i32
    %dma_start3A_60 = arith.constant 0 : i32
    %dma_start3A_61 = arith.constant 0 : i32
    %dma_start3A_62 = tpu.memref_slice %arg6[%dma_start3A_60, %rem3A_59, %dma_start3A_61] : memref<25x8x128xi32, #tpu.memory_space<vmem>> -> memref<1x1x128xi32, #tpu.memory_space<vmem>>
    %dma_start3A_63 = tpu.memref_squeeze %dma_start3A_62 : memref<1x1x128xi32, #tpu.memory_space<vmem>> -> memref<128xi32, #tpu.memory_space<vmem>>
    %dma_start3A_64 = arith.constant 0 : i32
    %dma_start3A_65 = arith.constant 0 : i32
    %dma_start3A_66 = tpu.memref_slice %arg4[%dma_start3A_64, %dma_start3A_65] : memref<200000x64xf32, #tpu.memory_space<hbm>> -> memref<200000x64xf32, #tpu.memory_space<hbm>>
    tpu.enqueue_indirect_dma source(%dma_start3A_66 : memref<200000x64xf32, #tpu.memory_space<hbm>>) target(%arg9 : memref<128x64xf32, #tpu.memory_space<vmem>>) offsets(%dma_start3A_63 : memref<128xi32, #tpu.memory_space<vmem>>) semaphore(%arg19 : memref<!tpu.dma_semaphore, #tpu.memory_space<semaphore_mem>>)
    %rem3A_67 = arith.constant 2 : i32
    %rem3A_68 = arith.constant 8 : i32
    %rem3A_69 = arith.remsi %rem3A_67, %rem3A_68 : i32
    %dma_start3A_70 = arith.constant 0 : i32
    %dma_start3A_71 = arith.constant 0 : i32
    %dma_start3A_72 = tpu.memref_slice %arg6[%dma_start3A_70, %rem3A_69, %dma_start3A_71] : memref<25x8x128xi32, #tpu.memory_space<vmem>> -> memref<1x1x128xi32, #tpu.memory_space<vmem>>
    %dma_start3A_73 = tpu.memref_squeeze %dma_start3A_72 : memref<1x1x128xi32, #tpu.memory_space<vmem>> -> memref<128xi32, #tpu.memory_space<vmem>>
    %dma_start3A_74 = arith.constant 0 : i32
    %dma_start3A_75 = arith.constant 0 : i32
    %dma_start3A_76 = tpu.memref_slice %arg4[%dma_start3A_74, %dma_start3A_75] : memref<200000x64xf32, #tpu.memory_space<hbm>> -> memref<200000x64xf32, #tpu.memory_space<hbm>>
    tpu.enqueue_indirect_dma source(%dma_start3A_76 : memref<200000x64xf32, #tpu.memory_space<hbm>>) target(%arg10 : memref<128x64xf32, #tpu.memory_space<vmem>>) offsets(%dma_start3A_73 : memref<128xi32, #tpu.memory_space<vmem>>) semaphore(%arg20 : memref<!tpu.dma_semaphore, #tpu.memory_space<semaphore_mem>>)
    %rem3A_77 = arith.constant 3 : i32
    %rem3A_78 = arith.constant 8 : i32
    %rem3A_79 = arith.remsi %rem3A_77, %rem3A_78 : i32
    %dma_start3A_80 = arith.constant 0 : i32
    %dma_start3A_81 = arith.constant 0 : i32
    %dma_start3A_82 = tpu.memref_slice %arg6[%dma_start3A_80, %rem3A_79, %dma_start3A_81] : memref<25x8x128xi32, #tpu.memory_space<vmem>> -> memref<1x1x128xi32, #tpu.memory_space<vmem>>
    %dma_start3A_83 = tpu.memref_squeeze %dma_start3A_82 : memref<1x1x128xi32, #tpu.memory_space<vmem>> -> memref<128xi32, #tpu.memory_space<vmem>>
    %dma_start3A_84 = arith.constant 0 : i32
    %dma_start3A_85 = arith.constant 0 : i32
    %dma_start3A_86 = tpu.memref_slice %arg4[%dma_start3A_84, %dma_start3A_85] : memref<200000x64xf32, #tpu.memory_space<hbm>> -> memref<200000x64xf32, #tpu.memory_space<hbm>>
    tpu.enqueue_indirect_dma source(%dma_start3A_86 : memref<200000x64xf32, #tpu.memory_space<hbm>>) target(%arg11 : memref<128x64xf32, #tpu.memory_space<vmem>>) offsets(%dma_start3A_83 : memref<128xi32, #tpu.memory_space<vmem>>) semaphore(%arg21 : memref<!tpu.dma_semaphore, #tpu.memory_space<semaphore_mem>>)
    %scan3A = arith.constant 0 : i32
    %scan3A_87 = arith.constant 0 : i32
    %scan3A_88 = arith.constant 40 : i32
    %scan3A_89 = arith.addi %scan3A_87, %scan3A_88 : i32
    %scan3A_90 = arith.constant 1 : i32
    scf.for %scan3A_186 = %scan3A_87 to %scan3A_89 step %scan3A_90  : i32 {
      %mul3A_187 = arith.constant 5 : i32
      %mul3A_188 = arith.muli %scan3A_186, %mul3A_187 : i32
      %add3A_189 = arith.constant 0 : i32
      %add3A_190 = arith.addi %mul3A_188, %add3A_189 : i32
      %dma_wait3A_191 = arith.constant 0 : i32
      %dma_wait3A_192 = arith.constant 0 : i32
      %dma_wait3A_193 = arith.constant 0 : i32
      %dma_wait3A_194 = tpu.memref_slice %arg6[%dma_wait3A_191, %dma_wait3A_192, %dma_wait3A_193] : memref<25x8x128xi32, #tpu.memory_space<vmem>> -> memref<1x1x128xi32, #tpu.memory_space<vmem>>
      %dma_wait3A_195 = tpu.memref_squeeze %dma_wait3A_194 : memref<1x1x128xi32, #tpu.memory_space<vmem>> -> memref<128xi32, #tpu.memory_space<vmem>>
      %dma_wait3A_196 = arith.constant 0 : i32
      %dma_wait3A_197 = arith.constant 0 : i32
      %dma_wait3A_198 = tpu.memref_slice %arg4[%dma_wait3A_196, %dma_wait3A_197] : memref<200000x64xf32, #tpu.memory_space<hbm>> -> memref<200000x64xf32, #tpu.memory_space<hbm>>
      tpu.wait_indirect_dma semaphore(%arg18 : memref<!tpu.dma_semaphore, #tpu.memory_space<semaphore_mem>>) src(%dma_wait3A_198 : memref<200000x64xf32, #tpu.memory_space<hbm>>) dst(%arg8 : memref<128x64xf32, #tpu.memory_space<vmem>>)
      %add3A_199 = arith.constant 4 : i32
      %add3A_200 = arith.addi %add3A_190, %add3A_199 : i32
      %jit3A = arith.constant 8 : i32
      %div3A = arith.divsi %add3A_200, %jit3A : i32
      %sign3A = arith.constant 0 : i32
      %sign3A_201 = arith.cmpi sgt, %add3A_200, %sign3A : i32
      %sign3A_202 = arith.extui %sign3A_201 : i1 to i32
      %sign3A_203 = arith.constant 0 : i32
      %sign3A_204 = arith.cmpi slt, %add3A_200, %sign3A_203 : i32
      %sign3A_205 = arith.extui %sign3A_204 : i1 to i32
      %sign3A_206 = arith.subi %sign3A_202, %sign3A_205 : i32
      %sign3A_207 = arith.constant 0 : i32
      %sign3A_208 = arith.cmpi sgt, %jit3A, %sign3A_207 : i32
      %sign3A_209 = arith.extui %sign3A_208 : i1 to i32
      %sign3A_210 = arith.constant 0 : i32
      %sign3A_211 = arith.cmpi slt, %jit3A, %sign3A_210 : i32
      %sign3A_212 = arith.extui %sign3A_211 : i1 to i32
      %sign3A_213 = arith.subi %sign3A_209, %sign3A_212 : i32
      %ne3A = arith.cmpi ne, %sign3A_206, %sign3A_213 : i32
      %rem3A_214 = arith.remsi %add3A_200, %jit3A : i32
      %ne3A_215 = arith.constant 0 : i32
      %ne3A_216 = arith.cmpi ne, %rem3A_214, %ne3A_215 : i32
      %and3A_217 = arith.andi %ne3A, %ne3A_216 : i1
      %sub3A = arith.constant 1 : i32
      %sub3A_218 = arith.subi %div3A, %sub3A : i32
      %select_n3A = arith.select %and3A_217, %sub3A_218, %div3A : i32
      %rem3A_219 = arith.constant 8 : i32
      %rem3A_220 = arith.remsi %add3A_200, %rem3A_219 : i32
      %dma_start3A_221 = arith.constant 0 : i32
      %dma_start3A_222 = tpu.memref_slice %arg6[%select_n3A, %rem3A_220, %dma_start3A_221] : memref<25x8x128xi32, #tpu.memory_space<vmem>> -> memref<1x1x128xi32, #tpu.memory_space<vmem>>
      %dma_start3A_223 = tpu.memref_squeeze %dma_start3A_222 : memref<1x1x128xi32, #tpu.memory_space<vmem>> -> memref<128xi32, #tpu.memory_space<vmem>>
      %dma_start3A_224 = arith.constant 0 : i32
      %dma_start3A_225 = arith.constant 0 : i32
      %dma_start3A_226 = tpu.memref_slice %arg4[%dma_start3A_224, %dma_start3A_225] : memref<200000x64xf32, #tpu.memory_space<hbm>> -> memref<200000x64xf32, #tpu.memory_space<hbm>>
      tpu.enqueue_indirect_dma source(%dma_start3A_226 : memref<200000x64xf32, #tpu.memory_space<hbm>>) target(%arg12 : memref<128x64xf32, #tpu.memory_space<vmem>>) offsets(%dma_start3A_223 : memref<128xi32, #tpu.memory_space<vmem>>) semaphore(%arg22 : memref<!tpu.dma_semaphore, #tpu.memory_space<semaphore_mem>>)
      %ge3A = arith.constant 1 : i32
      %ge3A_227 = arith.cmpi sge, %scan3A_186, %ge3A : i32
      %convert_element_type3A = arith.extui %ge3A_227 : i1 to i32
      %cond3A = arith.constant 0 : i32
      %cond3A_228 = arith.cmpi ne, %convert_element_type3A, %cond3A : i32
      scf.if %cond3A_228 {
        %sub3A_472 = arith.constant 5 : i32
        %sub3A_473 = arith.subi %add3A_190, %sub3A_472 : i32
        %dma_wait3A_474 = arith.constant 0 : i32
        %dma_wait3A_475 = arith.constant 0 : i32
        %dma_wait3A_476 = arith.constant 0 : i32
        %dma_wait3A_477 = tpu.memref_slice %arg13[%dma_wait3A_474, %dma_wait3A_475, %dma_wait3A_476] : memref<8x8x129xf32, #tpu.memory_space<vmem>> -> memref<8x8x128xf32, #tpu.memory_space<vmem>>
        %dma_wait3A_478 = arith.constant 0 : i32
        %dma_wait3A_479 = arith.constant 0 : i32
        %dma_wait3A_480 = arith.constant 0 : i32
        %dma_wait3A_481 = tpu.memref_slice %arg5[%sub3A_473, %dma_wait3A_478, %add3A, %dma_wait3A_479, %dma_wait3A_480] : memref<200x8x32x8x128xf32, #tpu.memory_space<hbm>> -> memref<1x8x1x8x128xf32, #tpu.memory_space<hbm>>
        %dma_wait3A_482 = tpu.memref_squeeze %dma_wait3A_481 : memref<1x8x1x8x128xf32, #tpu.memory_space<hbm>> -> memref<8x8x128xf32, #tpu.memory_space<hbm>>
        %dma_wait3A_483 = arith.constant 0 : i32
        %dma_wait3A_484 = arith.constant 0 : i32
        %dma_wait3A_485 = arith.constant 0 : i32
        %dma_wait3A_486 = tpu.memref_slice %arg5[%sub3A_473, %dma_wait3A_483, %add3A, %dma_wait3A_484, %dma_wait3A_485] : memref<200x8x32x8x128xf32, #tpu.memory_space<hbm>> -> memref<1x8x1x8x128xf32, #tpu.memory_space<hbm>>
        %dma_wait3A_487 = tpu.memref_squeeze %dma_wait3A_486 : memref<1x8x1x8x128xf32, #tpu.memory_space<hbm>> -> memref<8x8x128xf32, #tpu.memory_space<hbm>>
        %dma_wait3A_488 = arith.constant 0 : i32
        %dma_wait3A_489 = arith.constant 0 : i32
        %dma_wait3A_490 = arith.constant 0 : i32
        %dma_wait3A_491 = tpu.memref_slice %arg13[%dma_wait3A_488, %dma_wait3A_489, %dma_wait3A_490] : memref<8x8x129xf32, #tpu.memory_space<vmem>> -> memref<8x8x128xf32, #tpu.memory_space<vmem>>
        tpu.wait_dma2 semaphore(%arg23 : memref<!tpu.dma_semaphore, #tpu.memory_space<semaphore_mem>>) src(%dma_wait3A_491 : memref<8x8x128xf32, #tpu.memory_space<vmem>>) dst(%dma_wait3A_487 : memref<8x8x128xf32, #tpu.memory_space<hbm>>)
      } else {
      }
      %get3A = arith.index_cast %add3A_190 : i32 to index
      %get3A_229 = arith.constant 0 : index
      %get3A_230 = tpu.vector_load %arg7[%get3A, %get3A_229] {strides = array<i32>} : memref<200x64xf32, #tpu.memory_space<vmem>>, vector<16xf32>,
      %get3A_231 = arith.index_cast %add3A_190 : i32 to index
      %get3A_232 = arith.constant 16 : index
      %get3A_233 = tpu.vector_load %arg7[%get3A_231, %get3A_232] {strides = array<i32>} : memref<200x64xf32, #tpu.memory_space<vmem>>, vector<16xf32>,
      %get3A_234 = arith.index_cast %add3A_190 : i32 to index
      %get3A_235 = arith.constant 32 : index
      %get3A_236 = tpu.vector_load %arg7[%get3A_234, %get3A_235] {strides = array<i32>} : memref<200x64xf32, #tpu.memory_space<vmem>>, vector<16xf32>,
      %get3A_237 = arith.index_cast %add3A_190 : i32 to index
      %get3A_238 = arith.constant 48 : index
      %get3A_239 = tpu.vector_load %arg7[%get3A_237, %get3A_238] {strides = array<i32>} : memref<200x64xf32, #tpu.memory_space<vmem>>, vector<16xf32>,
      %parallel_loop3A_240 = arith.constant 0 : i32
      %parallel_loop3A_241 = arith.constant 128 : i32
      %parallel_loop3A_242 = arith.constant 1 : i32
      scf.for %parallel_loop3A_472 = %parallel_loop3A_240 to %parallel_loop3A_241 step %parallel_loop3A_242  : i32 {
        %parallel_loop3A_473 = vector.broadcast %parallel_loop3A_472 : i32 to vector<16xi32>
        %parallel_loop3A_474 = arith.index_cast %parallel_loop3A_472 : i32 to index
        %parallel_loop3A_475 = arith.constant 0 : index
        %parallel_loop3A_476 = tpu.vector_load %arg8[%parallel_loop3A_474, %parallel_loop3A_475] {strides = array<i32>} : memref<128x64xf32, #tpu.memory_space<vmem>>, vector<16xf32>,
        %parallel_loop3A_477 = arith.constant 8.000000e+00 : f32
        %parallel_loop3A_478 = vector.broadcast %parallel_loop3A_477 : f32 to vector<16xf32>
        %parallel_loop3A_479 = arith.mulf %parallel_loop3A_476, %parallel_loop3A_478 : vector<16xf32>
        %parallel_loop3A_480 = arith.addf %parallel_loop3A_479, %get3A_230 : vector<16xf32>
        tpu.vector_store_idx %arg13[%shift_right_logical3A_7, %and3A_30, %parallel_loop3A_473], %parallel_loop3A_480 : memref<8x8x129xf32, #tpu.memory_space<vmem>>[vector<16xi32>, vector<16xi32>, vector<16xi32>], vector<16xf32>,
        %parallel_loop3A_481 = arith.index_cast %parallel_loop3A_472 : i32 to index
        %parallel_loop3A_482 = arith.constant 16 : index
        %parallel_loop3A_483 = tpu.vector_load %arg8[%parallel_loop3A_481, %parallel_loop3A_482] {strides = array<i32>} : memref<128x64xf32, #tpu.memory_space<vmem>>, vector<16xf32>,
        %parallel_loop3A_484 = arith.constant 8.000000e+00 : f32
        %parallel_loop3A_485 = vector.broadcast %parallel_loop3A_484 : f32 to vector<16xf32>
        %parallel_loop3A_486 = arith.mulf %parallel_loop3A_483, %parallel_loop3A_485 : vector<16xf32>
        %parallel_loop3A_487 = arith.addf %parallel_loop3A_486, %get3A_233 : vector<16xf32>
        tpu.vector_store_idx %arg13[%shift_right_logical3A_13, %and3A_36, %parallel_loop3A_473], %parallel_loop3A_487 : memref<8x8x129xf32, #tpu.memory_space<vmem>>[vector<16xi32>, vector<16xi32>, vector<16xi32>], vector<16xf32>,
        %parallel_loop3A_488 = arith.index_cast %parallel_loop3A_472 : i32 to index
        %parallel_loop3A_489 = arith.constant 32 : index
        %parallel_loop3A_490 = tpu.vector_load %arg8[%parallel_loop3A_488, %parallel_loop3A_489] {strides = array<i32>} : memref<128x64xf32, #tpu.memory_space<vmem>>, vector<16xf32>,
        %parallel_loop3A_491 = arith.constant 8.000000e+00 : f32
        %parallel_loop3A_492 = vector.broadcast %parallel_loop3A_491 : f32 to vector<16xf32>
        %parallel_loop3A_493 = arith.mulf %parallel_loop3A_490, %parallel_loop3A_492 : vector<16xf32>
        %parallel_loop3A_494 = arith.addf %parallel_loop3A_493, %get3A_236 : vector<16xf32>
        tpu.vector_store_idx %arg13[%shift_right_logical3A_19, %and3A_42, %parallel_loop3A_473], %parallel_loop3A_494 : memref<8x8x129xf32, #tpu.memory_space<vmem>>[vector<16xi32>, vector<16xi32>, vector<16xi32>], vector<16xf32>,
        %parallel_loop3A_495 = arith.index_cast %parallel_loop3A_472 : i32 to index
        %parallel_loop3A_496 = arith.constant 48 : index
        %parallel_loop3A_497 = tpu.vector_load %arg8[%parallel_loop3A_495, %parallel_loop3A_496] {strides = array<i32>} : memref<128x64xf32, #tpu.memory_space<vmem>>, vector<16xf32>,
        %parallel_loop3A_498 = arith.constant 8.000000e+00 : f32
        %parallel_loop3A_499 = vector.broadcast %parallel_loop3A_498 : f32 to vector<16xf32>
        %parallel_loop3A_500 = arith.mulf %parallel_loop3A_497, %parallel_loop3A_499 : vector<16xf32>
        %parallel_loop3A_501 = arith.addf %parallel_loop3A_500, %get3A_239 : vector<16xf32>
        tpu.vector_store_idx %arg13[%shift_right_logical3A_25, %and3A_48, %parallel_loop3A_473], %parallel_loop3A_501 : memref<8x8x129xf32, #tpu.memory_space<vmem>>[vector<16xi32>, vector<16xi32>, vector<16xi32>], vector<16xf32>,
      } {sc.loop_unroll_factor = 4 : i64, sc.parallel_access}
      %dma_start3A_243 = arith.constant 0 : i32
      %dma_start3A_244 = arith.constant 0 : i32
      %dma_start3A_245 = arith.constant 0 : i32
      %dma_start3A_246 = tpu.memref_slice %arg13[%dma_start3A_243, %dma_start3A_244, %dma_start3A_245] : memref<8x8x129xf32, #tpu.memory_space<vmem>> -> memref<8x8x128xf32, #tpu.memory_space<vmem>>
      %dma_start3A_247 = arith.constant 0 : i32
      %dma_start3A_248 = arith.constant 0 : i32
      %dma_start3A_249 = arith.constant 0 : i32
      %dma_start3A_250 = tpu.memref_slice %arg5[%add3A_190, %dma_start3A_247, %add3A, %dma_start3A_248, %dma_start3A_249] : memref<200x8x32x8x128xf32, #tpu.memory_space<hbm>> -> memref<1x8x1x8x128xf32, #tpu.memory_space<hbm>>
      %dma_start3A_251 = tpu.memref_squeeze %dma_start3A_250 : memref<1x8x1x8x128xf32, #tpu.memory_space<hbm>> -> memref<8x8x128xf32, #tpu.memory_space<hbm>>
      %dma_start3A_252 = arith.constant 0 : i32
      %dma_start3A_253 = arith.constant 0 : i32
      %dma_start3A_254 = arith.constant 0 : i32
      %dma_start3A_255 = tpu.memref_slice %arg5[%add3A_190, %dma_start3A_252, %add3A, %dma_start3A_253, %dma_start3A_254] : memref<200x8x32x8x128xf32, #tpu.memory_space<hbm>> -> memref<1x8x1x8x128xf32, #tpu.memory_space<hbm>>
      %dma_start3A_256 = tpu.memref_squeeze %dma_start3A_255 : memref<1x8x1x8x128xf32, #tpu.memory_space<hbm>> -> memref<8x8x128xf32, #tpu.memory_space<hbm>>
      %dma_start3A_257 = arith.constant 0 : i32
      %dma_start3A_258 = arith.constant 0 : i32
      %dma_start3A_259 = arith.constant 0 : i32
      %dma_start3A_260 = tpu.memref_slice %arg13[%dma_start3A_257, %dma_start3A_258, %dma_start3A_259] : memref<8x8x129xf32, #tpu.memory_space<vmem>> -> memref<8x8x128xf32, #tpu.memory_space<vmem>>
      tpu.enqueue_dma source(%dma_start3A_260 : memref<8x8x128xf32, #tpu.memory_space<vmem>>) target(%dma_start3A_256 : memref<8x8x128xf32, #tpu.memory_space<hbm>>) target_semaphore(%arg23 : memref<!tpu.dma_semaphore, #tpu.memory_space<semaphore_mem>>)
      %add3A_261 = arith.constant 1 : i32
      %add3A_262 = arith.addi %mul3A_188, %add3A_261 : i32
      %dma_wait3A_263 = arith.constant 0 : i32
      %dma_wait3A_264 = arith.constant 0 : i32
      %dma_wait3A_265 = arith.constant 0 : i32
      %dma_wait3A_266 = tpu.memref_slice %arg6[%dma_wait3A_263, %dma_wait3A_264, %dma_wait3A_265] : memref<25x8x128xi32, #tpu.memory_space<vmem>> -> memref<1x1x128xi32, #tpu.memory_space<vmem>>
      %dma_wait3A_267 = tpu.memref_squeeze %dma_wait3A_266 : memref<1x1x128xi32, #tpu.memory_space<vmem>> -> memref<128xi32, #tpu.memory_space<vmem>>
      %dma_wait3A_268 = arith.constant 0 : i32
      %dma_wait3A_269 = arith.constant 0 : i32
      %dma_wait3A_270 = tpu.memref_slice %arg4[%dma_wait3A_268, %dma_wait3A_269] : memref<200000x64xf32, #tpu.memory_space<hbm>> -> memref<200000x64xf32, #tpu.memory_space<hbm>>
      tpu.wait_indirect_dma semaphore(%arg19 : memref<!tpu.dma_semaphore, #tpu.memory_space<semaphore_mem>>) src(%dma_wait3A_270 : memref<200000x64xf32, #tpu.memory_space<hbm>>) dst(%arg9 : memref<128x64xf32, #tpu.memory_space<vmem>>)
      %lt3A = arith.constant 39 : i32
      %lt3A_271 = arith.cmpi slt, %scan3A_186, %lt3A : i32
      %convert_element_type3A_272 = arith.extui %lt3A_271 : i1 to i32
      %cond3A_273 = arith.constant 0 : i32
      %cond3A_274 = arith.cmpi ne, %convert_element_type3A_272, %cond3A_273 : i32
      scf.if %cond3A_274 {
        %add3A_472 = arith.constant 4 : i32
        %add3A_473 = arith.addi %add3A_262, %add3A_472 : i32
        %jit3A_474 = arith.constant 8 : i32
        %div3A_475 = arith.divsi %add3A_473, %jit3A_474 : i32
        %sign3A_476 = arith.constant 0 : i32
        %sign3A_477 = arith.cmpi sgt, %add3A_473, %sign3A_476 : i32
        %sign3A_478 = arith.extui %sign3A_477 : i1 to i32
        %sign3A_479 = arith.constant 0 : i32
        %sign3A_480 = arith.cmpi slt, %add3A_473, %sign3A_479 : i32
        %sign3A_481 = arith.extui %sign3A_480 : i1 to i32
        %sign3A_482 = arith.subi %sign3A_478, %sign3A_481 : i32
        %sign3A_483 = arith.constant 0 : i32
        %sign3A_484 = arith.cmpi sgt, %jit3A_474, %sign3A_483 : i32
        %sign3A_485 = arith.extui %sign3A_484 : i1 to i32
        %sign3A_486 = arith.constant 0 : i32
        %sign3A_487 = arith.cmpi slt, %jit3A_474, %sign3A_486 : i32
        %sign3A_488 = arith.extui %sign3A_487 : i1 to i32
        %sign3A_489 = arith.subi %sign3A_485, %sign3A_488 : i32
        %ne3A_490 = arith.cmpi ne, %sign3A_482, %sign3A_489 : i32
        %rem3A_491 = arith.remsi %add3A_473, %jit3A_474 : i32
        %ne3A_492 = arith.constant 0 : i32
        %ne3A_493 = arith.cmpi ne, %rem3A_491, %ne3A_492 : i32
        %and3A_494 = arith.andi %ne3A_490, %ne3A_493 : i1
        %sub3A_495 = arith.constant 1 : i32
        %sub3A_496 = arith.subi %div3A_475, %sub3A_495 : i32
        %select_n3A_497 = arith.select %and3A_494, %sub3A_496, %div3A_475 : i32
        %rem3A_498 = arith.constant 8 : i32
        %rem3A_499 = arith.remsi %add3A_473, %rem3A_498 : i32
        %dma_start3A_500 = arith.constant 0 : i32
        %dma_start3A_501 = tpu.memref_slice %arg6[%select_n3A_497, %rem3A_499, %dma_start3A_500] : memref<25x8x128xi32, #tpu.memory_space<vmem>> -> memref<1x1x128xi32, #tpu.memory_space<vmem>>
        %dma_start3A_502 = tpu.memref_squeeze %dma_start3A_501 : memref<1x1x128xi32, #tpu.memory_space<vmem>> -> memref<128xi32, #tpu.memory_space<vmem>>
        %dma_start3A_503 = arith.constant 0 : i32
        %dma_start3A_504 = arith.constant 0 : i32
        %dma_start3A_505 = tpu.memref_slice %arg4[%dma_start3A_503, %dma_start3A_504] : memref<200000x64xf32, #tpu.memory_space<hbm>> -> memref<200000x64xf32, #tpu.memory_space<hbm>>
        tpu.enqueue_indirect_dma source(%dma_start3A_505 : memref<200000x64xf32, #tpu.memory_space<hbm>>) target(%arg8 : memref<128x64xf32, #tpu.memory_space<vmem>>) offsets(%dma_start3A_502 : memref<128xi32, #tpu.memory_space<vmem>>) semaphore(%arg18 : memref<!tpu.dma_semaphore, #tpu.memory_space<semaphore_mem>>)
      } else {
      }
      %ge3A_275 = arith.constant 1 : i32
      %ge3A_276 = arith.cmpi sge, %scan3A_186, %ge3A_275 : i32
      %convert_element_type3A_277 = arith.extui %ge3A_276 : i1 to i32
      %cond3A_278 = arith.constant 0 : i32
      %cond3A_279 = arith.cmpi ne, %convert_element_type3A_277, %cond3A_278 : i32
      scf.if %cond3A_279 {
        %sub3A_472 = arith.constant 5 : i32
        %sub3A_473 = arith.subi %add3A_262, %sub3A_472 : i32
        %dma_wait3A_474 = arith.constant 0 : i32
        %dma_wait3A_475 = arith.constant 0 : i32
        %dma_wait3A_476 = arith.constant 0 : i32
        %dma_wait3A_477 = tpu.memref_slice %arg14[%dma_wait3A_474, %dma_wait3A_475, %dma_wait3A_476] : memref<8x8x129xf32, #tpu.memory_space<vmem>> -> memref<8x8x128xf32, #tpu.memory_space<vmem>>
        %dma_wait3A_478 = arith.constant 0 : i32
        %dma_wait3A_479 = arith.constant 0 : i32
        %dma_wait3A_480 = arith.constant 0 : i32
        %dma_wait3A_481 = tpu.memref_slice %arg5[%sub3A_473, %dma_wait3A_478, %add3A, %dma_wait3A_479, %dma_wait3A_480] : memref<200x8x32x8x128xf32, #tpu.memory_space<hbm>> -> memref<1x8x1x8x128xf32, #tpu.memory_space<hbm>>
        %dma_wait3A_482 = tpu.memref_squeeze %dma_wait3A_481 : memref<1x8x1x8x128xf32, #tpu.memory_space<hbm>> -> memref<8x8x128xf32, #tpu.memory_space<hbm>>
        %dma_wait3A_483 = arith.constant 0 : i32
        %dma_wait3A_484 = arith.constant 0 : i32
        %dma_wait3A_485 = arith.constant 0 : i32
        %dma_wait3A_486 = tpu.memref_slice %arg5[%sub3A_473, %dma_wait3A_483, %add3A, %dma_wait3A_484, %dma_wait3A_485] : memref<200x8x32x8x128xf32, #tpu.memory_space<hbm>> -> memref<1x8x1x8x128xf32, #tpu.memory_space<hbm>>
        %dma_wait3A_487 = tpu.memref_squeeze %dma_wait3A_486 : memref<1x8x1x8x128xf32, #tpu.memory_space<hbm>> -> memref<8x8x128xf32, #tpu.memory_space<hbm>>
        %dma_wait3A_488 = arith.constant 0 : i32
        %dma_wait3A_489 = arith.constant 0 : i32
        %dma_wait3A_490 = arith.constant 0 : i32
        %dma_wait3A_491 = tpu.memref_slice %arg14[%dma_wait3A_488, %dma_wait3A_489, %dma_wait3A_490] : memref<8x8x129xf32, #tpu.memory_space<vmem>> -> memref<8x8x128xf32, #tpu.memory_space<vmem>>
        tpu.wait_dma2 semaphore(%arg24 : memref<!tpu.dma_semaphore, #tpu.memory_space<semaphore_mem>>) src(%dma_wait3A_491 : memref<8x8x128xf32, #tpu.memory_space<vmem>>) dst(%dma_wait3A_487 : memref<8x8x128xf32, #tpu.memory_space<hbm>>)
      } else {
      }
      %get3A_280 = arith.index_cast %add3A_262 : i32 to index
      %get3A_281 = arith.constant 0 : index
      %get3A_282 = tpu.vector_load %arg7[%get3A_280, %get3A_281] {strides = array<i32>} : memref<200x64xf32, #tpu.memory_space<vmem>>, vector<16xf32>,
      %get3A_283 = arith.index_cast %add3A_262 : i32 to index
      %get3A_284 = arith.constant 16 : index
      %get3A_285 = tpu.vector_load %arg7[%get3A_283, %get3A_284] {strides = array<i32>} : memref<200x64xf32, #tpu.memory_space<vmem>>, vector<16xf32>,
      %get3A_286 = arith.index_cast %add3A_262 : i32 to index
      %get3A_287 = arith.constant 32 : index
      %get3A_288 = tpu.vector_load %arg7[%get3A_286, %get3A_287] {strides = array<i32>} : memref<200x64xf32, #tpu.memory_space<vmem>>, vector<16xf32>,
      %get3A_289 = arith.index_cast %add3A_262 : i32 to index
      %get3A_290 = arith.constant 48 : index
      %get3A_291 = tpu.vector_load %arg7[%get3A_289, %get3A_290] {strides = array<i32>} : memref<200x64xf32, #tpu.memory_space<vmem>>, vector<16xf32>,
      %parallel_loop3A_292 = arith.constant 0 : i32
      %parallel_loop3A_293 = arith.constant 128 : i32
      %parallel_loop3A_294 = arith.constant 1 : i32
      scf.for %parallel_loop3A_472 = %parallel_loop3A_292 to %parallel_loop3A_293 step %parallel_loop3A_294  : i32 {
        %parallel_loop3A_473 = vector.broadcast %parallel_loop3A_472 : i32 to vector<16xi32>
        %parallel_loop3A_474 = arith.index_cast %parallel_loop3A_472 : i32 to index
        %parallel_loop3A_475 = arith.constant 0 : index
        %parallel_loop3A_476 = tpu.vector_load %arg9[%parallel_loop3A_474, %parallel_loop3A_475] {strides = array<i32>} : memref<128x64xf32, #tpu.memory_space<vmem>>, vector<16xf32>,
        %parallel_loop3A_477 = arith.constant 8.000000e+00 : f32
        %parallel_loop3A_478 = vector.broadcast %parallel_loop3A_477 : f32 to vector<16xf32>
        %parallel_loop3A_479 = arith.mulf %parallel_loop3A_476, %parallel_loop3A_478 : vector<16xf32>
        %parallel_loop3A_480 = arith.addf %parallel_loop3A_479, %get3A_282 : vector<16xf32>
        tpu.vector_store_idx %arg14[%shift_right_logical3A_7, %and3A_30, %parallel_loop3A_473], %parallel_loop3A_480 : memref<8x8x129xf32, #tpu.memory_space<vmem>>[vector<16xi32>, vector<16xi32>, vector<16xi32>], vector<16xf32>,
        %parallel_loop3A_481 = arith.index_cast %parallel_loop3A_472 : i32 to index
        %parallel_loop3A_482 = arith.constant 16 : index
        %parallel_loop3A_483 = tpu.vector_load %arg9[%parallel_loop3A_481, %parallel_loop3A_482] {strides = array<i32>} : memref<128x64xf32, #tpu.memory_space<vmem>>, vector<16xf32>,
        %parallel_loop3A_484 = arith.constant 8.000000e+00 : f32
        %parallel_loop3A_485 = vector.broadcast %parallel_loop3A_484 : f32 to vector<16xf32>
        %parallel_loop3A_486 = arith.mulf %parallel_loop3A_483, %parallel_loop3A_485 : vector<16xf32>
        %parallel_loop3A_487 = arith.addf %parallel_loop3A_486, %get3A_285 : vector<16xf32>
        tpu.vector_store_idx %arg14[%shift_right_logical3A_13, %and3A_36, %parallel_loop3A_473], %parallel_loop3A_487 : memref<8x8x129xf32, #tpu.memory_space<vmem>>[vector<16xi32>, vector<16xi32>, vector<16xi32>], vector<16xf32>,
        %parallel_loop3A_488 = arith.index_cast %parallel_loop3A_472 : i32 to index
        %parallel_loop3A_489 = arith.constant 32 : index
        %parallel_loop3A_490 = tpu.vector_load %arg9[%parallel_loop3A_488, %parallel_loop3A_489] {strides = array<i32>} : memref<128x64xf32, #tpu.memory_space<vmem>>, vector<16xf32>,
        %parallel_loop3A_491 = arith.constant 8.000000e+00 : f32
        %parallel_loop3A_492 = vector.broadcast %parallel_loop3A_491 : f32 to vector<16xf32>
        %parallel_loop3A_493 = arith.mulf %parallel_loop3A_490, %parallel_loop3A_492 : vector<16xf32>
        %parallel_loop3A_494 = arith.addf %parallel_loop3A_493, %get3A_288 : vector<16xf32>
        tpu.vector_store_idx %arg14[%shift_right_logical3A_19, %and3A_42, %parallel_loop3A_473], %parallel_loop3A_494 : memref<8x8x129xf32, #tpu.memory_space<vmem>>[vector<16xi32>, vector<16xi32>, vector<16xi32>], vector<16xf32>,
        %parallel_loop3A_495 = arith.index_cast %parallel_loop3A_472 : i32 to index
        %parallel_loop3A_496 = arith.constant 48 : index
        %parallel_loop3A_497 = tpu.vector_load %arg9[%parallel_loop3A_495, %parallel_loop3A_496] {strides = array<i32>} : memref<128x64xf32, #tpu.memory_space<vmem>>, vector<16xf32>,
        %parallel_loop3A_498 = arith.constant 8.000000e+00 : f32
        %parallel_loop3A_499 = vector.broadcast %parallel_loop3A_498 : f32 to vector<16xf32>
        %parallel_loop3A_500 = arith.mulf %parallel_loop3A_497, %parallel_loop3A_499 : vector<16xf32>
        %parallel_loop3A_501 = arith.addf %parallel_loop3A_500, %get3A_291 : vector<16xf32>
        tpu.vector_store_idx %arg14[%shift_right_logical3A_25, %and3A_48, %parallel_loop3A_473], %parallel_loop3A_501 : memref<8x8x129xf32, #tpu.memory_space<vmem>>[vector<16xi32>, vector<16xi32>, vector<16xi32>], vector<16xf32>,
      } {sc.loop_unroll_factor = 4 : i64, sc.parallel_access}
      %dma_start3A_295 = arith.constant 0 : i32
      %dma_start3A_296 = arith.constant 0 : i32
      %dma_start3A_297 = arith.constant 0 : i32
      %dma_start3A_298 = tpu.memref_slice %arg14[%dma_start3A_295, %dma_start3A_296, %dma_start3A_297] : memref<8x8x129xf32, #tpu.memory_space<vmem>> -> memref<8x8x128xf32, #tpu.memory_space<vmem>>
      %dma_start3A_299 = arith.constant 0 : i32
      %dma_start3A_300 = arith.constant 0 : i32
      %dma_start3A_301 = arith.constant 0 : i32
      %dma_start3A_302 = tpu.memref_slice %arg5[%add3A_262, %dma_start3A_299, %add3A, %dma_start3A_300, %dma_start3A_301] : memref<200x8x32x8x128xf32, #tpu.memory_space<hbm>> -> memref<1x8x1x8x128xf32, #tpu.memory_space<hbm>>
      %dma_start3A_303 = tpu.memref_squeeze %dma_start3A_302 : memref<1x8x1x8x128xf32, #tpu.memory_space<hbm>> -> memref<8x8x128xf32, #tpu.memory_space<hbm>>
      %dma_start3A_304 = arith.constant 0 : i32
      %dma_start3A_305 = arith.constant 0 : i32
      %dma_start3A_306 = arith.constant 0 : i32
      %dma_start3A_307 = tpu.memref_slice %arg5[%add3A_262, %dma_start3A_304, %add3A, %dma_start3A_305, %dma_start3A_306] : memref<200x8x32x8x128xf32, #tpu.memory_space<hbm>> -> memref<1x8x1x8x128xf32, #tpu.memory_space<hbm>>
      %dma_start3A_308 = tpu.memref_squeeze %dma_start3A_307 : memref<1x8x1x8x128xf32, #tpu.memory_space<hbm>> -> memref<8x8x128xf32, #tpu.memory_space<hbm>>
      %dma_start3A_309 = arith.constant 0 : i32
      %dma_start3A_310 = arith.constant 0 : i32
      %dma_start3A_311 = arith.constant 0 : i32
      %dma_start3A_312 = tpu.memref_slice %arg14[%dma_start3A_309, %dma_start3A_310, %dma_start3A_311] : memref<8x8x129xf32, #tpu.memory_space<vmem>> -> memref<8x8x128xf32, #tpu.memory_space<vmem>>
      tpu.enqueue_dma source(%dma_start3A_312 : memref<8x8x128xf32, #tpu.memory_space<vmem>>) target(%dma_start3A_308 : memref<8x8x128xf32, #tpu.memory_space<hbm>>) target_semaphore(%arg24 : memref<!tpu.dma_semaphore, #tpu.memory_space<semaphore_mem>>)
      %add3A_313 = arith.constant 2 : i32
      %add3A_314 = arith.addi %mul3A_188, %add3A_313 : i32
      %dma_wait3A_315 = arith.constant 0 : i32
      %dma_wait3A_316 = arith.constant 0 : i32
      %dma_wait3A_317 = arith.constant 0 : i32
      %dma_wait3A_318 = tpu.memref_slice %arg6[%dma_wait3A_315, %dma_wait3A_316, %dma_wait3A_317] : memref<25x8x128xi32, #tpu.memory_space<vmem>> -> memref<1x1x128xi32, #tpu.memory_space<vmem>>
      %dma_wait3A_319 = tpu.memref_squeeze %dma_wait3A_318 : memref<1x1x128xi32, #tpu.memory_space<vmem>> -> memref<128xi32, #tpu.memory_space<vmem>>
      %dma_wait3A_320 = arith.constant 0 : i32
      %dma_wait3A_321 = arith.constant 0 : i32
      %dma_wait3A_322 = tpu.memref_slice %arg4[%dma_wait3A_320, %dma_wait3A_321] : memref<200000x64xf32, #tpu.memory_space<hbm>> -> memref<200000x64xf32, #tpu.memory_space<hbm>>
      tpu.wait_indirect_dma semaphore(%arg20 : memref<!tpu.dma_semaphore, #tpu.memory_space<semaphore_mem>>) src(%dma_wait3A_322 : memref<200000x64xf32, #tpu.memory_space<hbm>>) dst(%arg10 : memref<128x64xf32, #tpu.memory_space<vmem>>)
      %lt3A_323 = arith.constant 39 : i32
      %lt3A_324 = arith.cmpi slt, %scan3A_186, %lt3A_323 : i32
      %convert_element_type3A_325 = arith.extui %lt3A_324 : i1 to i32
      %cond3A_326 = arith.constant 0 : i32
      %cond3A_327 = arith.cmpi ne, %convert_element_type3A_325, %cond3A_326 : i32
      scf.if %cond3A_327 {
        %add3A_472 = arith.constant 4 : i32
        %add3A_473 = arith.addi %add3A_314, %add3A_472 : i32
        %jit3A_474 = arith.constant 8 : i32
        %div3A_475 = arith.divsi %add3A_473, %jit3A_474 : i32
        %sign3A_476 = arith.constant 0 : i32
        %sign3A_477 = arith.cmpi sgt, %add3A_473, %sign3A_476 : i32
        %sign3A_478 = arith.extui %sign3A_477 : i1 to i32
        %sign3A_479 = arith.constant 0 : i32
        %sign3A_480 = arith.cmpi slt, %add3A_473, %sign3A_479 : i32
        %sign3A_481 = arith.extui %sign3A_480 : i1 to i32
        %sign3A_482 = arith.subi %sign3A_478, %sign3A_481 : i32
        %sign3A_483 = arith.constant 0 : i32
        %sign3A_484 = arith.cmpi sgt, %jit3A_474, %sign3A_483 : i32
        %sign3A_485 = arith.extui %sign3A_484 : i1 to i32
        %sign3A_486 = arith.constant 0 : i32
        %sign3A_487 = arith.cmpi slt, %jit3A_474, %sign3A_486 : i32
        %sign3A_488 = arith.extui %sign3A_487 : i1 to i32
        %sign3A_489 = arith.subi %sign3A_485, %sign3A_488 : i32
        %ne3A_490 = arith.cmpi ne, %sign3A_482, %sign3A_489 : i32
        %rem3A_491 = arith.remsi %add3A_473, %jit3A_474 : i32
        %ne3A_492 = arith.constant 0 : i32
        %ne3A_493 = arith.cmpi ne, %rem3A_491, %ne3A_492 : i32
        %and3A_494 = arith.andi %ne3A_490, %ne3A_493 : i1
        %sub3A_495 = arith.constant 1 : i32
        %sub3A_496 = arith.subi %div3A_475, %sub3A_495 : i32
        %select_n3A_497 = arith.select %and3A_494, %sub3A_496, %div3A_475 : i32
        %rem3A_498 = arith.constant 8 : i32
        %rem3A_499 = arith.remsi %add3A_473, %rem3A_498 : i32
        %dma_start3A_500 = arith.constant 0 : i32
        %dma_start3A_501 = tpu.memref_slice %arg6[%select_n3A_497, %rem3A_499, %dma_start3A_500] : memref<25x8x128xi32, #tpu.memory_space<vmem>> -> memref<1x1x128xi32, #tpu.memory_space<vmem>>
        %dma_start3A_502 = tpu.memref_squeeze %dma_start3A_501 : memref<1x1x128xi32, #tpu.memory_space<vmem>> -> memref<128xi32, #tpu.memory_space<vmem>>
        %dma_start3A_503 = arith.constant 0 : i32
        %dma_start3A_504 = arith.constant 0 : i32
        %dma_start3A_505 = tpu.memref_slice %arg4[%dma_start3A_503, %dma_start3A_504] : memref<200000x64xf32, #tpu.memory_space<hbm>> -> memref<200000x64xf32, #tpu.memory_space<hbm>>
        tpu.enqueue_indirect_dma source(%dma_start3A_505 : memref<200000x64xf32, #tpu.memory_space<hbm>>) target(%arg9 : memref<128x64xf32, #tpu.memory_space<vmem>>) offsets(%dma_start3A_502 : memref<128xi32, #tpu.memory_space<vmem>>) semaphore(%arg19 : memref<!tpu.dma_semaphore, #tpu.memory_space<semaphore_mem>>)
      } else {
      }
      %ge3A_328 = arith.constant 1 : i32
      %ge3A_329 = arith.cmpi sge, %scan3A_186, %ge3A_328 : i32
      %convert_element_type3A_330 = arith.extui %ge3A_329 : i1 to i32
      %cond3A_331 = arith.constant 0 : i32
      %cond3A_332 = arith.cmpi ne, %convert_element_type3A_330, %cond3A_331 : i32
      scf.if %cond3A_332 {
        %sub3A_472 = arith.constant 5 : i32
        %sub3A_473 = arith.subi %add3A_314, %sub3A_472 : i32
        %dma_wait3A_474 = arith.constant 0 : i32
        %dma_wait3A_475 = arith.constant 0 : i32
        %dma_wait3A_476 = arith.constant 0 : i32
        %dma_wait3A_477 = tpu.memref_slice %arg15[%dma_wait3A_474, %dma_wait3A_475, %dma_wait3A_476] : memref<8x8x129xf32, #tpu.memory_space<vmem>> -> memref<8x8x128xf32, #tpu.memory_space<vmem>>
        %dma_wait3A_478 = arith.constant 0 : i32
        %dma_wait3A_479 = arith.constant 0 : i32
        %dma_wait3A_480 = arith.constant 0 : i32
        %dma_wait3A_481 = tpu.memref_slice %arg5[%sub3A_473, %dma_wait3A_478, %add3A, %dma_wait3A_479, %dma_wait3A_480] : memref<200x8x32x8x128xf32, #tpu.memory_space<hbm>> -> memref<1x8x1x8x128xf32, #tpu.memory_space<hbm>>
        %dma_wait3A_482 = tpu.memref_squeeze %dma_wait3A_481 : memref<1x8x1x8x128xf32, #tpu.memory_space<hbm>> -> memref<8x8x128xf32, #tpu.memory_space<hbm>>
        %dma_wait3A_483 = arith.constant 0 : i32
        %dma_wait3A_484 = arith.constant 0 : i32
        %dma_wait3A_485 = arith.constant 0 : i32
        %dma_wait3A_486 = tpu.memref_slice %arg5[%sub3A_473, %dma_wait3A_483, %add3A, %dma_wait3A_484, %dma_wait3A_485] : memref<200x8x32x8x128xf32, #tpu.memory_space<hbm>> -> memref<1x8x1x8x128xf32, #tpu.memory_space<hbm>>
        %dma_wait3A_487 = tpu.memref_squeeze %dma_wait3A_486 : memref<1x8x1x8x128xf32, #tpu.memory_space<hbm>> -> memref<8x8x128xf32, #tpu.memory_space<hbm>>
        %dma_wait3A_488 = arith.constant 0 : i32
        %dma_wait3A_489 = arith.constant 0 : i32
        %dma_wait3A_490 = arith.constant 0 : i32
        %dma_wait3A_491 = tpu.memref_slice %arg15[%dma_wait3A_488, %dma_wait3A_489, %dma_wait3A_490] : memref<8x8x129xf32, #tpu.memory_space<vmem>> -> memref<8x8x128xf32, #tpu.memory_space<vmem>>
        tpu.wait_dma2 semaphore(%arg25 : memref<!tpu.dma_semaphore, #tpu.memory_space<semaphore_mem>>) src(%dma_wait3A_491 : memref<8x8x128xf32, #tpu.memory_space<vmem>>) dst(%dma_wait3A_487 : memref<8x8x128xf32, #tpu.memory_space<hbm>>)
      } else {
      }
      %get3A_333 = arith.index_cast %add3A_314 : i32 to index
      %get3A_334 = arith.constant 0 : index
      %get3A_335 = tpu.vector_load %arg7[%get3A_333, %get3A_334] {strides = array<i32>} : memref<200x64xf32, #tpu.memory_space<vmem>>, vector<16xf32>,
      %get3A_336 = arith.index_cast %add3A_314 : i32 to index
      %get3A_337 = arith.constant 16 : index
      %get3A_338 = tpu.vector_load %arg7[%get3A_336, %get3A_337] {strides = array<i32>} : memref<200x64xf32, #tpu.memory_space<vmem>>, vector<16xf32>,
      %get3A_339 = arith.index_cast %add3A_314 : i32 to index
      %get3A_340 = arith.constant 32 : index
      %get3A_341 = tpu.vector_load %arg7[%get3A_339, %get3A_340] {strides = array<i32>} : memref<200x64xf32, #tpu.memory_space<vmem>>, vector<16xf32>,
      %get3A_342 = arith.index_cast %add3A_314 : i32 to index
      %get3A_343 = arith.constant 48 : index
      %get3A_344 = tpu.vector_load %arg7[%get3A_342, %get3A_343] {strides = array<i32>} : memref<200x64xf32, #tpu.memory_space<vmem>>, vector<16xf32>,
      %parallel_loop3A_345 = arith.constant 0 : i32
      %parallel_loop3A_346 = arith.constant 128 : i32
      %parallel_loop3A_347 = arith.constant 1 : i32
      scf.for %parallel_loop3A_472 = %parallel_loop3A_345 to %parallel_loop3A_346 step %parallel_loop3A_347  : i32 {
        %parallel_loop3A_473 = vector.broadcast %parallel_loop3A_472 : i32 to vector<16xi32>
        %parallel_loop3A_474 = arith.index_cast %parallel_loop3A_472 : i32 to index
        %parallel_loop3A_475 = arith.constant 0 : index
        %parallel_loop3A_476 = tpu.vector_load %arg10[%parallel_loop3A_474, %parallel_loop3A_475] {strides = array<i32>} : memref<128x64xf32, #tpu.memory_space<vmem>>, vector<16xf32>,
        %parallel_loop3A_477 = arith.constant 8.000000e+00 : f32
        %parallel_loop3A_478 = vector.broadcast %parallel_loop3A_477 : f32 to vector<16xf32>
        %parallel_loop3A_479 = arith.mulf %parallel_loop3A_476, %parallel_loop3A_478 : vector<16xf32>
        %parallel_loop3A_480 = arith.addf %parallel_loop3A_479, %get3A_335 : vector<16xf32>
        tpu.vector_store_idx %arg15[%shift_right_logical3A_7, %and3A_30, %parallel_loop3A_473], %parallel_loop3A_480 : memref<8x8x129xf32, #tpu.memory_space<vmem>>[vector<16xi32>, vector<16xi32>, vector<16xi32>], vector<16xf32>,
        %parallel_loop3A_481 = arith.index_cast %parallel_loop3A_472 : i32 to index
        %parallel_loop3A_482 = arith.constant 16 : index
        %parallel_loop3A_483 = tpu.vector_load %arg10[%parallel_loop3A_481, %parallel_loop3A_482] {strides = array<i32>} : memref<128x64xf32, #tpu.memory_space<vmem>>, vector<16xf32>,
        %parallel_loop3A_484 = arith.constant 8.000000e+00 : f32
        %parallel_loop3A_485 = vector.broadcast %parallel_loop3A_484 : f32 to vector<16xf32>
        %parallel_loop3A_486 = arith.mulf %parallel_loop3A_483, %parallel_loop3A_485 : vector<16xf32>
        %parallel_loop3A_487 = arith.addf %parallel_loop3A_486, %get3A_338 : vector<16xf32>
        tpu.vector_store_idx %arg15[%shift_right_logical3A_13, %and3A_36, %parallel_loop3A_473], %parallel_loop3A_487 : memref<8x8x129xf32, #tpu.memory_space<vmem>>[vector<16xi32>, vector<16xi32>, vector<16xi32>], vector<16xf32>,
        %parallel_loop3A_488 = arith.index_cast %parallel_loop3A_472 : i32 to index
        %parallel_loop3A_489 = arith.constant 32 : index
        %parallel_loop3A_490 = tpu.vector_load %arg10[%parallel_loop3A_488, %parallel_loop3A_489] {strides = array<i32>} : memref<128x64xf32, #tpu.memory_space<vmem>>, vector<16xf32>,
        %parallel_loop3A_491 = arith.constant 8.000000e+00 : f32
        %parallel_loop3A_492 = vector.broadcast %parallel_loop3A_491 : f32 to vector<16xf32>
        %parallel_loop3A_493 = arith.mulf %parallel_loop3A_490, %parallel_loop3A_492 : vector<16xf32>
        %parallel_loop3A_494 = arith.addf %parallel_loop3A_493, %get3A_341 : vector<16xf32>
        tpu.vector_store_idx %arg15[%shift_right_logical3A_19, %and3A_42, %parallel_loop3A_473], %parallel_loop3A_494 : memref<8x8x129xf32, #tpu.memory_space<vmem>>[vector<16xi32>, vector<16xi32>, vector<16xi32>], vector<16xf32>,
        %parallel_loop3A_495 = arith.index_cast %parallel_loop3A_472 : i32 to index
        %parallel_loop3A_496 = arith.constant 48 : index
        %parallel_loop3A_497 = tpu.vector_load %arg10[%parallel_loop3A_495, %parallel_loop3A_496] {strides = array<i32>} : memref<128x64xf32, #tpu.memory_space<vmem>>, vector<16xf32>,
        %parallel_loop3A_498 = arith.constant 8.000000e+00 : f32
        %parallel_loop3A_499 = vector.broadcast %parallel_loop3A_498 : f32 to vector<16xf32>
        %parallel_loop3A_500 = arith.mulf %parallel_loop3A_497, %parallel_loop3A_499 : vector<16xf32>
        %parallel_loop3A_501 = arith.addf %parallel_loop3A_500, %get3A_344 : vector<16xf32>
        tpu.vector_store_idx %arg15[%shift_right_logical3A_25, %and3A_48, %parallel_loop3A_473], %parallel_loop3A_501 : memref<8x8x129xf32, #tpu.memory_space<vmem>>[vector<16xi32>, vector<16xi32>, vector<16xi32>], vector<16xf32>,
      } {sc.loop_unroll_factor = 4 : i64, sc.parallel_access}
      %dma_start3A_348 = arith.constant 0 : i32
      %dma_start3A_349 = arith.constant 0 : i32
      %dma_start3A_350 = arith.constant 0 : i32
      %dma_start3A_351 = tpu.memref_slice %arg15[%dma_start3A_348, %dma_start3A_349, %dma_start3A_350] : memref<8x8x129xf32, #tpu.memory_space<vmem>> -> memref<8x8x128xf32, #tpu.memory_space<vmem>>
      %dma_start3A_352 = arith.constant 0 : i32
      %dma_start3A_353 = arith.constant 0 : i32
      %dma_start3A_354 = arith.constant 0 : i32
      %dma_start3A_355 = tpu.memref_slice %arg5[%add3A_314, %dma_start3A_352, %add3A, %dma_start3A_353, %dma_start3A_354] : memref<200x8x32x8x128xf32, #tpu.memory_space<hbm>> -> memref<1x8x1x8x128xf32, #tpu.memory_space<hbm>>
      %dma_start3A_356 = tpu.memref_squeeze %dma_start3A_355 : memref<1x8x1x8x128xf32, #tpu.memory_space<hbm>> -> memref<8x8x128xf32, #tpu.memory_space<hbm>>
      %dma_start3A_357 = arith.constant 0 : i32
      %dma_start3A_358 = arith.constant 0 : i32
      %dma_start3A_359 = arith.constant 0 : i32
      %dma_start3A_360 = tpu.memref_slice %arg5[%add3A_314, %dma_start3A_357, %add3A, %dma_start3A_358, %dma_start3A_359] : memref<200x8x32x8x128xf32, #tpu.memory_space<hbm>> -> memref<1x8x1x8x128xf32, #tpu.memory_space<hbm>>
      %dma_start3A_361 = tpu.memref_squeeze %dma_start3A_360 : memref<1x8x1x8x128xf32, #tpu.memory_space<hbm>> -> memref<8x8x128xf32, #tpu.memory_space<hbm>>
      %dma_start3A_362 = arith.constant 0 : i32
      %dma_start3A_363 = arith.constant 0 : i32
      %dma_start3A_364 = arith.constant 0 : i32
      %dma_start3A_365 = tpu.memref_slice %arg15[%dma_start3A_362, %dma_start3A_363, %dma_start3A_364] : memref<8x8x129xf32, #tpu.memory_space<vmem>> -> memref<8x8x128xf32, #tpu.memory_space<vmem>>
      tpu.enqueue_dma source(%dma_start3A_365 : memref<8x8x128xf32, #tpu.memory_space<vmem>>) target(%dma_start3A_361 : memref<8x8x128xf32, #tpu.memory_space<hbm>>) target_semaphore(%arg25 : memref<!tpu.dma_semaphore, #tpu.memory_space<semaphore_mem>>)
      %add3A_366 = arith.constant 3 : i32
      %add3A_367 = arith.addi %mul3A_188, %add3A_366 : i32
      %dma_wait3A_368 = arith.constant 0 : i32
      %dma_wait3A_369 = arith.constant 0 : i32
      %dma_wait3A_370 = arith.constant 0 : i32
      %dma_wait3A_371 = tpu.memref_slice %arg6[%dma_wait3A_368, %dma_wait3A_369, %dma_wait3A_370] : memref<25x8x128xi32, #tpu.memory_space<vmem>> -> memref<1x1x128xi32, #tpu.memory_space<vmem>>
      %dma_wait3A_372 = tpu.memref_squeeze %dma_wait3A_371 : memref<1x1x128xi32, #tpu.memory_space<vmem>> -> memref<128xi32, #tpu.memory_space<vmem>>
      %dma_wait3A_373 = arith.constant 0 : i32
      %dma_wait3A_374 = arith.constant 0 : i32
      %dma_wait3A_375 = tpu.memref_slice %arg4[%dma_wait3A_373, %dma_wait3A_374] : memref<200000x64xf32, #tpu.memory_space<hbm>> -> memref<200000x64xf32, #tpu.memory_space<hbm>>
      tpu.wait_indirect_dma semaphore(%arg21 : memref<!tpu.dma_semaphore, #tpu.memory_space<semaphore_mem>>) src(%dma_wait3A_375 : memref<200000x64xf32, #tpu.memory_space<hbm>>) dst(%arg11 : memref<128x64xf32, #tpu.memory_space<vmem>>)
      %lt3A_376 = arith.constant 39 : i32
      %lt3A_377 = arith.cmpi slt, %scan3A_186, %lt3A_376 : i32
      %convert_element_type3A_378 = arith.extui %lt3A_377 : i1 to i32
      %cond3A_379 = arith.constant 0 : i32
      %cond3A_380 = arith.cmpi ne, %convert_element_type3A_378, %cond3A_379 : i32
      scf.if %cond3A_380 {
        %add3A_472 = arith.constant 4 : i32
        %add3A_473 = arith.addi %add3A_367, %add3A_472 : i32
        %jit3A_474 = arith.constant 8 : i32
        %div3A_475 = arith.divsi %add3A_473, %jit3A_474 : i32
        %sign3A_476 = arith.constant 0 : i32
        %sign3A_477 = arith.cmpi sgt, %add3A_473, %sign3A_476 : i32
        %sign3A_478 = arith.extui %sign3A_477 : i1 to i32
        %sign3A_479 = arith.constant 0 : i32
        %sign3A_480 = arith.cmpi slt, %add3A_473, %sign3A_479 : i32
        %sign3A_481 = arith.extui %sign3A_480 : i1 to i32
        %sign3A_482 = arith.subi %sign3A_478, %sign3A_481 : i32
        %sign3A_483 = arith.constant 0 : i32
        %sign3A_484 = arith.cmpi sgt, %jit3A_474, %sign3A_483 : i32
        %sign3A_485 = arith.extui %sign3A_484 : i1 to i32
        %sign3A_486 = arith.constant 0 : i32
        %sign3A_487 = arith.cmpi slt, %jit3A_474, %sign3A_486 : i32
        %sign3A_488 = arith.extui %sign3A_487 : i1 to i32
        %sign3A_489 = arith.subi %sign3A_485, %sign3A_488 : i32
        %ne3A_490 = arith.cmpi ne, %sign3A_482, %sign3A_489 : i32
        %rem3A_491 = arith.remsi %add3A_473, %jit3A_474 : i32
        %ne3A_492 = arith.constant 0 : i32
        %ne3A_493 = arith.cmpi ne, %rem3A_491, %ne3A_492 : i32
        %and3A_494 = arith.andi %ne3A_490, %ne3A_493 : i1
        %sub3A_495 = arith.constant 1 : i32
        %sub3A_496 = arith.subi %div3A_475, %sub3A_495 : i32
        %select_n3A_497 = arith.select %and3A_494, %sub3A_496, %div3A_475 : i32
        %rem3A_498 = arith.constant 8 : i32
        %rem3A_499 = arith.remsi %add3A_473, %rem3A_498 : i32
        %dma_start3A_500 = arith.constant 0 : i32
        %dma_start3A_501 = tpu.memref_slice %arg6[%select_n3A_497, %rem3A_499, %dma_start3A_500] : memref<25x8x128xi32, #tpu.memory_space<vmem>> -> memref<1x1x128xi32, #tpu.memory_space<vmem>>
        %dma_start3A_502 = tpu.memref_squeeze %dma_start3A_501 : memref<1x1x128xi32, #tpu.memory_space<vmem>> -> memref<128xi32, #tpu.memory_space<vmem>>
        %dma_start3A_503 = arith.constant 0 : i32
        %dma_start3A_504 = arith.constant 0 : i32
        %dma_start3A_505 = tpu.memref_slice %arg4[%dma_start3A_503, %dma_start3A_504] : memref<200000x64xf32, #tpu.memory_space<hbm>> -> memref<200000x64xf32, #tpu.memory_space<hbm>>
        tpu.enqueue_indirect_dma source(%dma_start3A_505 : memref<200000x64xf32, #tpu.memory_space<hbm>>) target(%arg10 : memref<128x64xf32, #tpu.memory_space<vmem>>) offsets(%dma_start3A_502 : memref<128xi32, #tpu.memory_space<vmem>>) semaphore(%arg20 : memref<!tpu.dma_semaphore, #tpu.memory_space<semaphore_mem>>)
      } else {
      }
      %ge3A_381 = arith.constant 1 : i32
      %ge3A_382 = arith.cmpi sge, %scan3A_186, %ge3A_381 : i32
      %convert_element_type3A_383 = arith.extui %ge3A_382 : i1 to i32
      %cond3A_384 = arith.constant 0 : i32
      %cond3A_385 = arith.cmpi ne, %convert_element_type3A_383, %cond3A_384 : i32
      scf.if %cond3A_385 {
        %sub3A_472 = arith.constant 5 : i32
        %sub3A_473 = arith.subi %add3A_367, %sub3A_472 : i32
        %dma_wait3A_474 = arith.constant 0 : i32
        %dma_wait3A_475 = arith.constant 0 : i32
        %dma_wait3A_476 = arith.constant 0 : i32
        %dma_wait3A_477 = tpu.memref_slice %arg16[%dma_wait3A_474, %dma_wait3A_475, %dma_wait3A_476] : memref<8x8x129xf32, #tpu.memory_space<vmem>> -> memref<8x8x128xf32, #tpu.memory_space<vmem>>
        %dma_wait3A_478 = arith.constant 0 : i32
        %dma_wait3A_479 = arith.constant 0 : i32
        %dma_wait3A_480 = arith.constant 0 : i32
        %dma_wait3A_481 = tpu.memref_slice %arg5[%sub3A_473, %dma_wait3A_478, %add3A, %dma_wait3A_479, %dma_wait3A_480] : memref<200x8x32x8x128xf32, #tpu.memory_space<hbm>> -> memref<1x8x1x8x128xf32, #tpu.memory_space<hbm>>
        %dma_wait3A_482 = tpu.memref_squeeze %dma_wait3A_481 : memref<1x8x1x8x128xf32, #tpu.memory_space<hbm>> -> memref<8x8x128xf32, #tpu.memory_space<hbm>>
        %dma_wait3A_483 = arith.constant 0 : i32
        %dma_wait3A_484 = arith.constant 0 : i32
        %dma_wait3A_485 = arith.constant 0 : i32
        %dma_wait3A_486 = tpu.memref_slice %arg5[%sub3A_473, %dma_wait3A_483, %add3A, %dma_wait3A_484, %dma_wait3A_485] : memref<200x8x32x8x128xf32, #tpu.memory_space<hbm>> -> memref<1x8x1x8x128xf32, #tpu.memory_space<hbm>>
        %dma_wait3A_487 = tpu.memref_squeeze %dma_wait3A_486 : memref<1x8x1x8x128xf32, #tpu.memory_space<hbm>> -> memref<8x8x128xf32, #tpu.memory_space<hbm>>
        %dma_wait3A_488 = arith.constant 0 : i32
        %dma_wait3A_489 = arith.constant 0 : i32
        %dma_wait3A_490 = arith.constant 0 : i32
        %dma_wait3A_491 = tpu.memref_slice %arg16[%dma_wait3A_488, %dma_wait3A_489, %dma_wait3A_490] : memref<8x8x129xf32, #tpu.memory_space<vmem>> -> memref<8x8x128xf32, #tpu.memory_space<vmem>>
        tpu.wait_dma2 semaphore(%arg26 : memref<!tpu.dma_semaphore, #tpu.memory_space<semaphore_mem>>) src(%dma_wait3A_491 : memref<8x8x128xf32, #tpu.memory_space<vmem>>) dst(%dma_wait3A_487 : memref<8x8x128xf32, #tpu.memory_space<hbm>>)
      } else {
      }
      %get3A_386 = arith.index_cast %add3A_367 : i32 to index
      %get3A_387 = arith.constant 0 : index
      %get3A_388 = tpu.vector_load %arg7[%get3A_386, %get3A_387] {strides = array<i32>} : memref<200x64xf32, #tpu.memory_space<vmem>>, vector<16xf32>,
      %get3A_389 = arith.index_cast %add3A_367 : i32 to index
      %get3A_390 = arith.constant 16 : index
      %get3A_391 = tpu.vector_load %arg7[%get3A_389, %get3A_390] {strides = array<i32>} : memref<200x64xf32, #tpu.memory_space<vmem>>, vector<16xf32>,
      %get3A_392 = arith.index_cast %add3A_367 : i32 to index
      %get3A_393 = arith.constant 32 : index
      %get3A_394 = tpu.vector_load %arg7[%get3A_392, %get3A_393] {strides = array<i32>} : memref<200x64xf32, #tpu.memory_space<vmem>>, vector<16xf32>,
      %get3A_395 = arith.index_cast %add3A_367 : i32 to index
      %get3A_396 = arith.constant 48 : index
      %get3A_397 = tpu.vector_load %arg7[%get3A_395, %get3A_396] {strides = array<i32>} : memref<200x64xf32, #tpu.memory_space<vmem>>, vector<16xf32>,
      %parallel_loop3A_398 = arith.constant 0 : i32
      %parallel_loop3A_399 = arith.constant 128 : i32
      %parallel_loop3A_400 = arith.constant 1 : i32
      scf.for %parallel_loop3A_472 = %parallel_loop3A_398 to %parallel_loop3A_399 step %parallel_loop3A_400  : i32 {
        %parallel_loop3A_473 = vector.broadcast %parallel_loop3A_472 : i32 to vector<16xi32>
        %parallel_loop3A_474 = arith.index_cast %parallel_loop3A_472 : i32 to index
        %parallel_loop3A_475 = arith.constant 0 : index
        %parallel_loop3A_476 = tpu.vector_load %arg11[%parallel_loop3A_474, %parallel_loop3A_475] {strides = array<i32>} : memref<128x64xf32, #tpu.memory_space<vmem>>, vector<16xf32>,
        %parallel_loop3A_477 = arith.constant 8.000000e+00 : f32
        %parallel_loop3A_478 = vector.broadcast %parallel_loop3A_477 : f32 to vector<16xf32>
        %parallel_loop3A_479 = arith.mulf %parallel_loop3A_476, %parallel_loop3A_478 : vector<16xf32>
        %parallel_loop3A_480 = arith.addf %parallel_loop3A_479, %get3A_388 : vector<16xf32>
        tpu.vector_store_idx %arg16[%shift_right_logical3A_7, %and3A_30, %parallel_loop3A_473], %parallel_loop3A_480 : memref<8x8x129xf32, #tpu.memory_space<vmem>>[vector<16xi32>, vector<16xi32>, vector<16xi32>], vector<16xf32>,
        %parallel_loop3A_481 = arith.index_cast %parallel_loop3A_472 : i32 to index
        %parallel_loop3A_482 = arith.constant 16 : index
        %parallel_loop3A_483 = tpu.vector_load %arg11[%parallel_loop3A_481, %parallel_loop3A_482] {strides = array<i32>} : memref<128x64xf32, #tpu.memory_space<vmem>>, vector<16xf32>,
        %parallel_loop3A_484 = arith.constant 8.000000e+00 : f32
        %parallel_loop3A_485 = vector.broadcast %parallel_loop3A_484 : f32 to vector<16xf32>
        %parallel_loop3A_486 = arith.mulf %parallel_loop3A_483, %parallel_loop3A_485 : vector<16xf32>
        %parallel_loop3A_487 = arith.addf %parallel_loop3A_486, %get3A_391 : vector<16xf32>
        tpu.vector_store_idx %arg16[%shift_right_logical3A_13, %and3A_36, %parallel_loop3A_473], %parallel_loop3A_487 : memref<8x8x129xf32, #tpu.memory_space<vmem>>[vector<16xi32>, vector<16xi32>, vector<16xi32>], vector<16xf32>,
        %parallel_loop3A_488 = arith.index_cast %parallel_loop3A_472 : i32 to index
        %parallel_loop3A_489 = arith.constant 32 : index
        %parallel_loop3A_490 = tpu.vector_load %arg11[%parallel_loop3A_488, %parallel_loop3A_489] {strides = array<i32>} : memref<128x64xf32, #tpu.memory_space<vmem>>, vector<16xf32>,
        %parallel_loop3A_491 = arith.constant 8.000000e+00 : f32
        %parallel_loop3A_492 = vector.broadcast %parallel_loop3A_491 : f32 to vector<16xf32>
        %parallel_loop3A_493 = arith.mulf %parallel_loop3A_490, %parallel_loop3A_492 : vector<16xf32>
        %parallel_loop3A_494 = arith.addf %parallel_loop3A_493, %get3A_394 : vector<16xf32>
        tpu.vector_store_idx %arg16[%shift_right_logical3A_19, %and3A_42, %parallel_loop3A_473], %parallel_loop3A_494 : memref<8x8x129xf32, #tpu.memory_space<vmem>>[vector<16xi32>, vector<16xi32>, vector<16xi32>], vector<16xf32>,
        %parallel_loop3A_495 = arith.index_cast %parallel_loop3A_472 : i32 to index
        %parallel_loop3A_496 = arith.constant 48 : index
        %parallel_loop3A_497 = tpu.vector_load %arg11[%parallel_loop3A_495, %parallel_loop3A_496] {strides = array<i32>} : memref<128x64xf32, #tpu.memory_space<vmem>>, vector<16xf32>,
        %parallel_loop3A_498 = arith.constant 8.000000e+00 : f32
        %parallel_loop3A_499 = vector.broadcast %parallel_loop3A_498 : f32 to vector<16xf32>
        %parallel_loop3A_500 = arith.mulf %parallel_loop3A_497, %parallel_loop3A_499 : vector<16xf32>
        %parallel_loop3A_501 = arith.addf %parallel_loop3A_500, %get3A_397 : vector<16xf32>
        tpu.vector_store_idx %arg16[%shift_right_logical3A_25, %and3A_48, %parallel_loop3A_473], %parallel_loop3A_501 : memref<8x8x129xf32, #tpu.memory_space<vmem>>[vector<16xi32>, vector<16xi32>, vector<16xi32>], vector<16xf32>,
      } {sc.loop_unroll_factor = 4 : i64, sc.parallel_access}
      %dma_start3A_401 = arith.constant 0 : i32
      %dma_start3A_402 = arith.constant 0 : i32
      %dma_start3A_403 = arith.constant 0 : i32
      %dma_start3A_404 = tpu.memref_slice %arg16[%dma_start3A_401, %dma_start3A_402, %dma_start3A_403] : memref<8x8x129xf32, #tpu.memory_space<vmem>> -> memref<8x8x128xf32, #tpu.memory_space<vmem>>
      %dma_start3A_405 = arith.constant 0 : i32
      %dma_start3A_406 = arith.constant 0 : i32
      %dma_start3A_407 = arith.constant 0 : i32
      %dma_start3A_408 = tpu.memref_slice %arg5[%add3A_367, %dma_start3A_405, %add3A, %dma_start3A_406, %dma_start3A_407] : memref<200x8x32x8x128xf32, #tpu.memory_space<hbm>> -> memref<1x8x1x8x128xf32, #tpu.memory_space<hbm>>
      %dma_start3A_409 = tpu.memref_squeeze %dma_start3A_408 : memref<1x8x1x8x128xf32, #tpu.memory_space<hbm>> -> memref<8x8x128xf32, #tpu.memory_space<hbm>>
      %dma_start3A_410 = arith.constant 0 : i32
      %dma_start3A_411 = arith.constant 0 : i32
      %dma_start3A_412 = arith.constant 0 : i32
      %dma_start3A_413 = tpu.memref_slice %arg5[%add3A_367, %dma_start3A_410, %add3A, %dma_start3A_411, %dma_start3A_412] : memref<200x8x32x8x128xf32, #tpu.memory_space<hbm>> -> memref<1x8x1x8x128xf32, #tpu.memory_space<hbm>>
      %dma_start3A_414 = tpu.memref_squeeze %dma_start3A_413 : memref<1x8x1x8x128xf32, #tpu.memory_space<hbm>> -> memref<8x8x128xf32, #tpu.memory_space<hbm>>
      %dma_start3A_415 = arith.constant 0 : i32
      %dma_start3A_416 = arith.constant 0 : i32
      %dma_start3A_417 = arith.constant 0 : i32
      %dma_start3A_418 = tpu.memref_slice %arg16[%dma_start3A_415, %dma_start3A_416, %dma_start3A_417] : memref<8x8x129xf32, #tpu.memory_space<vmem>> -> memref<8x8x128xf32, #tpu.memory_space<vmem>>
      tpu.enqueue_dma source(%dma_start3A_418 : memref<8x8x128xf32, #tpu.memory_space<vmem>>) target(%dma_start3A_414 : memref<8x8x128xf32, #tpu.memory_space<hbm>>) target_semaphore(%arg26 : memref<!tpu.dma_semaphore, #tpu.memory_space<semaphore_mem>>)
      %add3A_419 = arith.constant 4 : i32
      %add3A_420 = arith.addi %mul3A_188, %add3A_419 : i32
      %dma_wait3A_421 = arith.constant 0 : i32
      %dma_wait3A_422 = arith.constant 0 : i32
      %dma_wait3A_423 = arith.constant 0 : i32
      %dma_wait3A_424 = tpu.memref_slice %arg6[%dma_wait3A_421, %dma_wait3A_422, %dma_wait3A_423] : memref<25x8x128xi32, #tpu.memory_space<vmem>> -> memref<1x1x128xi32, #tpu.memory_space<vmem>>
      %dma_wait3A_425 = tpu.memref_squeeze %dma_wait3A_424 : memref<1x1x128xi32, #tpu.memory_space<vmem>> -> memref<128xi32, #tpu.memory_space<vmem>>
      %dma_wait3A_426 = arith.constant 0 : i32
      %dma_wait3A_427 = arith.constant 0 : i32
      %dma_wait3A_428 = tpu.memref_slice %arg4[%dma_wait3A_426, %dma_wait3A_427] : memref<200000x64xf32, #tpu.memory_space<hbm>> -> memref<200000x64xf32, #tpu.memory_space<hbm>>
      tpu.wait_indirect_dma semaphore(%arg22 : memref<!tpu.dma_semaphore, #tpu.memory_space<semaphore_mem>>) src(%dma_wait3A_428 : memref<200000x64xf32, #tpu.memory_space<hbm>>) dst(%arg12 : memref<128x64xf32, #tpu.memory_space<vmem>>)
      %lt3A_429 = arith.constant 39 : i32
      %lt3A_430 = arith.cmpi slt, %scan3A_186, %lt3A_429 : i32
      %convert_element_type3A_431 = arith.extui %lt3A_430 : i1 to i32
      %cond3A_432 = arith.constant 0 : i32
      %cond3A_433 = arith.cmpi ne, %convert_element_type3A_431, %cond3A_432 : i32
      scf.if %cond3A_433 {
        %add3A_472 = arith.constant 4 : i32
        %add3A_473 = arith.addi %add3A_420, %add3A_472 : i32
        %jit3A_474 = arith.constant 8 : i32
        %div3A_475 = arith.divsi %add3A_473, %jit3A_474 : i32
        %sign3A_476 = arith.constant 0 : i32
        %sign3A_477 = arith.cmpi sgt, %add3A_473, %sign3A_476 : i32
        %sign3A_478 = arith.extui %sign3A_477 : i1 to i32
        %sign3A_479 = arith.constant 0 : i32
        %sign3A_480 = arith.cmpi slt, %add3A_473, %sign3A_479 : i32
        %sign3A_481 = arith.extui %sign3A_480 : i1 to i32
        %sign3A_482 = arith.subi %sign3A_478, %sign3A_481 : i32
        %sign3A_483 = arith.constant 0 : i32
        %sign3A_484 = arith.cmpi sgt, %jit3A_474, %sign3A_483 : i32
        %sign3A_485 = arith.extui %sign3A_484 : i1 to i32
        %sign3A_486 = arith.constant 0 : i32
        %sign3A_487 = arith.cmpi slt, %jit3A_474, %sign3A_486 : i32
        %sign3A_488 = arith.extui %sign3A_487 : i1 to i32
        %sign3A_489 = arith.subi %sign3A_485, %sign3A_488 : i32
        %ne3A_490 = arith.cmpi ne, %sign3A_482, %sign3A_489 : i32
        %rem3A_491 = arith.remsi %add3A_473, %jit3A_474 : i32
        %ne3A_492 = arith.constant 0 : i32
        %ne3A_493 = arith.cmpi ne, %rem3A_491, %ne3A_492 : i32
        %and3A_494 = arith.andi %ne3A_490, %ne3A_493 : i1
        %sub3A_495 = arith.constant 1 : i32
        %sub3A_496 = arith.subi %div3A_475, %sub3A_495 : i32
        %select_n3A_497 = arith.select %and3A_494, %sub3A_496, %div3A_475 : i32
        %rem3A_498 = arith.constant 8 : i32
        %rem3A_499 = arith.remsi %add3A_473, %rem3A_498 : i32
        %dma_start3A_500 = arith.constant 0 : i32
        %dma_start3A_501 = tpu.memref_slice %arg6[%select_n3A_497, %rem3A_499, %dma_start3A_500] : memref<25x8x128xi32, #tpu.memory_space<vmem>> -> memref<1x1x128xi32, #tpu.memory_space<vmem>>
        %dma_start3A_502 = tpu.memref_squeeze %dma_start3A_501 : memref<1x1x128xi32, #tpu.memory_space<vmem>> -> memref<128xi32, #tpu.memory_space<vmem>>
        %dma_start3A_503 = arith.constant 0 : i32
        %dma_start3A_504 = arith.constant 0 : i32
        %dma_start3A_505 = tpu.memref_slice %arg4[%dma_start3A_503, %dma_start3A_504] : memref<200000x64xf32, #tpu.memory_space<hbm>> -> memref<200000x64xf32, #tpu.memory_space<hbm>>
        tpu.enqueue_indirect_dma source(%dma_start3A_505 : memref<200000x64xf32, #tpu.memory_space<hbm>>) target(%arg11 : memref<128x64xf32, #tpu.memory_space<vmem>>) offsets(%dma_start3A_502 : memref<128xi32, #tpu.memory_space<vmem>>) semaphore(%arg21 : memref<!tpu.dma_semaphore, #tpu.memory_space<semaphore_mem>>)
      } else {
      }
      %ge3A_434 = arith.constant 1 : i32
      %ge3A_435 = arith.cmpi sge, %scan3A_186, %ge3A_434 : i32
      %convert_element_type3A_436 = arith.extui %ge3A_435 : i1 to i32
      %cond3A_437 = arith.constant 0 : i32
      %cond3A_438 = arith.cmpi ne, %convert_element_type3A_436, %cond3A_437 : i32
      scf.if %cond3A_438 {
        %sub3A_472 = arith.constant 5 : i32
        %sub3A_473 = arith.subi %add3A_420, %sub3A_472 : i32
        %dma_wait3A_474 = arith.constant 0 : i32
        %dma_wait3A_475 = arith.constant 0 : i32
        %dma_wait3A_476 = arith.constant 0 : i32
        %dma_wait3A_477 = tpu.memref_slice %arg17[%dma_wait3A_474, %dma_wait3A_475, %dma_wait3A_476] : memref<8x8x129xf32, #tpu.memory_space<vmem>> -> memref<8x8x128xf32, #tpu.memory_space<vmem>>
        %dma_wait3A_478 = arith.constant 0 : i32
        %dma_wait3A_479 = arith.constant 0 : i32
        %dma_wait3A_480 = arith.constant 0 : i32
        %dma_wait3A_481 = tpu.memref_slice %arg5[%sub3A_473, %dma_wait3A_478, %add3A, %dma_wait3A_479, %dma_wait3A_480] : memref<200x8x32x8x128xf32, #tpu.memory_space<hbm>> -> memref<1x8x1x8x128xf32, #tpu.memory_space<hbm>>
        %dma_wait3A_482 = tpu.memref_squeeze %dma_wait3A_481 : memref<1x8x1x8x128xf32, #tpu.memory_space<hbm>> -> memref<8x8x128xf32, #tpu.memory_space<hbm>>
        %dma_wait3A_483 = arith.constant 0 : i32
        %dma_wait3A_484 = arith.constant 0 : i32
        %dma_wait3A_485 = arith.constant 0 : i32
        %dma_wait3A_486 = tpu.memref_slice %arg5[%sub3A_473, %dma_wait3A_483, %add3A, %dma_wait3A_484, %dma_wait3A_485] : memref<200x8x32x8x128xf32, #tpu.memory_space<hbm>> -> memref<1x8x1x8x128xf32, #tpu.memory_space<hbm>>
        %dma_wait3A_487 = tpu.memref_squeeze %dma_wait3A_486 : memref<1x8x1x8x128xf32, #tpu.memory_space<hbm>> -> memref<8x8x128xf32, #tpu.memory_space<hbm>>
        %dma_wait3A_488 = arith.constant 0 : i32
        %dma_wait3A_489 = arith.constant 0 : i32
        %dma_wait3A_490 = arith.constant 0 : i32
        %dma_wait3A_491 = tpu.memref_slice %arg17[%dma_wait3A_488, %dma_wait3A_489, %dma_wait3A_490] : memref<8x8x129xf32, #tpu.memory_space<vmem>> -> memref<8x8x128xf32, #tpu.memory_space<vmem>>
        tpu.wait_dma2 semaphore(%arg27 : memref<!tpu.dma_semaphore, #tpu.memory_space<semaphore_mem>>) src(%dma_wait3A_491 : memref<8x8x128xf32, #tpu.memory_space<vmem>>) dst(%dma_wait3A_487 : memref<8x8x128xf32, #tpu.memory_space<hbm>>)
      } else {
      }
      %get3A_439 = arith.index_cast %add3A_420 : i32 to index
      %get3A_440 = arith.constant 0 : index
      %get3A_441 = tpu.vector_load %arg7[%get3A_439, %get3A_440] {strides = array<i32>} : memref<200x64xf32, #tpu.memory_space<vmem>>, vector<16xf32>,
      %get3A_442 = arith.index_cast %add3A_420 : i32 to index
      %get3A_443 = arith.constant 16 : index
      %get3A_444 = tpu.vector_load %arg7[%get3A_442, %get3A_443] {strides = array<i32>} : memref<200x64xf32, #tpu.memory_space<vmem>>, vector<16xf32>,
      %get3A_445 = arith.index_cast %add3A_420 : i32 to index
      %get3A_446 = arith.constant 32 : index
      %get3A_447 = tpu.vector_load %arg7[%get3A_445, %get3A_446] {strides = array<i32>} : memref<200x64xf32, #tpu.memory_space<vmem>>, vector<16xf32>,
      %get3A_448 = arith.index_cast %add3A_420 : i32 to index
      %get3A_449 = arith.constant 48 : index
      %get3A_450 = tpu.vector_load %arg7[%get3A_448, %get3A_449] {strides = array<i32>} : memref<200x64xf32, #tpu.memory_space<vmem>>, vector<16xf32>,
      %parallel_loop3A_451 = arith.constant 0 : i32
      %parallel_loop3A_452 = arith.constant 128 : i32
      %parallel_loop3A_453 = arith.constant 1 : i32
      scf.for %parallel_loop3A_472 = %parallel_loop3A_451 to %parallel_loop3A_452 step %parallel_loop3A_453  : i32 {
        %parallel_loop3A_473 = vector.broadcast %parallel_loop3A_472 : i32 to vector<16xi32>
        %parallel_loop3A_474 = arith.index_cast %parallel_loop3A_472 : i32 to index
        %parallel_loop3A_475 = arith.constant 0 : index
        %parallel_loop3A_476 = tpu.vector_load %arg12[%parallel_loop3A_474, %parallel_loop3A_475] {strides = array<i32>} : memref<128x64xf32, #tpu.memory_space<vmem>>, vector<16xf32>,
        %parallel_loop3A_477 = arith.constant 8.000000e+00 : f32
        %parallel_loop3A_478 = vector.broadcast %parallel_loop3A_477 : f32 to vector<16xf32>
        %parallel_loop3A_479 = arith.mulf %parallel_loop3A_476, %parallel_loop3A_478 : vector<16xf32>
        %parallel_loop3A_480 = arith.addf %parallel_loop3A_479, %get3A_441 : vector<16xf32>
        tpu.vector_store_idx %arg17[%shift_right_logical3A_7, %and3A_30, %parallel_loop3A_473], %parallel_loop3A_480 : memref<8x8x129xf32, #tpu.memory_space<vmem>>[vector<16xi32>, vector<16xi32>, vector<16xi32>], vector<16xf32>,
        %parallel_loop3A_481 = arith.index_cast %parallel_loop3A_472 : i32 to index
        %parallel_loop3A_482 = arith.constant 16 : index
        %parallel_loop3A_483 = tpu.vector_load %arg12[%parallel_loop3A_481, %parallel_loop3A_482] {strides = array<i32>} : memref<128x64xf32, #tpu.memory_space<vmem>>, vector<16xf32>,
        %parallel_loop3A_484 = arith.constant 8.000000e+00 : f32
        %parallel_loop3A_485 = vector.broadcast %parallel_loop3A_484 : f32 to vector<16xf32>
        %parallel_loop3A_486 = arith.mulf %parallel_loop3A_483, %parallel_loop3A_485 : vector<16xf32>
        %parallel_loop3A_487 = arith.addf %parallel_loop3A_486, %get3A_444 : vector<16xf32>
        tpu.vector_store_idx %arg17[%shift_right_logical3A_13, %and3A_36, %parallel_loop3A_473], %parallel_loop3A_487 : memref<8x8x129xf32, #tpu.memory_space<vmem>>[vector<16xi32>, vector<16xi32>, vector<16xi32>], vector<16xf32>,
        %parallel_loop3A_488 = arith.index_cast %parallel_loop3A_472 : i32 to index
        %parallel_loop3A_489 = arith.constant 32 : index
        %parallel_loop3A_490 = tpu.vector_load %arg12[%parallel_loop3A_488, %parallel_loop3A_489] {strides = array<i32>} : memref<128x64xf32, #tpu.memory_space<vmem>>, vector<16xf32>,
        %parallel_loop3A_491 = arith.constant 8.000000e+00 : f32
        %parallel_loop3A_492 = vector.broadcast %parallel_loop3A_491 : f32 to vector<16xf32>
        %parallel_loop3A_493 = arith.mulf %parallel_loop3A_490, %parallel_loop3A_492 : vector<16xf32>
        %parallel_loop3A_494 = arith.addf %parallel_loop3A_493, %get3A_447 : vector<16xf32>
        tpu.vector_store_idx %arg17[%shift_right_logical3A_19, %and3A_42, %parallel_loop3A_473], %parallel_loop3A_494 : memref<8x8x129xf32, #tpu.memory_space<vmem>>[vector<16xi32>, vector<16xi32>, vector<16xi32>], vector<16xf32>,
        %parallel_loop3A_495 = arith.index_cast %parallel_loop3A_472 : i32 to index
        %parallel_loop3A_496 = arith.constant 48 : index
        %parallel_loop3A_497 = tpu.vector_load %arg12[%parallel_loop3A_495, %parallel_loop3A_496] {strides = array<i32>} : memref<128x64xf32, #tpu.memory_space<vmem>>, vector<16xf32>,
        %parallel_loop3A_498 = arith.constant 8.000000e+00 : f32
        %parallel_loop3A_499 = vector.broadcast %parallel_loop3A_498 : f32 to vector<16xf32>
        %parallel_loop3A_500 = arith.mulf %parallel_loop3A_497, %parallel_loop3A_499 : vector<16xf32>
        %parallel_loop3A_501 = arith.addf %parallel_loop3A_500, %get3A_450 : vector<16xf32>
        tpu.vector_store_idx %arg17[%shift_right_logical3A_25, %and3A_48, %parallel_loop3A_473], %parallel_loop3A_501 : memref<8x8x129xf32, #tpu.memory_space<vmem>>[vector<16xi32>, vector<16xi32>, vector<16xi32>], vector<16xf32>,
      } {sc.loop_unroll_factor = 4 : i64, sc.parallel_access}
      %dma_start3A_454 = arith.constant 0 : i32
      %dma_start3A_455 = arith.constant 0 : i32
      %dma_start3A_456 = arith.constant 0 : i32
      %dma_start3A_457 = tpu.memref_slice %arg17[%dma_start3A_454, %dma_start3A_455, %dma_start3A_456] : memref<8x8x129xf32, #tpu.memory_space<vmem>> -> memref<8x8x128xf32, #tpu.memory_space<vmem>>
      %dma_start3A_458 = arith.constant 0 : i32
      %dma_start3A_459 = arith.constant 0 : i32
      %dma_start3A_460 = arith.constant 0 : i32
      %dma_start3A_461 = tpu.memref_slice %arg5[%add3A_420, %dma_start3A_458, %add3A, %dma_start3A_459, %dma_start3A_460] : memref<200x8x32x8x128xf32, #tpu.memory_space<hbm>> -> memref<1x8x1x8x128xf32, #tpu.memory_space<hbm>>
      %dma_start3A_462 = tpu.memref_squeeze %dma_start3A_461 : memref<1x8x1x8x128xf32, #tpu.memory_space<hbm>> -> memref<8x8x128xf32, #tpu.memory_space<hbm>>
      %dma_start3A_463 = arith.constant 0 : i32
      %dma_start3A_464 = arith.constant 0 : i32
      %dma_start3A_465 = arith.constant 0 : i32
      %dma_start3A_466 = tpu.memref_slice %arg5[%add3A_420, %dma_start3A_463, %add3A, %dma_start3A_464, %dma_start3A_465] : memref<200x8x32x8x128xf32, #tpu.memory_space<hbm>> -> memref<1x8x1x8x128xf32, #tpu.memory_space<hbm>>
      %dma_start3A_467 = tpu.memref_squeeze %dma_start3A_466 : memref<1x8x1x8x128xf32, #tpu.memory_space<hbm>> -> memref<8x8x128xf32, #tpu.memory_space<hbm>>
      %dma_start3A_468 = arith.constant 0 : i32
      %dma_start3A_469 = arith.constant 0 : i32
      %dma_start3A_470 = arith.constant 0 : i32
      %dma_start3A_471 = tpu.memref_slice %arg17[%dma_start3A_468, %dma_start3A_469, %dma_start3A_470] : memref<8x8x129xf32, #tpu.memory_space<vmem>> -> memref<8x8x128xf32, #tpu.memory_space<vmem>>
      tpu.enqueue_dma source(%dma_start3A_471 : memref<8x8x128xf32, #tpu.memory_space<vmem>>) target(%dma_start3A_467 : memref<8x8x128xf32, #tpu.memory_space<hbm>>) target_semaphore(%arg27 : memref<!tpu.dma_semaphore, #tpu.memory_space<semaphore_mem>>)
    }
    %scan3A_91 = arith.constant 40 : i32
    %dma_wait3A = arith.constant 195 : i32
    %dma_wait3A_92 = arith.constant 0 : i32
    %dma_wait3A_93 = arith.constant 0 : i32
    %dma_wait3A_94 = arith.constant 0 : i32
    %dma_wait3A_95 = tpu.memref_slice %arg13[%dma_wait3A_92, %dma_wait3A_93, %dma_wait3A_94] : memref<8x8x129xf32, #tpu.memory_space<vmem>> -> memref<8x8x128xf32, #tpu.memory_space<vmem>>
    %dma_wait3A_96 = arith.constant 0 : i32
    %dma_wait3A_97 = arith.constant 0 : i32
    %dma_wait3A_98 = arith.constant 0 : i32
    %dma_wait3A_99 = tpu.memref_slice %arg5[%dma_wait3A, %dma_wait3A_96, %add3A, %dma_wait3A_97, %dma_wait3A_98] : memref<200x8x32x8x128xf32, #tpu.memory_space<hbm>> -> memref<1x8x1x8x128xf32, #tpu.memory_space<hbm>>
    %dma_wait3A_100 = tpu.memref_squeeze %dma_wait3A_99 : memref<1x8x1x8x128xf32, #tpu.memory_space<hbm>> -> memref<8x8x128xf32, #tpu.memory_space<hbm>>
    %dma_wait3A_101 = arith.constant 0 : i32
    %dma_wait3A_102 = arith.constant 0 : i32
    %dma_wait3A_103 = arith.constant 0 : i32
    %dma_wait3A_104 = tpu.memref_slice %arg5[%dma_wait3A, %dma_wait3A_101, %add3A, %dma_wait3A_102, %dma_wait3A_103] : memref<200x8x32x8x128xf32, #tpu.memory_space<hbm>> -> memref<1x8x1x8x128xf32, #tpu.memory_space<hbm>>
    %dma_wait3A_105 = tpu.memref_squeeze %dma_wait3A_104 : memref<1x8x1x8x128xf32, #tpu.memory_space<hbm>> -> memref<8x8x128xf32, #tpu.memory_space<hbm>>
    %dma_wait3A_106 = arith.constant 0 : i32
    %dma_wait3A_107 = arith.constant 0 : i32
    %dma_wait3A_108 = arith.constant 0 : i32
    %dma_wait3A_109 = tpu.memref_slice %arg13[%dma_wait3A_106, %dma_wait3A_107, %dma_wait3A_108] : memref<8x8x129xf32, #tpu.memory_space<vmem>> -> memref<8x8x128xf32, #tpu.memory_space<vmem>>
    tpu.wait_dma2 semaphore(%arg23 : memref<!tpu.dma_semaphore, #tpu.memory_space<semaphore_mem>>) src(%dma_wait3A_109 : memref<8x8x128xf32, #tpu.memory_space<vmem>>) dst(%dma_wait3A_105 : memref<8x8x128xf32, #tpu.memory_space<hbm>>)
    %dma_wait3A_110 = arith.constant 196 : i32
    %dma_wait3A_111 = arith.constant 0 : i32
    %dma_wait3A_112 = arith.constant 0 : i32
    %dma_wait3A_113 = arith.constant 0 : i32
    %dma_wait3A_114 = tpu.memref_slice %arg14[%dma_wait3A_111, %dma_wait3A_112, %dma_wait3A_113] : memref<8x8x129xf32, #tpu.memory_space<vmem>> -> memref<8x8x128xf32, #tpu.memory_space<vmem>>
    %dma_wait3A_115 = arith.constant 0 : i32
    %dma_wait3A_116 = arith.constant 0 : i32
    %dma_wait3A_117 = arith.constant 0 : i32
    %dma_wait3A_118 = tpu.memref_slice %arg5[%dma_wait3A_110, %dma_wait3A_115, %add3A, %dma_wait3A_116, %dma_wait3A_117] : memref<200x8x32x8x128xf32, #tpu.memory_space<hbm>> -> memref<1x8x1x8x128xf32, #tpu.memory_space<hbm>>
    %dma_wait3A_119 = tpu.memref_squeeze %dma_wait3A_118 : memref<1x8x1x8x128xf32, #tpu.memory_space<hbm>> -> memref<8x8x128xf32, #tpu.memory_space<hbm>>
    %dma_wait3A_120 = arith.constant 0 : i32
    %dma_wait3A_121 = arith.constant 0 : i32
    %dma_wait3A_122 = arith.constant 0 : i32
    %dma_wait3A_123 = tpu.memref_slice %arg5[%dma_wait3A_110, %dma_wait3A_120, %add3A, %dma_wait3A_121, %dma_wait3A_122] : memref<200x8x32x8x128xf32, #tpu.memory_space<hbm>> -> memref<1x8x1x8x128xf32, #tpu.memory_space<hbm>>
    %dma_wait3A_124 = tpu.memref_squeeze %dma_wait3A_123 : memref<1x8x1x8x128xf32, #tpu.memory_space<hbm>> -> memref<8x8x128xf32, #tpu.memory_space<hbm>>
    %dma_wait3A_125 = arith.constant 0 : i32
    %dma_wait3A_126 = arith.constant 0 : i32
    %dma_wait3A_127 = arith.constant 0 : i32
    %dma_wait3A_128 = tpu.memref_slice %arg14[%dma_wait3A_125, %dma_wait3A_126, %dma_wait3A_127] : memref<8x8x129xf32, #tpu.memory_space<vmem>> -> memref<8x8x128xf32, #tpu.memory_space<vmem>>
    tpu.wait_dma2 semaphore(%arg24 : memref<!tpu.dma_semaphore, #tpu.memory_space<semaphore_mem>>) src(%dma_wait3A_128 : memref<8x8x128xf32, #tpu.memory_space<vmem>>) dst(%dma_wait3A_124 : memref<8x8x128xf32, #tpu.memory_space<hbm>>)
    %dma_wait3A_129 = arith.constant 197 : i32
    %dma_wait3A_130 = arith.constant 0 : i32
    %dma_wait3A_131 = arith.constant 0 : i32
    %dma_wait3A_132 = arith.constant 0 : i32
    %dma_wait3A_133 = tpu.memref_slice %arg15[%dma_wait3A_130, %dma_wait3A_131, %dma_wait3A_132] : memref<8x8x129xf32, #tpu.memory_space<vmem>> -> memref<8x8x128xf32, #tpu.memory_space<vmem>>
    %dma_wait3A_134 = arith.constant 0 : i32
    %dma_wait3A_135 = arith.constant 0 : i32
    %dma_wait3A_136 = arith.constant 0 : i32
    %dma_wait3A_137 = tpu.memref_slice %arg5[%dma_wait3A_129, %dma_wait3A_134, %add3A, %dma_wait3A_135, %dma_wait3A_136] : memref<200x8x32x8x128xf32, #tpu.memory_space<hbm>> -> memref<1x8x1x8x128xf32, #tpu.memory_space<hbm>>
    %dma_wait3A_138 = tpu.memref_squeeze %dma_wait3A_137 : memref<1x8x1x8x128xf32, #tpu.memory_space<hbm>> -> memref<8x8x128xf32, #tpu.memory_space<hbm>>
    %dma_wait3A_139 = arith.constant 0 : i32
    %dma_wait3A_140 = arith.constant 0 : i32
    %dma_wait3A_141 = arith.constant 0 : i32
    %dma_wait3A_142 = tpu.memref_slice %arg5[%dma_wait3A_129, %dma_wait3A_139, %add3A, %dma_wait3A_140, %dma_wait3A_141] : memref<200x8x32x8x128xf32, #tpu.memory_space<hbm>> -> memref<1x8x1x8x128xf32, #tpu.memory_space<hbm>>
    %dma_wait3A_143 = tpu.memref_squeeze %dma_wait3A_142 : memref<1x8x1x8x128xf32, #tpu.memory_space<hbm>> -> memref<8x8x128xf32, #tpu.memory_space<hbm>>
    %dma_wait3A_144 = arith.constant 0 : i32
    %dma_wait3A_145 = arith.constant 0 : i32
    %dma_wait3A_146 = arith.constant 0 : i32
    %dma_wait3A_147 = tpu.memref_slice %arg15[%dma_wait3A_144, %dma_wait3A_145, %dma_wait3A_146] : memref<8x8x129xf32, #tpu.memory_space<vmem>> -> memref<8x8x128xf32, #tpu.memory_space<vmem>>
    tpu.wait_dma2 semaphore(%arg25 : memref<!tpu.dma_semaphore, #tpu.memory_space<semaphore_mem>>) src(%dma_wait3A_147 : memref<8x8x128xf32, #tpu.memory_space<vmem>>) dst(%dma_wait3A_143 : memref<8x8x128xf32, #tpu.memory_space<hbm>>)
    %dma_wait3A_148 = arith.constant 198 : i32
    %dma_wait3A_149 = arith.constant 0 : i32
    %dma_wait3A_150 = arith.constant 0 : i32
    %dma_wait3A_151 = arith.constant 0 : i32
    %dma_wait3A_152 = tpu.memref_slice %arg16[%dma_wait3A_149, %dma_wait3A_150, %dma_wait3A_151] : memref<8x8x129xf32, #tpu.memory_space<vmem>> -> memref<8x8x128xf32, #tpu.memory_space<vmem>>
    %dma_wait3A_153 = arith.constant 0 : i32
    %dma_wait3A_154 = arith.constant 0 : i32
    %dma_wait3A_155 = arith.constant 0 : i32
    %dma_wait3A_156 = tpu.memref_slice %arg5[%dma_wait3A_148, %dma_wait3A_153, %add3A, %dma_wait3A_154, %dma_wait3A_155] : memref<200x8x32x8x128xf32, #tpu.memory_space<hbm>> -> memref<1x8x1x8x128xf32, #tpu.memory_space<hbm>>
    %dma_wait3A_157 = tpu.memref_squeeze %dma_wait3A_156 : memref<1x8x1x8x128xf32, #tpu.memory_space<hbm>> -> memref<8x8x128xf32, #tpu.memory_space<hbm>>
    %dma_wait3A_158 = arith.constant 0 : i32
    %dma_wait3A_159 = arith.constant 0 : i32
    %dma_wait3A_160 = arith.constant 0 : i32
    %dma_wait3A_161 = tpu.memref_slice %arg5[%dma_wait3A_148, %dma_wait3A_158, %add3A, %dma_wait3A_159, %dma_wait3A_160] : memref<200x8x32x8x128xf32, #tpu.memory_space<hbm>> -> memref<1x8x1x8x128xf32, #tpu.memory_space<hbm>>
    %dma_wait3A_162 = tpu.memref_squeeze %dma_wait3A_161 : memref<1x8x1x8x128xf32, #tpu.memory_space<hbm>> -> memref<8x8x128xf32, #tpu.memory_space<hbm>>
    %dma_wait3A_163 = arith.constant 0 : i32
    %dma_wait3A_164 = arith.constant 0 : i32
    %dma_wait3A_165 = arith.constant 0 : i32
    %dma_wait3A_166 = tpu.memref_slice %arg16[%dma_wait3A_163, %dma_wait3A_164, %dma_wait3A_165] : memref<8x8x129xf32, #tpu.memory_space<vmem>> -> memref<8x8x128xf32, #tpu.memory_space<vmem>>
    tpu.wait_dma2 semaphore(%arg26 : memref<!tpu.dma_semaphore, #tpu.memory_space<semaphore_mem>>) src(%dma_wait3A_166 : memref<8x8x128xf32, #tpu.memory_space<vmem>>) dst(%dma_wait3A_162 : memref<8x8x128xf32, #tpu.memory_space<hbm>>)
    %dma_wait3A_167 = arith.constant 199 : i32
    %dma_wait3A_168 = arith.constant 0 : i32
    %dma_wait3A_169 = arith.constant 0 : i32
    %dma_wait3A_170 = arith.constant 0 : i32
    %dma_wait3A_171 = tpu.memref_slice %arg17[%dma_wait3A_168, %dma_wait3A_169, %dma_wait3A_170] : memref<8x8x129xf32, #tpu.memory_space<vmem>> -> memref<8x8x128xf32, #tpu.memory_space<vmem>>
    %dma_wait3A_172 = arith.constant 0 : i32
    %dma_wait3A_173 = arith.constant 0 : i32
    %dma_wait3A_174 = arith.constant 0 : i32
    %dma_wait3A_175 = tpu.memref_slice %arg5[%dma_wait3A_167, %dma_wait3A_172, %add3A, %dma_wait3A_173, %dma_wait3A_174] : memref<200x8x32x8x128xf32, #tpu.memory_space<hbm>> -> memref<1x8x1x8x128xf32, #tpu.memory_space<hbm>>
    %dma_wait3A_176 = tpu.memref_squeeze %dma_wait3A_175 : memref<1x8x1x8x128xf32, #tpu.memory_space<hbm>> -> memref<8x8x128xf32, #tpu.memory_space<hbm>>
    %dma_wait3A_177 = arith.constant 0 : i32
    %dma_wait3A_178 = arith.constant 0 : i32
    %dma_wait3A_179 = arith.constant 0 : i32
    %dma_wait3A_180 = tpu.memref_slice %arg5[%dma_wait3A_167, %dma_wait3A_177, %add3A, %dma_wait3A_178, %dma_wait3A_179] : memref<200x8x32x8x128xf32, #tpu.memory_space<hbm>> -> memref<1x8x1x8x128xf32, #tpu.memory_space<hbm>>
    %dma_wait3A_181 = tpu.memref_squeeze %dma_wait3A_180 : memref<1x8x1x8x128xf32, #tpu.memory_space<hbm>> -> memref<8x8x128xf32, #tpu.memory_space<hbm>>
    %dma_wait3A_182 = arith.constant 0 : i32
    %dma_wait3A_183 = arith.constant 0 : i32
    %dma_wait3A_184 = arith.constant 0 : i32
    %dma_wait3A_185 = tpu.memref_slice %arg17[%dma_wait3A_182, %dma_wait3A_183, %dma_wait3A_184] : memref<8x8x129xf32, #tpu.memory_space<vmem>> -> memref<8x8x128xf32, #tpu.memory_space<vmem>>
    tpu.wait_dma2 semaphore(%arg27 : memref<!tpu.dma_semaphore, #tpu.memory_space<semaphore_mem>>) src(%dma_wait3A_185 : memref<8x8x128xf32, #tpu.memory_space<vmem>>) dst(%dma_wait3A_181 : memref<8x8x128xf32, #tpu.memory_space<hbm>>)
    return
  }
}

</mosaic_0001>

<sc_bundles>
// kernel: _music_embedding.3.cloned.1.call-start
scs
__scs_entry_jumppad:
0x0: {  	(pc) =	sbr.rel $0x88, $3  }
0x1: {  	(tag) =	ssettag $0x0;
	lr =	simm.s32 $0x1  }
0x2: {  	[smem:$0x3F9E] =	sst lr;
	_ =	strace $0xD0000000  }
0x3: {  	_ = 	snop  }
0x4: {  	_ = 	snop  }
0x5: {  	_ = 	snop  }
0x6: {  	_ = 	snop  }
0x7: {  	_ = 	snop  }
__scs_overlays_trampoline_lowered:
0x8: {  	[smem:$0x3FAD] =	sst s0  }
0x9: {  	[smem:$0x3FAE] =	sst s1  }
0xa: {  	[smem:$0x3FAF] =	sst s2  }
0xb: {  	[smem:$0x3FB0] =	sst s3  }
0xc: {  	[smem:$0x3FB1] =	sst s4  }
0xd: {  	[smem:$0x3FB2] =	sst s5  }
0xe: {  	[smem:$0x3FB3] =	sst s6  }
0xf: {  	[smem:$0x3FB4] =	sst s7  }
0x10: {  	[smem:$0x3FB5] =	sst s8  }
0x11: {  	[smem:$0x3FB6] =	sst s9;
	s0 =	simm.s32 @!p0 $0x0  }
0x12: {  	s1 =	sld [smem:$0x3F9C];
	s0 =	simm.s32 @p0 $0x1  }
0x13: {  	[smem:$0x3FB7] =	sst s0;
	s0 =	simm.s32 @!p1 $0x0  }
0x14: {  	s2 =	sld [smem:$0x3F9B];
	s0 =	simm.s32 @p1 $0x1  }
0x15: {  	[smem:$0x3FB8] =	sst s0;
	s0 =	simm.s32 @!p2 $0x0  }
0x16: {  	s3 =	sld [smem:$0x3FDB];
	s0 =	simm.s32 @p2 $0x1  }
0x17: {  	s4 =	simm.s32 $0x1BF5;
	[smem:$0x3FBA] =	sst s0  }
0x18: {  	s0 =	sld [smem:$0x3F9D];
	_ =	swait.ge [sflag:s4], $0x0  }
0x19: {  	s7 =	sld [smem:$0x3F9E]  }
0x1a: {  	s8 =	sadd.s32 $0xFFFFE003, lr  }
0x1b: {  	s9 =	sadd.s32 $0xFFFFFEF7, lr;
	s5 =	simm.s32 $0xFFFFFFFF;
	p2 =	slt.u32 s8, $0xFFFFF086  }
0x1c: {  	p1 =	slt.u32 s9, $0xF7A;
	s5 =	simm.s32 @!p2 $0x0  }
0x1d: {  	s5 =	simm.s32 @p1 $0x1;
	p0 =	seq.s32 s7, s2  }
0x1e: {  	s7 =	smul.u32 @!p0 $0xF7A, s2;
	p2 =	seq.s32 @!p0 s5, $0x0  }
0x1f: {  	s9 =	smul.u32 $0xF7A, s1;
	s8 =	simm.s32 @!p0 $0x1BF5;
	p2 =	por !p2, p0  }
0x20: {  	[sflag:s8] =	ssyncset.s32 @!p0 $0xFFFFF086;
	s6 =	sadd.s32 @!p0 s3, s7;
	s7 =	simm.s32 @!p0 $0x108  }
0x21: {  	s3 =	sadd.s32 s3, s9;
	s6 =	sadd.s32 @!p0 $0x88, s6;
	s7 =	simm.s32 @p2 $0x1082  }
0x22: {  	[simem:s7], [sflag:s8] =	dma.local @!p0 [hbm:s6], $0xF7A  }
0x23: {  	s9 =	sor.u32 $0xD0000000, s2;
	s6 =	simm.s32 $0x108;
	_ =	swait.ge @!p0 [sflag:s8], $0x0  }
0x24: {  	s3 =	sadd.s32 $0x88, s3;
	s6 =	simm.s32 @!p1 $0x1082;
	[sflag:s4] =	ssyncset.s32 $0xFFFFF086  }
0x25: {  	[simem:s6], [sflag:s4] =	dma.local [hbm:s3], $0xF7A  }
0x26: {  	[smem:$0x3F9E] =	sst s1;
	(tag) =	ssettag s2;
	_ =	strace s9  }
0x27: {  	s1 =	sld [smem:$0x3FAE]  }
0x28: {  	s2 =	sld [smem:$0x3FAF]  }
0x29: {  	s4 =	sld [smem:$0x3FB1]  }
0x2a: {  	p0 =	seq.s32 s5, $0x0;
	s5 =	sld [smem:$0x3FB2]  }
0x2b: {  	s6 =	sld [smem:$0x3FB3]  }
0x2c: {  	s7 =	sld [smem:$0x3FB4]  }
0x2d: {  	s3 =	simm.s32 $0x108;
	s8 =	sld [smem:$0x3FB5]  }
0x2e: {  	s3 =	simm.s32 @!p0 $0x1082;
	s9 =	sld [smem:$0x3FB6]  }
0x2f: {  	lr =	sadd.s32 s0, s3;
	s0 =	sld [smem:$0x3FAD]  }
0x30: {  	s3 =	sld [smem:$0x3FB0]  }
0x31: {  	[smem:$0x3FB9] =	sst s10  }
0x32: {  	s10 =	sld [smem:$0x3FB7];
	_ =	sdelay $0x3  }
0x33: {  	p0 =	seq.s32 s10, $0x1;
	s10 =	sld [smem:$0x3FB9];
	_ =	sdelay $0x3  }
0x34: {  	[smem:$0x3FB9] =	sst s10  }
0x35: {  	s10 =	sld [smem:$0x3FB8];
	_ =	sdelay $0x3  }
0x36: {  	p1 =	seq.s32 s10, $0x1;
	s10 =	sld [smem:$0x3FB9];
	_ =	sdelay $0x3  }
0x37: {  	[smem:$0x3FB9] =	sst s10  }
0x38: {  	s10 =	sld [smem:$0x3FBA]  }
0x39: {  	_ = 	snop;
	(pc) =	sbr.ind lr, $3  }
0x3a: {  	_ = 	snop  }
0x3b: {  	_ = 	snop  }
0x3c: {  	p2 =	seq.s32 s10, $0x1;
	s10 =	sld [smem:$0x3FB9]  }
0x3d: {  	_ =	shalt  }
0x3e: {  	_ =	shalt  }
0x3f: {  	_ =	shalt  }
0x40: {  	_ =	shalt  }
0x41: {  	_ =	shalt  }
0x42: {  	_ =	shalt  }
0x43: {  	_ =	shalt  }
0x44: {  	_ =	shalt  }
0x45: {  	_ =	shalt  }
0x46: {  	_ =	shalt  }
0x47: {  	_ =	shalt  }
0x48: {  	_ =	shalt  }
0x49: {  	_ =	shalt  }
0x4a: {  	_ =	shalt  }
0x4b: {  	_ =	shalt  }
0x4c: {  	_ =	shalt  }
0x4d: {  	_ =	shalt  }
0x4e: {  	_ =	shalt  }
0x4f: {  	_ =	shalt  }
0x50: {  	_ =	shalt  }
0x51: {  	_ =	shalt  }
0x52: {  	_ =	shalt  }
0x53: {  	_ =	shalt  }
0x54: {  	_ =	shalt  }
0x55: {  	_ =	shalt  }
0x56: {  	_ =	shalt  }
0x57: {  	_ =	shalt  }
0x58: {  	_ =	shalt  }
0x59: {  	_ =	shalt  }
0x5a: {  	_ =	shalt  }
0x5b: {  	_ =	shalt  }
0x5c: {  	_ =	shalt  }
0x5d: {  	_ =	shalt  }
0x5e: {  	_ =	shalt  }
0x5f: {  	_ =	shalt  }
0x60: {  	_ =	shalt  }
0x61: {  	_ =	shalt  }
0x62: {  	_ =	shalt  }
0x63: {  	_ =	shalt  }
0x64: {  	_ =	shalt  }
0x65: {  	_ =	shalt  }
0x66: {  	_ =	shalt  }
0x67: {  	_ =	shalt  }
0x68: {  	_ =	shalt  }
0x69: {  	_ =	shalt  }
0x6a: {  	_ =	shalt  }
0x6b: {  	_ =	shalt  }
0x6c: {  	_ =	shalt  }
0x6d: {  	_ =	shalt  }
0x6e: {  	_ =	shalt  }
0x6f: {  	_ =	shalt  }
0x70: {  	_ =	shalt  }
0x71: {  	_ =	shalt  }
0x72: {  	_ =	shalt  }
0x73: {  	_ =	shalt  }
0x74: {  	_ =	shalt  }
0x75: {  	_ =	shalt  }
0x76: {  	_ =	shalt  }
0x77: {  	_ =	shalt  }
0x78: {  	_ =	shalt  }
0x79: {  	_ =	shalt  }
0x7a: {  	_ =	shalt  }
0x7b: {  	_ =	shalt  }
0x7c: {  	_ =	shalt  }
0x7d: {  	_ =	shalt  }
0x7e: {  	_ =	shalt  }
0x7f: {  	_ =	shalt  }
0x80: {  	_ =	shalt  }
0x81: {  	_ =	shalt  }
0x82: {  	_ =	shalt  }
0x83: {  	_ =	shalt  }
0x84: {  	_ =	shalt  }
0x85: {  	_ =	shalt  }
0x86: {  	_ =	shalt  }
0x87: {  	_ =	shalt  }
.Lfunc_end0:
.L_simem_size_0:
called_computation_lowered:
.L_overlay_start_0:
0x88: {  	s2 =	sld [smem:$0x3FD9]  }
0x89: {  	s3 =	sld [smem:$0x3FFE];
	_ =	sdelay $0x1  }
0x8a: {  	s1 =	srdreg.scid  }
0x8b: {  	s0 =	sand.u32 $0x1, s1  }
0x8c: {  	s17 =	sshll.u32 s0, $0xA;
	s2 =	sadd.s32 s3, s2  }
0x8d: {  	s2 =	sadd.s32 s2, s17  }
0x8e: {  	[smem:$0x3FC5] =	sst s2  }
0x8f: {  	_ = 	snop  }
0x90: {  	s2 =	sld [smem:$0x3FC9]  }
0x91: {  	s18 =	sld [smem:$0x3FD0];
	(tm) =	ssettm $0x1  }
0x92: {  	s4 =	sld [smem:$0x3FFB];
	_ =	sdelay $0x3  }
0x93: {  	_ =	strace s4  }
0x94: {  	s4 =	sld [smem:$0x3FFC];
	_ =	sdelay $0x3  }
0x95: {  	_ =	strace s4  }
0x96: {  	s4 =	sld [smem:$0x3FFD];
	_ =	sdelay $0x3  }
0x97: {  	_ =	strace s4  }
0x98: {  	_ =	strace $0x8FFFFFFF  }
0x99: {  	s19 =	sld [smem:$0x3FDB];
	_ =	sdelay $0x1  }
0x9a: {  	s5 =	simm.s32 $_scs_section_size  }
0x9b: {  	s6 =	simm.s32 $_size__tile_overlayer_lowered;
	s7 =	simm.s32 $_tile_overlayer_lowered  }
0x9c: {  	s22 =	simm.s32 $0x1BFF;
	s21 =	sshll.u32 s7, $0x1;
	s4 =	sadd.s32 s5, s19  }
0x9d: {  	s8 =	simm.s32 $0x0;
	s20 =	sshll.u32 s6, $0x1;
	s6 =	sadd.s32 s21, s4  }
0x9e: {  	[timem:s8], [sflag:s22] =	dma.local [hbm:s6], s20  }
0x9f: {  	_ =	swait.ge [sflag:s22], s20  }
0xa0: {  	s5 =	ssub.s32 $0x0, s20;
	[sflag:s22] =	ssyncset.done $0x0  }
0xa1: {  	[sflag:s22] =	ssyncadd.s32 s5;
	_ =	sdelay $0x1  }
0xa2: {  	s23 =	simm.s32 $0x1B8B  }
0xa3: {  	_ =	swait.ge [sflag:s23], $0x1  }
0xa4: {  	[sflag:s23] =	ssyncset.done $0x0  }
0xa5: {  	s25 =	simm.s32 $0x1B8E;
	s24 =	sld [smem:$0x3FFE];
	[sflag:s23] =	ssyncadd.s32 $0xFFFFFFFF  }
0xa6: {  	s26 =	simm.s32 $execute0_lowered;
	[smem:$0x3FD2] =	sst s25  }
0xa7: {  	s6 =	sshll.u32 s26, $0x1;
	_ =	strace $0x80000046;
	[dreg:$0x1] =	wrdreg $0xFFFFFFFF  }
0xa8: {  	s28 =	simm.s32 $_size_execute0_lowered;
	s4 =	sadd.s32 s4, s6;
	[dreg:$0x0] =	wrdreg $0x0  }
0xa9: {  	s6 =	sshll.u32 s28, $0x1;
	[dreg:$0x2] =	wrdreg s4  }
0xaa: {  	[dreg:$0x3] =	wrdreg s6  }
0xab: {  	[dreg:$0x4] =	wrdreg $0xC0  }
0xac: {  	_ =	task [dreg:s8], $0x5FFFF  }
0xad: {  	[dreg:$0x1] =	wrdreg $0xFFFFFFFF  }
0xae: {  	[dreg:$0x0] =	wrdreg $0x60  }
0xaf: {  	[dreg:$0x2] =	wrdreg s2  }
0xb0: {  	[dreg:$0x3] =	wrdreg s24  }
0xb1: {  	[dreg:$0x4] =	wrdreg s18  }
0xb2: {  	[dreg:$0x5] =	wrdreg $0x9  }
0xb3: {  	_ =	task.clear_ibuf [dreg:s8], $0x6FFFF;
	_ =	strace $0x90000046  }
0xb4: {  	s29 =	simm.s32 $0x9;
	_ =	strace $0x80000048  }
0xb5: {  	_ =	swait.ge [sflag:s29], $0x1  }
0xb6: {  	[sflag:s29] =	ssyncadd.s32 $0xFFFFFFFF  }
0xb7: {  	_ =	strace $0x90000048  }
0xb8: {  	_ =	sfence  }
0xb9: {  	s30 =	sld [smem:$0x0];
	_ =	sdelay $0x2  }
0xba: {  	s31 =	sshll.u32 s1, $0xD;
	s1 =	sshrl.u32 s1, $0x2  }
0xbb: {  	s3 =	sand.u32 $0x4000, s31;
	s1 =	sadd.s32 s1, s30  }
0xbc: {  	s0 =	sor.u32 s3, s0;
	s1 =	sshll.u32 s1, $0x11  }
0xbd: {  	s0 =	sor.u32 s1, s0  }
0xbe: {  	s0 =	sadd.s32 $0x8F2B, s0  }
0xbf: {  	[sflag:s0] =	ssyncadd.remote.s32 $0x1  }
0xc0: {  	_ =	sfence.sel $0xFFFF  }
0xc1: {  	[dreg:$0x0] =	wrdreg $0xFFFFFFFF;
	(pc) =	sbr.abs _section_cstart, $3  }
0xc2: {  	[dreg:$0x1] =	wrdreg $0xFFFFFFFF  }
0xc3: {  	_ =	task.clear_ibuf [dreg:s8], $0x2FFFF;
	_ =	strace $0x9FFFFFFF  }
0xc4: {  	(tm) =	ssettm $0x7FFFFFFF  }
0xc5: {  	_ =	shalt  }
tec
execute0_lowered:
.L_overlay_start_1:
0x0: {  	(tag) =	ssettag $0x1  }
0x1: {  	s0 =	rddreg [dreg:$0x0]  }
0x2: {  	s2 =	rddreg [dreg:$0x1]  }
0x3: {  	s1 =	rddreg [dreg:$0x2];
	s3 =	simm.s32 $0x0  }
0x4: {  	s4 =	srdreg.scid;
	s5 =	stileid.u32;
	s13 =	simm.s32 $0x80  }
0x5: {  	s20 =	simm.s32 $0x1;
	s21 =	simm.s32 $0x11600;
	s22 =	simm.s32 $0x13600  }
0x6: {  	s23 =	simm.s32 $0x2;
	s24 =	simm.s32 $0x15800;
	s28 =	simm.s32 $0x4  }
0x7: {  	s29 =	simm.s32 $0x19C00;
	s30 =	simm.s32 $0x5;
	s31 =	simm.s32 $0x1BE00  }
0x8: {  	s9 =	simm.s32 $0x8;
	s10 =	simm.s32 $0x9;
	s12 =	simm.s32 $0xA  }
0x9: {  	[smem:$0x7FF] =	sst s3;
	s4 =	sand.u32 $0x1, s4;
	s5 =	sshll.u32 s5, $0xB  }
0xa: {  	s6 =	sadd.s32 $0x400, s2;
	s7 =	ssub.s32 $0x2, s4;
	s4 =	sshll.u32 s4, $0xA  }
0xb: {  	_ =	strace $0x80000047;
	[dreg:$0x4] =	wrdreg s6;
	s5 =	sor.u32 s4, s5  }
0xc: {  	v0 =	vlaneseq.u32;
	s6 =	sadd.s32 $0xC00, s2;
	s8 =	sshrl.u32 s7, $0x1;
	s4 =	sshrl.u32 s5, $0x3  }
0xd: {  	v0 =	vmul.u32 $0x88, v0;
	s2 =	simm.s32 $0x7;
	s25 =	ssub.s32 s7, s8;
	s0 =	sadd.s32 s0, s4  }
0xe: {  	s26 =	smax.u32 s25, $0x1;
	s25 =	simm.s32 $0x3;
	[dreg:$0x5] =	wrdreg s0  }
0xf: {  	v1 =	vadd.s32 $0x880, v0;
	v2 =	vadd.s32 $0x1100, v0;
	v3 =	vadd.s32 $0x1980, v0;
	s4 =	simm.s32 $0x0;
	[dreg:$0x6] =	wrdreg s26;
	s26 =	simm.s32 $0x17A00  }
.LBB2_1:
0x10: {  	[dreg:$0x7] =	wrdreg s4  }
0x11: {  	s0 =	rddreg [dreg:$0x5]  }
0x12: {  	s11 =	simm.s32 $0x400;
	s7 =	simm.s32 $0x8000;
	s8 =	simm.s32 $0xB  }
0x13: {  	[tilespmem:s3], [sflag:$0xB] =	stream.strided.gather [hbm4b:s0+s11], $0x6400, s7, s11, $0x38;
	[tilespmem:$0x1E000] =	vst v63  }
0x14: {  	_ =	swait.ge [sflag:s8], $0x6400  }
0x15: {  	s15 =	simm.s32 $0x6400;
	[sflag:s8] =	ssyncset.done $0x0  }
0x16: {  	s16 =	sand.u32 $0x1F000, s3;
	s14 =	rddreg [dreg:$0x4];
	[sflag:s8] =	ssyncadd.s32 $0xFFFF9C00  }
0x17: {  	[tilespmem:s15], [sflag:$0xB] =	stream.linear.gather [hbm4b:s14+s3], $0x3200, $0x38;
	[tilespmem:$0x1E000] =	vst v63  }
0x18: {  	s17 =	sand.u32 $0x380, s3;
	s0 =	sshrl.u32 s16, $0x2;
	_ =	swait.ge [sflag:s8], $0x3200  }
0x19: {  	s18 =	sand.u32 $0x40, s3;
	s0 =	sor.u32 s17, s0;
	[sflag:s8] =	ssyncset.done $0x0  }
0x1a: {  	s0 =	sor.u32 s18, s0;
	[sflag:s8] =	ssyncadd.s32 $0xFFFFCE00  }
0x1b: {  	v7 =	vld [tilespmem:s0+$0x30]  }
0x1c: {  	s7 =	simm.s32 $0x100  }
0x1d: {  	s19 =	sand.u32 $0x1F000, s7;
	s8 =	simm.s32 $0x40;
	v4 =	vld [tilespmem:s0+$0x20]  }
0x1e: {  	s4 =	sshrl.u32 s19, $0x2;
	s11 =	sand.u32 $0x380, s8;
	v5 =	vld [tilespmem:s0+$0x10]  }
0x1f: {  	s15 =	sand.u32 $0x40, s8;
	v6 =	vld [tilespmem:s0+$0x0];
	s4 =	sor.u32 s11, s4  }
0x20: {  	s11 =	simm.s32 $0x4;
	s4 =	sor.u32 s15, s4;
	v7 =	vshll.u32 v7, $0x1  }
.LBB2_2:
0x21: {  	s11 =	sadd.s32 $0x4, s11  }
0x22: {  	v8 =	vld [tilespmem:s4+$0x30];
	v9 =	vshll.u32 v4, $0x1;
	[tilespmem:s0+$0x30] =	vst v7;
	p0 =	slt.u32 s11, $0x63C  }
.Ltmp0:
0x23: {  	s7 =	sadd.s32 $0x100, s7;
	v4 =	vld [tilespmem:s4+$0x20];
	v7 =	vshll.u32 v5, $0x1;
	[tilespmem:s0+$0x20] =	vst v9;
	(pc) =	sbr.rel @p0 .LBB2_2-.Ltmp0, $4  }
0x24: {  	s8 =	sadd.s32 $0x40, s8;
	s15 =	sand.u32 $0x1F000, s7;
	v5 =	vld [tilespmem:s4+$0x10];
	v9 =	vshll.u32 v6, $0x1;
	[tilespmem:s0+$0x10] =	vst v7  }
0x25: {  	s16 =	sand.u32 $0x380, s8;
	s15 =	sshrl.u32 s15, $0x2;
	v6 =	vld [tilespmem:s4+$0x0];
	[tilespmem:s0+$0x0] =	vst v9;
	s0 =	smov.u32 s4  }
0x26: {  	s4 =	sand.u32 $0x40, s8;
	s15 =	sor.u32 s16, s15  }
0x27: {  	s4 =	sor.u32 s4, s15;
	v7 =	vshll.u32 v8, $0x1  }
0x28: {  	v8 =	vld [tilespmem:s4+$0x30]  }
0x29: {  	v9 =	vld [tilespmem:s4+$0x20]  }
0x2a: {  	v4 =	vshll.u32 v4, $0x1;
	[tilespmem:s0+$0x30] =	vst v7;
	v62 =	vld [tilespmem:s4+$0x10]  }
0x2b: {  	v5 =	vshll.u32 v5, $0x1;
	[tilespmem:s0+$0x20] =	vst v4;
	v4 =	vld [tilespmem:s4+$0x0]  }
0x2c: {  	[tilespmem:s0+$0x10] =	vst v5;
	v5 =	vshll.u32 v6, $0x1  }
0x2d: {  	[tilespmem:s0+$0x0] =	vst v5;
	v5 =	vshll.u32 v8, $0x1  }
0x2e: {  	v63 =	vshll.u32 v9, $0x1;
	[tilespmem:s4+$0x30] =	vst v5  }
0x2f: {  	v5 =	vshll.u32 v62, $0x1;
	[tilespmem:s4+$0x20] =	vst v63  }
0x30: {  	v4 =	vshll.u32 v4, $0x1;
	[tilespmem:s4+$0x10] =	vst v5  }
0x31: {  	s15 =	simm.s32 $0x0;
	s11 =	simm.s32 $0x9600;
	[tilespmem:s4+$0x0] =	vst v4  }
0x32: {  	[tilespmem:s11], [sflag:$0x1] =	stream.indirect.gather [hbm4b:s6+s13], $0x40, s15, s13, $0xb8;
	[tilespmem:$0x1E000] =	vst v63  }
0x33: {  	s14 =	simm.s32 $0xB600  }
0x34: {  	[tilespmem:s14], [sflag:$0x2] =	stream.indirect.gather [hbm4b:s6+s13], $0x40, s13, s13, $0xb8;
	[tilespmem:$0x1E000] =	vst v63  }
0x35: {  	s16 =	simm.s32 $0x100;
	s17 =	simm.s32 $0xD600  }
0x36: {  	[tilespmem:s17], [sflag:$0x3] =	stream.indirect.gather [hbm4b:s6+s13], $0x40, s16, s13, $0xb8;
	[tilespmem:$0x1E000] =	vst v63  }
0x37: {  	s18 =	simm.s32 $0x180;
	s19 =	simm.s32 $0xF600;
	s16 =	simm.s32 $0x0  }
0x38: {  	[tilespmem:s19], [sflag:$0x4] =	stream.indirect.gather [hbm4b:s6+s13], $0x40, s18, s13, $0xb8;
	[tilespmem:$0x1E000] =	vst v63  }
.LBB2_4:
0x39: {  	s18 =	smul.u32 $0x5, s16;
	_ =	sdelay $0x1  }
0x3a: {  	_ =	swait.ge [sflag:s20], $0x2000;
	s17 =	sadd.s32 $0x4, s18  }
0x3b: {  	[sflag:s20] =	ssyncset.done $0x0;
	s0 =	sshll.u32 s17, $0x7  }
0x3c: {  	p0 =	seq.s32 s16, $0x0;
	[sflag:s20] =	ssyncadd.s32 $0xFFFFE000;
	s0 =	sand.u32 $0x1FF80, s0  }
0x3d: {  	[tilespmem:s21], [sflag:$0x5] =	stream.indirect.gather [hbm4b:s6+s13], $0x40, s0, s13, $0xb8;
	[tilespmem:$0x1E000] =	vst v63  }
0x3e: {  	s0 =	simm.s32 @!p0 $0x6  }
0x3f: {  	_ =	swait.ge @!p0 [sflag:s0], $0x2000  }
0x40: {  	[sflag:s0] =	ssyncset.done @!p0 $0x0  }
0x41: {  	s4 =	smul.u32 $0x500, s16;
	[sflag:s0] =	ssyncadd.s32 @!p0 $0xFFFFE000;
	s0 =	simm.s32 $0x9680  }
0x42: {  	v4 =	vld [tilespmem:s0+$0x40]  }
0x43: {  	s7 =	simm.s32 $0x3;
	s4 =	sshra.s32 s4, $0x2  }
0x44: {  	v5 =	vmov s7;
	v10 =	vld [tilespmem:s4+$0x6400]  }
0x45: {  	v15 =	vand.u32 $0x7F, v5  }
0x46: {  	v9 =	vadd.s32 v0, v15;
	v8 =	vld [tilespmem:s0+$0xFFFFFF80]  }
0x47: {  	v11 =	vld [tilespmem:s0+$0xFFFFFFC0];
	v4 =	vmul.f32 $8.000000000e+00, v4  }
0x48: {  	v6 =	vmov s15;
	s11 =	simm.s32 $0x1;
	v12 =	vld [tilespmem:s0+$0x0]  }
0x49: {  	s14 =	simm.s32 $0x2;
	v14 =	vand.u32 $0x7C, v6;
	v6 =	vmov s11;
	v7 =	vld [tilespmem:s4+$0x6410];
	v13 =	vadd.f32 v4, v10  }
0x4a: {  	v17 =	vmov s14;
	v16 =	vadd.s32 v0, v14;
	v30 =	vand.u32 $0x7D, v6;
	v5 =	vld [tilespmem:s4+$0x6420]  }
0x4b: {  	v6 =	vand.u32 $0x7E, v17;
	v17 =	vadd.s32 v0, v30;
	v8 =	vmul.f32 $8.000000000e+00, v8;
	v4 =	vld [tilespmem:s4+$0x6430];
	[tilespmem:v9+s22+$0x0] =	vst.idx.msk $0xffff, v13  }
0x4c: {  	v9 =	vmul.f32 $8.000000000e+00, v11;
	v11 =	vadd.s32 v0, v6;
	v13 =	vld [tilespmem:s0+$0x50]  }
0x4d: {  	v12 =	vmul.f32 $8.000000000e+00, v12;
	v8 =	vadd.f32 v8, v10  }
0x4e: {  	v9 =	vadd.f32 v9, v10  }
0x4f: {  	[tilespmem:v16+s22+$0x0] =	vst.idx.msk $0xffff, v8;
	v8 =	vadd.f32 v12, v10  }
0x50: {  	v12 =	vld [tilespmem:s0+$0xFFFFFF90];
	[tilespmem:v17+s22+$0x0] =	vst.idx.msk $0xffff, v9;
	v9 =	vadd.s32 v1, v15  }
0x51: {  	v16 =	vld [tilespmem:s0+$0xFFFFFFD0];
	[tilespmem:v11+s22+$0x0] =	vst.idx.msk $0xffff, v8;
	v8 =	vmul.f32 $8.000000000e+00, v13  }
0x52: {  	s4 =	simm.s32 $0x9780;
	v11 =	vld [tilespmem:s0+$0x10]  }
0x53: {  	s8 =	simm.s32 $0x7;
	v19 =	vld [tilespmem:s4+$0x40];
	v8 =	vadd.f32 v8, v7  }
0x54: {  	s19 =	simm.s32 $0x4;
	v21 =	vmov s8;
	v13 =	vadd.s32 v1, v14  }
0x55: {  	v18 =	vadd.s32 v1, v30;
	v17 =	vmov s19;
	v12 =	vmul.f32 $8.000000000e+00, v12;
	[tilespmem:v9+s22+$0x0] =	vst.idx.msk $0xffff, v8  }
0x56: {  	v8 =	vand.u32 $0x7C, v17;
	v9 =	vmul.f32 $8.000000000e+00, v16;
	v16 =	vadd.s32 v1, v6;
	v17 =	vld [tilespmem:s0+$0x60]  }
0x57: {  	v26 =	vadd.s32 v2, v15;
	v20 =	vld [tilespmem:s4+$0xFFFFFF80];
	v12 =	vadd.f32 v12, v7;
	v11 =	vmul.f32 $8.000000000e+00, v11  }
0x58: {  	v24 =	vld [tilespmem:s4+$0xFFFFFFC0];
	v19 =	vmul.f32 $8.000000000e+00, v19;
	v23 =	vadd.f32 v9, v7;
	v9 =	vand.u32 $0x7F, v21  }
0x59: {  	s11 =	simm.s32 $0x5;
	[tilespmem:v13+s22+$0x0] =	vst.idx.msk $0xffff, v12;
	v12 =	vld [tilespmem:s4+$0x0];
	v11 =	vadd.f32 v11, v7;
	v25 =	vadd.s32 v0, v9  }
0x5a: {  	s14 =	simm.s32 $0x6;
	v19 =	vadd.f32 v19, v10;
	v22 =	vadd.s32 v0, v8;
	v21 =	vmov s11;
	[tilespmem:v18+s22+$0x0] =	vst.idx.msk $0xffff, v23;
	v23 =	vld [tilespmem:s0+$0xFFFFFFA0]  }
0x5b: {  	v13 =	vand.u32 $0x7D, v21;
	v18 =	vmov s14;
	[tilespmem:v16+s22+$0x0] =	vst.idx.msk $0xffff, v11;
	v16 =	vld [tilespmem:s0+$0xFFFFFFE0];
	v17 =	vmul.f32 $8.000000000e+00, v17  }
0x5c: {  	v11 =	vand.u32 $0x7E, v18;
	v18 =	vmul.f32 $8.000000000e+00, v20;
	v20 =	vadd.s32 v0, v13;
	v21 =	vld [tilespmem:s0+$0x20]  }
0x5d: {  	v24 =	vmul.f32 $8.000000000e+00, v24;
	v27 =	vadd.s32 v0, v11;
	v17 =	vadd.f32 v17, v5  }
0x5e: {  	v12 =	vmul.f32 $8.000000000e+00, v12;
	v18 =	vadd.f32 v18, v10;
	[tilespmem:v25+s22+$0x0] =	vst.idx.msk $0xffff, v19;
	v19 =	vadd.s32 v2, v14  }
0x5f: {  	v24 =	vadd.f32 v24, v10;
	v25 =	vld [tilespmem:s4+$0x50];
	v23 =	vmul.f32 $8.000000000e+00, v23;
	[tilespmem:v26+s22+$0x0] =	vst.idx.msk $0xffff, v17;
	v17 =	vadd.s32 v2, v30  }
0x60: {  	[tilespmem:v22+s22+$0x0] =	vst.idx.msk $0xffff, v18;
	v18 =	vadd.f32 v12, v10;
	v16 =	vmul.f32 $8.000000000e+00, v16;
	v26 =	vadd.s32 v2, v6;
	v22 =	vld [tilespmem:s0+$0x70]  }
0x61: {  	s8 =	simm.s32 $0x8;
	v28 =	vld [tilespmem:s4+$0xFFFFFF90];
	[tilespmem:v20+s22+$0x0] =	vst.idx.msk $0xffff, v24;
	v21 =	vmul.f32 $8.000000000e+00, v21;
	v23 =	vadd.f32 v23, v5  }
0x62: {  	v31 =	vadd.s32 v1, v9;
	v12 =	vmov s8;
	v24 =	vld [tilespmem:s4+$0xFFFFFFD0];
	[tilespmem:v27+s22+$0x0] =	vst.idx.msk $0xffff, v18;
	v16 =	vadd.f32 v16, v5  }
0x63: {  	s19 =	simm.s32 $0x9;
	v14 =	vadd.s32 v3, v14;
	v12 =	vand.u32 $0x7C, v12;
	v27 =	vld [tilespmem:s4+$0x10];
	v29 =	vadd.f32 v21, v5;
	[tilespmem:v19+s22+$0x0] =	vst.idx.msk $0xffff, v23  }
0x64: {  	v20 =	vmov s19;
	v19 =	vadd.s32 v3, v15;
	v32 =	vmul.f32 $8.000000000e+00, v25;
	v21 =	vld [tilespmem:s0+$0xFFFFFFB0];
	[tilespmem:v17+s22+$0x0] =	vst.idx.msk $0xffff, v16  }
0x65: {  	v18 =	vadd.s32 v0, v12;
	v25 =	vadd.s32 v1, v8;
	[tilespmem:v26+s22+$0x0] =	vst.idx.msk $0xffff, v29;
	v15 =	vmul.f32 $8.000000000e+00, v22;
	v17 =	vld [tilespmem:s0+$0xFFFFFFF0]  }
0x66: {  	v23 =	vadd.s32 v1, v13;
	v28 =	vmul.f32 $8.000000000e+00, v28;
	v32 =	vadd.f32 v32, v7;
	v16 =	vld [tilespmem:s0+$0x30]  }
0x67: {  	s7 =	simm.s32 $0x9880;
	v26 =	vmul.f32 $8.000000000e+00, v24;
	v22 =	vadd.s32 v1, v11;
	v24 =	vadd.f32 v15, v4  }
0x68: {  	v29 =	vld [tilespmem:s7+$0x40];
	s0 =	simm.s32 $0xC;
	v28 =	vadd.f32 v28, v7;
	v27 =	vmul.f32 $8.000000000e+00, v27;
	[tilespmem:v31+s22+$0x0] =	vst.idx.msk $0xffff, v32;
	v15 =	vadd.s32 v3, v30  }
.LBB2_5:
0x69: {  	p0 =	slt.u32 s0, $0x7C;
	s11 =	sadd.s32 $0x3, s8;
	v26 =	vadd.f32 v26, v7;
	v30 =	vld [tilespmem:s4+$0x60];
	v21 =	vmul.f32 $8.000000000e+00, v21;
	v31 =	vadd.s32 v3, v6;
	[tilespmem:v19+s22+$0x0] =	vst.idx.msk $0xffff, v24  }
0x6a: {  	v32 =	vmovc v13;
	v6 =	vmovc v11;
	v19 =	vld [tilespmem:s7+$0xFFFFFF80];
	v24 =	vmov s11;
	[tilespmem:v25+s22+$0x0] =	vst.idx.msk $0xffff, v28;
	v25 =	vadd.f32 v27, v7;
	v17 =	vmul.f32 $8.000000000e+00, v17  }
0x6b: {  	s11 =	sadd.s32 $0x2, s8;
	s8 =	smov.u32 s0;
	v27 =	vld [tilespmem:s7+$0xFFFFFFC0];
	v24 =	vand.u32 $0x7F, v24;
	[tilespmem:v23+s22+$0x0] =	vst.idx.msk $0xffff, v26;
	v11 =	vadd.f32 v21, v4;
	v13 =	vmul.f32 $8.000000000e+00, v16  }
0x6c: {  	v16 =	vmov s11;
	v21 =	vld [tilespmem:s7+$0x0];
	v23 =	vadd.s32 v0, v24;
	[tilespmem:v22+s22+$0x0] =	vst.idx.msk $0xffff, v25;
	v17 =	vadd.f32 v17, v4  }
0x6d: {  	v26 =	vadd.s32 v2, v9;
	v22 =	vmul.f32 $8.000000000e+00, v29;
	v25 =	vld [tilespmem:s4+$0xFFFFFFA0];
	[tilespmem:v14+s22+$0x0] =	vst.idx.msk $0xffff, v11;
	v14 =	vadd.f32 v13, v4  }
0x6e: {  	v13 =	vand.u32 $0x7D, v20;
	v11 =	vand.u32 $0x7E, v16;
	v16 =	vld [tilespmem:s4+$0xFFFFFFE0];
	v20 =	vmul.f32 $8.000000000e+00, v30;
	[tilespmem:v15+s22+$0x0] =	vst.idx.msk $0xffff, v17  }
0x6f: {  	v17 =	vadd.s32 v0, v13;
	v15 =	vmul.f32 $8.000000000e+00, v19;
	v19 =	vadd.f32 v22, v10;
	v22 =	vld [tilespmem:s4+$0x20];
	[tilespmem:v31+s22+$0x0] =	vst.idx.msk $0xffff, v14  }
0x70: {  	v14 =	vmul.f32 $8.000000000e+00, v27;
	v27 =	vadd.s32 v0, v11;
	v20 =	vadd.f32 v20, v5  }
0x71: {  	v15 =	vadd.f32 v15, v10;
	v21 =	vmul.f32 $8.000000000e+00, v21;
	[tilespmem:v23+s22+$0x0] =	vst.idx.msk $0xffff, v19;
	v19 =	vadd.s32 v2, v8  }
0x72: {  	v28 =	vadd.s32 v2, v32;
	v14 =	vadd.f32 v14, v10;
	v23 =	vld [tilespmem:s7+$0x50];
	v25 =	vmul.f32 $8.000000000e+00, v25;
	[tilespmem:v26+s22+$0x0] =	vst.idx.msk $0xffff, v20  }
0x73: {  	v26 =	vadd.s32 v2, v6;
	[tilespmem:v18+s22+$0x0] =	vst.idx.msk $0xffff, v15;
	v15 =	vadd.f32 v21, v10;
	v16 =	vmul.f32 $8.000000000e+00, v16;
	v29 =	vld [tilespmem:s4+$0x70]  }
0x74: {  	v18 =	vmov s0;
	v30 =	vld [tilespmem:s7+$0xFFFFFF90];
	[tilespmem:v17+s22+$0x0] =	vst.idx.msk $0xffff, v14;
	v14 =	vadd.f32 v25, v5;
	v17 =	vmul.f32 $8.000000000e+00, v22  }
0x75: {  	s11 =	sadd.s32 $0x1, s0;
	v31 =	vand.u32 $0x7C, v18;
	v22 =	vld [tilespmem:s7+$0xFFFFFFD0];
	[tilespmem:v27+s22+$0x0] =	vst.idx.msk $0xffff, v15;
	v15 =	vadd.f32 v16, v5  }
0x76: {  	v33 =	vadd.s32 v1, v24;
	v20 =	vmov s11;
	v27 =	vld [tilespmem:s7+$0x10];
	[tilespmem:v19+s22+$0x0] =	vst.idx.msk $0xffff, v14;
	v16 =	vadd.f32 v17, v5  }
.Ltmp1:
0x77: {  	v14 =	vadd.s32 v3, v8;
	v19 =	vadd.s32 v3, v9;
	v34 =	vmul.f32 $8.000000000e+00, v23;
	v21 =	vld [tilespmem:s4+$0xFFFFFFB0];
	[tilespmem:v28+s22+$0x0] =	vst.idx.msk $0xffff, v15;
	(pc) =	sbr.rel @p0 .LBB2_5-.Ltmp1, $4  }
0x78: {  	v25 =	vadd.s32 v1, v12;
	v18 =	vadd.s32 v0, v31;
	v17 =	vld [tilespmem:s4+$0xFFFFFFF0];
	[tilespmem:v26+s22+$0x0] =	vst.idx.msk $0xffff, v16;
	v15 =	vmul.f32 $8.000000000e+00, v29  }
0x79: {  	v9 =	vmovc v24;
	v8 =	vmovc v12;
	v23 =	vadd.s32 v1, v13;
	v28 =	vmul.f32 $8.000000000e+00, v30;
	v30 =	vadd.f32 v34, v7;
	v16 =	vld [tilespmem:s4+$0x30];
	s4 =	smov.u32 s7  }
0x7a: {  	v12 =	vmovc v31;
	s7 =	sadd.s32 $0x100, s7;
	v26 =	vmul.f32 $8.000000000e+00, v22;
	v22 =	vadd.s32 v1, v11;
	v24 =	vadd.f32 v15, v4  }
0x7b: {  	s0 =	sadd.s32 $0x4, s0;
	v15 =	vadd.s32 v3, v32;
	v29 =	vld [tilespmem:s7+$0x40];
	v28 =	vadd.f32 v28, v7;
	v27 =	vmul.f32 $8.000000000e+00, v27;
	[tilespmem:v33+s22+$0x0] =	vst.idx.msk $0xffff, v30  }
0x7c: {  	s0 =	sadd.s32 $0x3, s8;
	v30 =	vld [tilespmem:s7+$0xFFFFFF80]  }
0x7d: {  	v32 =	vld [tilespmem:s7+$0xFFFFFFC0];
	v31 =	vmov s0  }
0x7e: {  	v33 =	vld [tilespmem:s7+$0x0];
	v31 =	vand.u32 $0x7F, v31  }
0x7f: {  	s19 =	sadd.s32 $0x2, s8;
	v34 =	vadd.s32 v0, v31  }
0x80: {  	v20 =	vand.u32 $0x7D, v20;
	v35 =	vmov s19;
	v29 =	vmul.f32 $8.000000000e+00, v29  }
0x81: {  	v36 =	vadd.s32 v0, v20;
	v35 =	vand.u32 $0x7E, v35;
	v30 =	vmul.f32 $8.000000000e+00, v30  }
0x82: {  	v37 =	vadd.s32 v0, v35;
	v32 =	vmul.f32 $8.000000000e+00, v32;
	v29 =	vadd.f32 v29, v10  }
0x83: {  	v33 =	vmul.f32 $8.000000000e+00, v33;
	v30 =	vadd.f32 v30, v10  }
0x84: {  	v58 =	vadd.f32 v32, v10;
	[tilespmem:v34+s22+$0x0] =	vst.idx.msk $0xffff, v29  }
0x85: {  	v60 =	vadd.f32 v33, v10;
	[tilespmem:v18+s22+$0x0] =	vst.idx.msk $0xffff, v30;
	v59 =	vld [tilespmem:s7+$0x50]  }
0x86: {  	[tilespmem:v36+s22+$0x0] =	vst.idx.msk $0xffff, v58;
	v30 =	vld [tilespmem:s7+$0xFFFFFF90]  }
0x87: {  	[tilespmem:v37+s22+$0x0] =	vst.idx.msk $0xffff, v60;
	v29 =	vld [tilespmem:s7+$0xFFFFFFD0]  }
0x88: {  	v10 =	vld [tilespmem:s7+$0x10]  }
0x89: {  	v61 =	vadd.s32 v1, v31  }
0x8a: {  	v26 =	vadd.f32 v26, v7;
	v62 =	vadd.s32 v1, v12;
	v18 =	vmul.f32 $8.000000000e+00, v59  }
0x8b: {  	v63 =	vld [tilespmem:s4+$0x60];
	[tilespmem:v25+s22+$0x0] =	vst.idx.msk $0xffff, v28;
	v27 =	vadd.f32 v27, v7;
	v36 =	vadd.s32 v1, v20;
	v34 =	vmul.f32 $8.000000000e+00, v30  }
0x8c: {  	[tilespmem:v23+s22+$0x0] =	vst.idx.msk $0xffff, v26;
	v39 =	vadd.s32 v1, v35;
	v37 =	vld [tilespmem:s4+$0xFFFFFFA0];
	v38 =	vmul.f32 $8.000000000e+00, v29;
	v18 =	vadd.f32 v18, v7  }
0x8d: {  	[tilespmem:v22+s22+$0x0] =	vst.idx.msk $0xffff, v27;
	v40 =	vld [tilespmem:s4+$0xFFFFFFE0];
	v10 =	vmul.f32 $8.000000000e+00, v10;
	v41 =	vadd.f32 v34, v7  }
0x8e: {  	v42 =	vld [tilespmem:s4+$0x20];
	v26 =	vadd.f32 v38, v7;
	[tilespmem:v61+s22+$0x0] =	vst.idx.msk $0xffff, v18  }
0x8f: {  	v21 =	vmul.f32 $8.000000000e+00, v21;
	v43 =	vadd.s32 v2, v9;
	v44 =	vadd.f32 v10, v7;
	[tilespmem:v62+s22+$0x0] =	vst.idx.msk $0xffff, v41;
	v45 =	vld [tilespmem:s7+$0x60]  }
0x90: {  	v46 =	vadd.s32 v2, v8;
	v25 =	vmul.f32 $8.000000000e+00, v63;
	[tilespmem:v36+s22+$0x0] =	vst.idx.msk $0xffff, v26;
	v47 =	vld [tilespmem:s7+$0xFFFFFFA0]  }
0x91: {  	v48 =	vadd.s32 v2, v13;
	v21 =	vadd.f32 v21, v4;
	v23 =	vmul.f32 $8.000000000e+00, v37;
	[tilespmem:v39+s22+$0x0] =	vst.idx.msk $0xffff, v44;
	v49 =	vld [tilespmem:s7+$0xFFFFFFE0]  }
0x92: {  	[tilespmem:v19+s22+$0x0] =	vst.idx.msk $0xffff, v24;
	v51 =	vadd.s32 v2, v11;
	v50 =	vadd.f32 v25, v5;
	v22 =	vmul.f32 $8.000000000e+00, v40;
	v52 =	vld [tilespmem:s7+$0x20]  }
0x93: {  	v54 =	vadd.s32 v2, v31;
	[tilespmem:v14+s22+$0x0] =	vst.idx.msk $0xffff, v21;
	v53 =	vadd.f32 v23, v5;
	v18 =	vmul.f32 $8.000000000e+00, v42  }
0x94: {  	v56 =	vadd.s32 v2, v12;
	[tilespmem:v43+s22+$0x0] =	vst.idx.msk $0xffff, v50;
	v55 =	vadd.f32 v22, v5;
	v10 =	vmul.f32 $8.000000000e+00, v45  }
0x95: {  	v60 =	vadd.s32 v2, v20;
	v57 =	vld [tilespmem:s4+$0x70];
	[tilespmem:v46+s22+$0x0] =	vst.idx.msk $0xffff, v53;
	v58 =	vadd.f32 v18, v5;
	v59 =	vmul.f32 $8.000000000e+00, v47  }
0x96: {  	v32 =	vadd.s32 v2, v35;
	[tilespmem:v48+s22+$0x0] =	vst.idx.msk $0xffff, v55;
	v61 =	vld [tilespmem:s4+$0xFFFFFFB0];
	v63 =	vmul.f32 $8.000000000e+00, v49;
	v62 =	vadd.f32 v10, v5  }
0x97: {  	v33 =	vld [tilespmem:s4+$0xFFFFFFF0];
	[tilespmem:v51+s22+$0x0] =	vst.idx.msk $0xffff, v58;
	v36 =	vmul.f32 $8.000000000e+00, v52;
	v34 =	vadd.f32 v59, v5  }
0x98: {  	v6 =	vadd.s32 v3, v6;
	v17 =	vmul.f32 $8.000000000e+00, v17;
	v24 =	vld [tilespmem:s4+$0x30];
	v37 =	vadd.f32 v63, v5;
	[tilespmem:v54+s22+$0x0] =	vst.idx.msk $0xffff, v62  }
0x99: {  	v38 =	vmul.f32 $8.000000000e+00, v16;
	v39 =	vadd.s32 v3, v9;
	v5 =	vadd.f32 v36, v5;
	v40 =	vld [tilespmem:s7+$0x70];
	[tilespmem:v56+s22+$0x0] =	vst.idx.msk $0xffff, v34  }
0x9a: {  	v43 =	vmul.f32 $8.000000000e+00, v57;
	v42 =	vadd.s32 v3, v8;
	v41 =	vadd.f32 v17, v4;
	[tilespmem:v60+s22+$0x0] =	vst.idx.msk $0xffff, v37;
	v44 =	vld [tilespmem:s7+$0xFFFFFFB0]  }
0x9b: {  	v46 =	vadd.s32 v3, v13;
	v45 =	vadd.f32 v38, v4;
	v47 =	vmul.f32 $8.000000000e+00, v61;
	[tilespmem:v32+s22+$0x0] =	vst.idx.msk $0xffff, v5;
	v48 =	vld [tilespmem:s7+$0xFFFFFFF0]  }
0x9c: {  	v50 =	vmul.f32 $8.000000000e+00, v33;
	[tilespmem:v15+s22+$0x0] =	vst.idx.msk $0xffff, v41;
	v49 =	vadd.s32 v3, v11;
	v5 =	vadd.f32 v43, v4;
	v51 =	vld [tilespmem:s7+$0x30]  }
0x9d: {  	[tilespmem:v6+s22+$0x0] =	vst.idx.msk $0xffff, v45;
	v52 =	vadd.f32 v47, v4;
	v53 =	vmul.f32 $8.000000000e+00, v24;
	v54 =	vadd.s32 v3, v31  }
0x9e: {  	v55 =	vadd.s32 v3, v12;
	[tilespmem:v39+s22+$0x0] =	vst.idx.msk $0xffff, v5;
	v5 =	vadd.f32 v50, v4;
	v56 =	vmul.f32 $8.000000000e+00, v40  }
0x9f: {  	v58 =	vadd.s32 v3, v20;
	[tilespmem:v42+s22+$0x0] =	vst.idx.msk $0xffff, v52;
	v57 =	vadd.f32 v53, v4;
	v59 =	vmul.f32 $8.000000000e+00, v44  }
0xa0: {  	v60 =	vadd.s32 v3, v35;
	[tilespmem:v46+s22+$0x0] =	vst.idx.msk $0xffff, v5;
	v61 =	vmul.f32 $8.000000000e+00, v48;
	v5 =	vadd.f32 v56, v4  }
0xa1: {  	s4 =	smul.u32 $0x140000, s16;
	[tilespmem:v49+s22+$0x0] =	vst.idx.msk $0xffff, v57;
	v63 =	vmul.f32 $8.000000000e+00, v51;
	v62 =	vadd.f32 v59, v4  }
0xa2: {  	[tilespmem:v54+s22+$0x0] =	vst.idx.msk $0xffff, v5;
	v5 =	vadd.f32 v61, v4  }
0xa3: {  	s0 =	sor.u32 s5, s4;
	v4 =	vadd.f32 v63, v4;
	[tilespmem:v55+s22+$0x0] =	vst.idx.msk $0xffff, v62  }
0xa4: {  	s0 =	sshrl.u32 s0, $0x3;
	[tilespmem:v58+s22+$0x0] =	vst.idx.msk $0xffff, v5  }
0xa5: {  	s4 =	sadd.s32 s1, s0;
	s7 =	simm.s32 $0x13600;
	[tilespmem:v60+s22+$0x0] =	vst.idx.msk $0xffff, v4  }
0xa6: {  	[hbm4b:s4+s3] =	stream.linear.scatter [tilespmem:s7], [sflag:$0x6], $0x80, $0x38;
	[tilespmem:$0x1E000] =	vst v63  }
0xa7: {  	s8 =	simm.s32 $0x13688;
	s11 =	sadd.s32 $0x10, s4  }
0xa8: {  	[hbm4b:s11+s3] =	stream.linear.scatter [tilespmem:s8], [sflag:$0x6], $0x80, $0x38;
	[tilespmem:$0x1E000] =	vst v63  }
0xa9: {  	s14 =	simm.s32 $0x13710;
	s0 =	simm.s32 $0x440;
	s19 =	sadd.s32 $0x20, s4  }
0xaa: {  	[hbm4b:s19+s3] =	stream.linear.scatter [tilespmem:s14], [sflag:$0x6], $0x80, $0x38;
	[tilespmem:$0x1E000] =	vst v63  }
0xab: {  	s7 =	simm.s32 $0x2200;
	s8 =	simm.s32 $0x13798;
	s11 =	sadd.s32 $0x30, s4  }
0xac: {  	[hbm4b:s11+s3] =	stream.linear.scatter [tilespmem:s8], [sflag:$0x6], $0x80, $0x38;
	[tilespmem:$0x1E000] =	vst v63  }
0xad: {  	s14 =	simm.s32 $0x13820;
	s19 =	sadd.s32 $0x40, s4;
	s8 =	simm.s32 $0x138A8  }
0xae: {  	[hbm4b:s19+s3] =	stream.linear.scatter [tilespmem:s14], [sflag:$0x6], $0x80, $0x38;
	[tilespmem:$0x1E000] =	vst v63  }
0xaf: {  	s11 =	sadd.s32 $0x50, s4;
	s14 =	simm.s32 $0x13930;
	s19 =	sadd.s32 $0x60, s4  }
0xb0: {  	[hbm4b:s11+s3] =	stream.linear.scatter [tilespmem:s8], [sflag:$0x6], $0x80, $0x38;
	[tilespmem:$0x1E000] =	vst v63  }
0xb1: {  	s8 =	simm.s32 $0x139B8;
	s11 =	sadd.s32 $0x70, s4;
	s4 =	sadd.s32 $0x1000, s4  }
0xb2: {  	[hbm4b:s19+s3] =	stream.linear.scatter [tilespmem:s14], [sflag:$0x6], $0x80, $0x38;
	[tilespmem:$0x1E000] =	vst v63  }
.LBB2_7:
0xb3: {  	[hbm4b:s11+s3] =	stream.linear.scatter [tilespmem:s8], [sflag:$0x6], $0x80, $0x38;
	[tilespmem:$0x1E000] =	vst v63  }
0xb4: {  	s8 =	smov.u32 s0;
	s0 =	smov.u32 s7  }
0xb5: {  	s19 =	sadd.s32 $0x1100, s7;
	s0 =	sshra.s32 s0, $0x2;
	s11 =	sadd.s32 $0x13600, s8  }
0xb6: {  	[hbm4b:s4+s3] =	stream.linear.scatter [tilespmem:s11], [sflag:$0x6], $0x80, $0x38;
	[tilespmem:$0x1E000] =	vst v63  }
0xb7: {  	p0 =	sne.s32 s7, $0x7700;
	s7 =	sadd.s32 $0x13688, s8;
	s11 =	sadd.s32 $0x10, s4  }
0xb8: {  	[hbm4b:s11+s3] =	stream.linear.scatter [tilespmem:s7], [sflag:$0x6], $0x80, $0x38;
	[tilespmem:$0x1E000] =	vst v63  }
0xb9: {  	s7 =	sadd.s32 $0x13710, s8;
	s11 =	sadd.s32 $0x20, s4  }
0xba: {  	[hbm4b:s11+s3] =	stream.linear.scatter [tilespmem:s7], [sflag:$0x6], $0x80, $0x38;
	[tilespmem:$0x1E000] =	vst v63  }
0xbb: {  	s7 =	sadd.s32 $0x13798, s8;
	s11 =	sadd.s32 $0x30, s4  }
0xbc: {  	[hbm4b:s11+s3] =	stream.linear.scatter [tilespmem:s7], [sflag:$0x6], $0x80, $0x38;
	[tilespmem:$0x1E000] =	vst v63  }
0xbd: {  	s7 =	sadd.s32 $0x13820, s8;
	s11 =	sadd.s32 $0x40, s4  }
0xbe: {  	[hbm4b:s11+s3] =	stream.linear.scatter [tilespmem:s7], [sflag:$0x6], $0x80, $0x38;
	[tilespmem:$0x1E000] =	vst v63  }
.Ltmp2:
0xbf: {  	s7 =	sadd.s32 $0x138A8, s8;
	s11 =	sadd.s32 $0x50, s4;
	(pc) =	sbr.rel @p0 .LBB2_7-.Ltmp2, $4  }
0xc0: {  	[hbm4b:s11+s3] =	stream.linear.scatter [tilespmem:s7], [sflag:$0x6], $0x80, $0x38;
	[tilespmem:$0x1E000] =	vst v63  }
0xc1: {  	s7 =	sadd.s32 $0x13930, s8;
	s11 =	sadd.s32 $0x60, s4;
	s8 =	sadd.s32 $0x139B8, s8  }
0xc2: {  	[hbm4b:s11+s3] =	stream.linear.scatter [tilespmem:s7], [sflag:$0x6], $0x80, $0x38;
	[tilespmem:$0x1E000] =	vst v63  }
0xc3: {  	s11 =	sadd.s32 $0x70, s4;
	s4 =	sadd.s32 $0x1000, s4;
	s7 =	smov.u32 s19  }
0xc4: {  	[hbm4b:s11+s3] =	stream.linear.scatter [tilespmem:s8], [sflag:$0x6], $0x80, $0x38;
	[tilespmem:$0x1E000] =	vst v63  }
0xc5: {  	s7 =	sadd.s32 $0x13600, s0  }
0xc6: {  	[hbm4b:s4+s3] =	stream.linear.scatter [tilespmem:s7], [sflag:$0x6], $0x80, $0x38;
	[tilespmem:$0x1E000] =	vst v63  }
0xc7: {  	s8 =	sadd.s32 $0x13688, s0;
	s11 =	sadd.s32 $0x10, s4  }
0xc8: {  	[hbm4b:s11+s3] =	stream.linear.scatter [tilespmem:s8], [sflag:$0x6], $0x80, $0x38;
	[tilespmem:$0x1E000] =	vst v63  }
0xc9: {  	s14 =	sadd.s32 $0x13710, s0;
	s19 =	sadd.s32 $0x20, s4  }
0xca: {  	[hbm4b:s19+s3] =	stream.linear.scatter [tilespmem:s14], [sflag:$0x6], $0x80, $0x38;
	[tilespmem:$0x1E000] =	vst v63  }
0xcb: {  	s8 =	sadd.s32 $0x13798, s0;
	s11 =	sadd.s32 $0x30, s4  }
0xcc: {  	[hbm4b:s11+s3] =	stream.linear.scatter [tilespmem:s8], [sflag:$0x6], $0x80, $0x38;
	[tilespmem:$0x1E000] =	vst v63  }
0xcd: {  	s14 =	sadd.s32 $0x13820, s0;
	s19 =	sadd.s32 $0x40, s4  }
0xce: {  	[hbm4b:s19+s3] =	stream.linear.scatter [tilespmem:s14], [sflag:$0x6], $0x80, $0x38;
	[tilespmem:$0x1E000] =	vst v63  }
0xcf: {  	p0 =	seq.s32 s16, $0x27;
	s8 =	sadd.s32 $0x138A8, s0;
	s11 =	sadd.s32 $0x50, s4  }
0xd0: {  	[hbm4b:s11+s3] =	stream.linear.scatter [tilespmem:s8], [sflag:$0x6], $0x80, $0x38;
	[tilespmem:$0x1E000] =	vst v63  }
0xd1: {  	p1 =	seq.s32 @!p0 s16, $0x0;
	s14 =	sadd.s32 $0x13930, s0;
	s19 =	sadd.s32 $0x60, s4  }
0xd2: {  	[hbm4b:s19+s3] =	stream.linear.scatter [tilespmem:s14], [sflag:$0x6], $0x80, $0x38;
	[tilespmem:$0x1E000] =	vst v63  }
0xd3: {  	s7 =	sadd.s32 $0x139B8, s0;
	s8 =	sadd.s32 $0x70, s4;
	s19 =	smul.u32 @!p0 $0xA00, s16  }
0xd4: {  	[hbm4b:s8+s3] =	stream.linear.scatter [tilespmem:s7], [sflag:$0x6], $0x80, $0x38;
	[tilespmem:$0x1E000] =	vst v63  }
0xd5: {  	p1 =	por p0, !p1;
	s0 =	sadd.s32 @!p0 $0xA00, s19;
	_ =	swait.ge [sflag:s23], $0x2000  }
0xd6: {  	s4 =	simm.s32 @!p0 $0x80;
	s0 =	sand.u32 @!p0 $0x7FE00, s0;
	[sflag:s23] =	ssyncset.done $0x0  }
0xd7: {  	s7 =	simm.s32 @!p0 $0x9600;
	s0 =	sshrl.u32 @!p0 s0, $0x2;
	[sflag:s23] =	ssyncadd.s32 $0xFFFFE000  }
0xd8: {  	[tilespmem:s7], [sflag:$0x1] =	stream.indirect.gather @!p0 [hbm4b:s6+s4], $0x40, s0, s4, $0xb8;
	[tilespmem:$0x1E000] =	vst v63  }
0xd9: {  	_ =	swait.ge @p1 [sflag:s2], $0x2000  }
0xda: {  	[sflag:s2] =	ssyncset.done @p1 $0x0  }
0xdb: {  	s8 =	simm.s32 $0xB680;
	s4 =	sadd.s32 $0x1, s18;
	[sflag:s2] =	ssyncadd.s32 @p1 $0xFFFFE000  }
0xdc: {  	s11 =	sshll.u32 s4, $0x6;
	v4 =	vld [tilespmem:s8+$0x40]  }
0xdd: {  	s14 =	simm.s32 $0x3;
	s0 =	sand.u32 $0x3FFFFFC0, s11  }
0xde: {  	v5 =	vmov s14;
	v10 =	vld [tilespmem:s0+$0x6400]  }
0xdf: {  	v15 =	vand.u32 $0x7F, v5  }
0xe0: {  	v9 =	vadd.s32 v0, v15;
	v8 =	vld [tilespmem:s8+$0xFFFFFF80]  }
0xe1: {  	s11 =	simm.s32 $0x0;
	v11 =	vld [tilespmem:s8+$0xFFFFFFC0];
	v4 =	vmul.f32 $8.000000000e+00, v4  }
0xe2: {  	s14 =	simm.s32 $0x1;
	v6 =	vmov s11;
	v12 =	vld [tilespmem:s8+$0x0]  }
0xe3: {  	s11 =	simm.s32 $0x2;
	v7 =	vld [tilespmem:s0+$0x6410];
	v14 =	vand.u32 $0x7C, v6;
	v6 =	vmov s14;
	v13 =	vadd.f32 v4, v10  }
0xe4: {  	v5 =	vld [tilespmem:s0+$0x6420];
	v17 =	vmov s11;
	v16 =	vadd.s32 v0, v14;
	v30 =	vand.u32 $0x7D, v6  }
0xe5: {  	v6 =	vand.u32 $0x7E, v17;
	v17 =	vadd.s32 v0, v30;
	v8 =	vmul.f32 $8.000000000e+00, v8;
	v4 =	vld [tilespmem:s0+$0x6430];
	[tilespmem:v9+s24+$0x0] =	vst.idx.msk $0xffff, v13  }
0xe6: {  	v9 =	vmul.f32 $8.000000000e+00, v11;
	v11 =	vadd.s32 v0, v6;
	v13 =	vld [tilespmem:s8+$0x50]  }
0xe7: {  	v12 =	vmul.f32 $8.000000000e+00, v12;
	v8 =	vadd.f32 v8, v10  }
0xe8: {  	v9 =	vadd.f32 v9, v10  }
0xe9: {  	[tilespmem:v16+s24+$0x0] =	vst.idx.msk $0xffff, v8;
	v8 =	vadd.f32 v12, v10  }
0xea: {  	v12 =	vld [tilespmem:s8+$0xFFFFFF90];
	[tilespmem:v17+s24+$0x0] =	vst.idx.msk $0xffff, v9;
	v9 =	vadd.s32 v1, v15  }
0xeb: {  	v16 =	vld [tilespmem:s8+$0xFFFFFFD0];
	[tilespmem:v11+s24+$0x0] =	vst.idx.msk $0xffff, v8;
	v8 =	vmul.f32 $8.000000000e+00, v13  }
0xec: {  	s7 =	simm.s32 $0xB780;
	v11 =	vld [tilespmem:s8+$0x10]  }
0xed: {  	v19 =	vld [tilespmem:s7+$0x40];
	v8 =	vadd.f32 v8, v7  }
0xee: {  	v26 =	vadd.s32 v2, v15;
	s14 =	simm.s32 $0x4;
	v13 =	vadd.s32 v1, v14  }
0xef: {  	v18 =	vadd.s32 v1, v30;
	v17 =	vmov s14;
	v12 =	vmul.f32 $8.000000000e+00, v12;
	[tilespmem:v9+s24+$0x0] =	vst.idx.msk $0xffff, v8  }
0xf0: {  	s11 =	simm.s32 $0x7;
	v8 =	vand.u32 $0x7C, v17;
	v9 =	vmul.f32 $8.000000000e+00, v16;
	v16 =	vadd.s32 v1, v6;
	v17 =	vld [tilespmem:s8+$0x60]  }
0xf1: {  	v20 =	vld [tilespmem:s7+$0xFFFFFF80];
	v21 =	vmov s11;
	v12 =	vadd.f32 v12, v7;
	v11 =	vmul.f32 $8.000000000e+00, v11  }
0xf2: {  	v24 =	vld [tilespmem:s7+$0xFFFFFFC0];
	v19 =	vmul.f32 $8.000000000e+00, v19;
	v23 =	vadd.f32 v9, v7;
	v9 =	vand.u32 $0x7F, v21  }
0xf3: {  	s14 =	simm.s32 $0x5;
	[tilespmem:v13+s24+$0x0] =	vst.idx.msk $0xffff, v12;
	v12 =	vld [tilespmem:s7+$0x0];
	v11 =	vadd.f32 v11, v7;
	v25 =	vadd.s32 v0, v9  }
0xf4: {  	s11 =	simm.s32 $0x6;
	v19 =	vadd.f32 v19, v10;
	v22 =	vadd.s32 v0, v8;
	v21 =	vmov s14;
	[tilespmem:v18+s24+$0x0] =	vst.idx.msk $0xffff, v23;
	v23 =	vld [tilespmem:s8+$0xFFFFFFA0]  }
0xf5: {  	v13 =	vand.u32 $0x7D, v21;
	v18 =	vmov s11;
	[tilespmem:v16+s24+$0x0] =	vst.idx.msk $0xffff, v11;
	v16 =	vld [tilespmem:s8+$0xFFFFFFE0];
	v17 =	vmul.f32 $8.000000000e+00, v17  }
0xf6: {  	v11 =	vand.u32 $0x7E, v18;
	v18 =	vmul.f32 $8.000000000e+00, v20;
	v20 =	vadd.s32 v0, v13;
	v21 =	vld [tilespmem:s8+$0x20]  }
0xf7: {  	v24 =	vmul.f32 $8.000000000e+00, v24;
	v27 =	vadd.s32 v0, v11;
	v17 =	vadd.f32 v17, v5  }
0xf8: {  	v12 =	vmul.f32 $8.000000000e+00, v12;
	v18 =	vadd.f32 v18, v10;
	[tilespmem:v25+s24+$0x0] =	vst.idx.msk $0xffff, v19;
	v19 =	vadd.s32 v2, v14  }
0xf9: {  	v24 =	vadd.f32 v24, v10;
	v25 =	vld [tilespmem:s7+$0x50];
	v23 =	vmul.f32 $8.000000000e+00, v23;
	[tilespmem:v26+s24+$0x0] =	vst.idx.msk $0xffff, v17;
	v17 =	vadd.s32 v2, v30  }
0xfa: {  	[tilespmem:v22+s24+$0x0] =	vst.idx.msk $0xffff, v18;
	v18 =	vadd.f32 v12, v10;
	v16 =	vmul.f32 $8.000000000e+00, v16;
	v26 =	vadd.s32 v2, v6;
	v22 =	vld [tilespmem:s8+$0x70]  }
0xfb: {  	s0 =	simm.s32 $0x8;
	v28 =	vld [tilespmem:s7+$0xFFFFFF90];
	[tilespmem:v20+s24+$0x0] =	vst.idx.msk $0xffff, v24;
	v21 =	vmul.f32 $8.000000000e+00, v21;
	v23 =	vadd.f32 v23, v5  }
0xfc: {  	v31 =	vadd.s32 v1, v9;
	v12 =	vmov s0;
	v24 =	vld [tilespmem:s7+$0xFFFFFFD0];
	[tilespmem:v27+s24+$0x0] =	vst.idx.msk $0xffff, v18;
	v16 =	vadd.f32 v16, v5  }
0xfd: {  	s14 =	simm.s32 $0x9;
	v14 =	vadd.s32 v3, v14;
	v12 =	vand.u32 $0x7C, v12;
	v27 =	vld [tilespmem:s7+$0x10];
	v29 =	vadd.f32 v21, v5;
	[tilespmem:v19+s24+$0x0] =	vst.idx.msk $0xffff, v23  }
0xfe: {  	v20 =	vmov s14;
	v19 =	vadd.s32 v3, v15;
	v32 =	vmul.f32 $8.000000000e+00, v25;
	v21 =	vld [tilespmem:s8+$0xFFFFFFB0];
	[tilespmem:v17+s24+$0x0] =	vst.idx.msk $0xffff, v16  }
0xff: {  	v18 =	vadd.s32 v0, v12;
	v25 =	vadd.s32 v1, v8;
	[tilespmem:v26+s24+$0x0] =	vst.idx.msk $0xffff, v29;
	v15 =	vmul.f32 $8.000000000e+00, v22;
	v17 =	vld [tilespmem:s8+$0xFFFFFFF0]  }
0x100: {  	v23 =	vadd.s32 v1, v13;
	v28 =	vmul.f32 $8.000000000e+00, v28;
	v32 =	vadd.f32 v32, v7;
	v16 =	vld [tilespmem:s8+$0x30]  }
0x101: {  	v26 =	vmul.f32 $8.000000000e+00, v24;
	v22 =	vadd.s32 v1, v11;
	s8 =	simm.s32 $0xB880;
	v24 =	vadd.f32 v15, v4  }
0x102: {  	s11 =	simm.s32 $0xC;
	v29 =	vld [tilespmem:s8+$0x40];
	v28 =	vadd.f32 v28, v7;
	v27 =	vmul.f32 $8.000000000e+00, v27;
	[tilespmem:v31+s24+$0x0] =	vst.idx.msk $0xffff, v32;
	v15 =	vadd.s32 v3, v30  }
.LBB2_9:
0x103: {  	p2 =	slt.u32 s11, $0x7C;
	s14 =	sadd.s32 $0x3, s0;
	v26 =	vadd.f32 v26, v7;
	v30 =	vld [tilespmem:s7+$0x60];
	v21 =	vmul.f32 $8.000000000e+00, v21;
	v31 =	vadd.s32 v3, v6;
	[tilespmem:v19+s24+$0x0] =	vst.idx.msk $0xffff, v24  }
0x104: {  	v32 =	vmovc v13;
	v6 =	vmovc v11;
	v19 =	vld [tilespmem:s8+$0xFFFFFF80];
	v24 =	vmov s14;
	[tilespmem:v25+s24+$0x0] =	vst.idx.msk $0xffff, v28;
	v25 =	vadd.f32 v27, v7;
	v17 =	vmul.f32 $8.000000000e+00, v17  }
0x105: {  	s14 =	sadd.s32 $0x2, s0;
	s0 =	smov.u32 s11;
	v27 =	vld [tilespmem:s8+$0xFFFFFFC0];
	v24 =	vand.u32 $0x7F, v24;
	[tilespmem:v23+s24+$0x0] =	vst.idx.msk $0xffff, v26;
	v11 =	vadd.f32 v21, v4;
	v13 =	vmul.f32 $8.000000000e+00, v16  }
0x106: {  	v16 =	vmov s14;
	v21 =	vld [tilespmem:s8+$0x0];
	v23 =	vadd.s32 v0, v24;
	[tilespmem:v22+s24+$0x0] =	vst.idx.msk $0xffff, v25;
	v17 =	vadd.f32 v17, v4  }
0x107: {  	v26 =	vadd.s32 v2, v9;
	v22 =	vmul.f32 $8.000000000e+00, v29;
	v25 =	vld [tilespmem:s7+$0xFFFFFFA0];
	[tilespmem:v14+s24+$0x0] =	vst.idx.msk $0xffff, v11;
	v14 =	vadd.f32 v13, v4  }
0x108: {  	v13 =	vand.u32 $0x7D, v20;
	v11 =	vand.u32 $0x7E, v16;
	v16 =	vld [tilespmem:s7+$0xFFFFFFE0];
	v20 =	vmul.f32 $8.000000000e+00, v30;
	[tilespmem:v15+s24+$0x0] =	vst.idx.msk $0xffff, v17  }
0x109: {  	v17 =	vadd.s32 v0, v13;
	v15 =	vmul.f32 $8.000000000e+00, v19;
	v19 =	vadd.f32 v22, v10;
	v22 =	vld [tilespmem:s7+$0x20];
	[tilespmem:v31+s24+$0x0] =	vst.idx.msk $0xffff, v14  }
0x10a: {  	v14 =	vmul.f32 $8.000000000e+00, v27;
	v27 =	vadd.s32 v0, v11;
	v20 =	vadd.f32 v20, v5  }
0x10b: {  	v15 =	vadd.f32 v15, v10;
	v21 =	vmul.f32 $8.000000000e+00, v21;
	[tilespmem:v23+s24+$0x0] =	vst.idx.msk $0xffff, v19;
	v19 =	vadd.s32 v2, v8  }
0x10c: {  	v28 =	vadd.s32 v2, v32;
	v14 =	vadd.f32 v14, v10;
	v23 =	vld [tilespmem:s8+$0x50];
	v25 =	vmul.f32 $8.000000000e+00, v25;
	[tilespmem:v26+s24+$0x0] =	vst.idx.msk $0xffff, v20  }
0x10d: {  	v26 =	vadd.s32 v2, v6;
	[tilespmem:v18+s24+$0x0] =	vst.idx.msk $0xffff, v15;
	v15 =	vadd.f32 v21, v10;
	v16 =	vmul.f32 $8.000000000e+00, v16;
	v29 =	vld [tilespmem:s7+$0x70]  }
0x10e: {  	v18 =	vmov s11;
	v30 =	vld [tilespmem:s8+$0xFFFFFF90];
	[tilespmem:v17+s24+$0x0] =	vst.idx.msk $0xffff, v14;
	v14 =	vadd.f32 v25, v5;
	v17 =	vmul.f32 $8.000000000e+00, v22  }
0x10f: {  	s14 =	sadd.s32 $0x1, s11;
	v31 =	vand.u32 $0x7C, v18;
	v22 =	vld [tilespmem:s8+$0xFFFFFFD0];
	[tilespmem:v27+s24+$0x0] =	vst.idx.msk $0xffff, v15;
	v15 =	vadd.f32 v16, v5  }
0x110: {  	v33 =	vadd.s32 v1, v24;
	v20 =	vmov s14;
	v27 =	vld [tilespmem:s8+$0x10];
	[tilespmem:v19+s24+$0x0] =	vst.idx.msk $0xffff, v14;
	v16 =	vadd.f32 v17, v5  }
.Ltmp3:
0x111: {  	v14 =	vadd.s32 v3, v8;
	v19 =	vadd.s32 v3, v9;
	v34 =	vmul.f32 $8.000000000e+00, v23;
	v21 =	vld [tilespmem:s7+$0xFFFFFFB0];
	[tilespmem:v28+s24+$0x0] =	vst.idx.msk $0xffff, v15;
	(pc) =	sbr.rel @p2 .LBB2_9-.Ltmp3, $4  }
0x112: {  	v25 =	vadd.s32 v1, v12;
	v18 =	vadd.s32 v0, v31;
	v17 =	vld [tilespmem:s7+$0xFFFFFFF0];
	[tilespmem:v26+s24+$0x0] =	vst.idx.msk $0xffff, v16;
	v15 =	vmul.f32 $8.000000000e+00, v29  }
0x113: {  	v9 =	vmovc v24;
	v8 =	vmovc v12;
	v23 =	vadd.s32 v1, v13;
	v28 =	vmul.f32 $8.000000000e+00, v30;
	v30 =	vadd.f32 v34, v7;
	v16 =	vld [tilespmem:s7+$0x30];
	s7 =	smov.u32 s8  }
0x114: {  	v12 =	vmovc v31;
	s8 =	sadd.s32 $0x100, s8;
	v26 =	vmul.f32 $8.000000000e+00, v22;
	v22 =	vadd.s32 v1, v11;
	v24 =	vadd.f32 v15, v4  }
0x115: {  	s11 =	sadd.s32 $0x4, s11;
	v15 =	vadd.s32 v3, v32;
	v29 =	vld [tilespmem:s8+$0x40];
	v28 =	vadd.f32 v28, v7;
	v27 =	vmul.f32 $8.000000000e+00, v27;
	[tilespmem:v33+s24+$0x0] =	vst.idx.msk $0xffff, v30  }
0x116: {  	s11 =	sadd.s32 $0x3, s0;
	v30 =	vld [tilespmem:s8+$0xFFFFFF80]  }
0x117: {  	v32 =	vld [tilespmem:s8+$0xFFFFFFC0];
	v31 =	vmov s11  }
0x118: {  	v33 =	vld [tilespmem:s8+$0x0];
	v31 =	vand.u32 $0x7F, v31  }
0x119: {  	s14 =	sadd.s32 $0x2, s0;
	v34 =	vadd.s32 v0, v31  }
0x11a: {  	v20 =	vand.u32 $0x7D, v20;
	v35 =	vmov s14;
	v29 =	vmul.f32 $8.000000000e+00, v29  }
0x11b: {  	v36 =	vadd.s32 v0, v20;
	v35 =	vand.u32 $0x7E, v35;
	v30 =	vmul.f32 $8.000000000e+00, v30  }
0x11c: {  	v37 =	vadd.s32 v0, v35;
	v32 =	vmul.f32 $8.000000000e+00, v32;
	v29 =	vadd.f32 v29, v10  }
0x11d: {  	v33 =	vmul.f32 $8.000000000e+00, v33;
	v30 =	vadd.f32 v30, v10  }
0x11e: {  	v58 =	vadd.f32 v32, v10;
	[tilespmem:v34+s24+$0x0] =	vst.idx.msk $0xffff, v29  }
0x11f: {  	v60 =	vadd.f32 v33, v10;
	[tilespmem:v18+s24+$0x0] =	vst.idx.msk $0xffff, v30;
	v59 =	vld [tilespmem:s8+$0x50]  }
0x120: {  	[tilespmem:v36+s24+$0x0] =	vst.idx.msk $0xffff, v58;
	v30 =	vld [tilespmem:s8+$0xFFFFFF90]  }
0x121: {  	[tilespmem:v37+s24+$0x0] =	vst.idx.msk $0xffff, v60;
	v29 =	vld [tilespmem:s8+$0xFFFFFFD0]  }
0x122: {  	v10 =	vld [tilespmem:s8+$0x10]  }
0x123: {  	v61 =	vadd.s32 v1, v31  }
0x124: {  	v26 =	vadd.f32 v26, v7;
	v62 =	vadd.s32 v1, v12;
	v18 =	vmul.f32 $8.000000000e+00, v59  }
0x125: {  	v63 =	vld [tilespmem:s7+$0x60];
	[tilespmem:v25+s24+$0x0] =	vst.idx.msk $0xffff, v28;
	v27 =	vadd.f32 v27, v7;
	v36 =	vadd.s32 v1, v20;
	v34 =	vmul.f32 $8.000000000e+00, v30  }
0x126: {  	[tilespmem:v23+s24+$0x0] =	vst.idx.msk $0xffff, v26;
	v39 =	vadd.s32 v1, v35;
	v37 =	vld [tilespmem:s7+$0xFFFFFFA0];
	v38 =	vmul.f32 $8.000000000e+00, v29;
	v18 =	vadd.f32 v18, v7  }
0x127: {  	[tilespmem:v22+s24+$0x0] =	vst.idx.msk $0xffff, v27;
	v40 =	vld [tilespmem:s7+$0xFFFFFFE0];
	v10 =	vmul.f32 $8.000000000e+00, v10;
	v41 =	vadd.f32 v34, v7  }
0x128: {  	v42 =	vld [tilespmem:s7+$0x20];
	v26 =	vadd.f32 v38, v7;
	[tilespmem:v61+s24+$0x0] =	vst.idx.msk $0xffff, v18  }
0x129: {  	v21 =	vmul.f32 $8.000000000e+00, v21;
	v43 =	vadd.s32 v2, v9;
	v44 =	vadd.f32 v10, v7;
	[tilespmem:v62+s24+$0x0] =	vst.idx.msk $0xffff, v41;
	v45 =	vld [tilespmem:s8+$0x60]  }
0x12a: {  	v46 =	vadd.s32 v2, v8;
	v25 =	vmul.f32 $8.000000000e+00, v63;
	[tilespmem:v36+s24+$0x0] =	vst.idx.msk $0xffff, v26;
	v47 =	vld [tilespmem:s8+$0xFFFFFFA0]  }
0x12b: {  	v48 =	vadd.s32 v2, v13;
	v21 =	vadd.f32 v21, v4;
	v23 =	vmul.f32 $8.000000000e+00, v37;
	[tilespmem:v39+s24+$0x0] =	vst.idx.msk $0xffff, v44;
	v49 =	vld [tilespmem:s8+$0xFFFFFFE0]  }
0x12c: {  	[tilespmem:v19+s24+$0x0] =	vst.idx.msk $0xffff, v24;
	v51 =	vadd.s32 v2, v11;
	v50 =	vadd.f32 v25, v5;
	v22 =	vmul.f32 $8.000000000e+00, v40;
	v52 =	vld [tilespmem:s8+$0x20]  }
0x12d: {  	v54 =	vadd.s32 v2, v31;
	[tilespmem:v14+s24+$0x0] =	vst.idx.msk $0xffff, v21;
	v53 =	vadd.f32 v23, v5;
	v18 =	vmul.f32 $8.000000000e+00, v42  }
0x12e: {  	v56 =	vadd.s32 v2, v12;
	[tilespmem:v43+s24+$0x0] =	vst.idx.msk $0xffff, v50;
	v55 =	vadd.f32 v22, v5;
	v10 =	vmul.f32 $8.000000000e+00, v45  }
0x12f: {  	v60 =	vadd.s32 v2, v20;
	v57 =	vld [tilespmem:s7+$0x70];
	[tilespmem:v46+s24+$0x0] =	vst.idx.msk $0xffff, v53;
	v58 =	vadd.f32 v18, v5;
	v59 =	vmul.f32 $8.000000000e+00, v47  }
0x130: {  	v32 =	vadd.s32 v2, v35;
	[tilespmem:v48+s24+$0x0] =	vst.idx.msk $0xffff, v55;
	v61 =	vld [tilespmem:s7+$0xFFFFFFB0];
	v63 =	vmul.f32 $8.000000000e+00, v49;
	v62 =	vadd.f32 v10, v5  }
0x131: {  	v33 =	vld [tilespmem:s7+$0xFFFFFFF0];
	[tilespmem:v51+s24+$0x0] =	vst.idx.msk $0xffff, v58;
	v36 =	vmul.f32 $8.000000000e+00, v52;
	v34 =	vadd.f32 v59, v5  }
0x132: {  	v6 =	vadd.s32 v3, v6;
	v17 =	vmul.f32 $8.000000000e+00, v17;
	v24 =	vld [tilespmem:s7+$0x30];
	v37 =	vadd.f32 v63, v5;
	[tilespmem:v54+s24+$0x0] =	vst.idx.msk $0xffff, v62  }
0x133: {  	v38 =	vmul.f32 $8.000000000e+00, v16;
	v39 =	vadd.s32 v3, v9;
	v5 =	vadd.f32 v36, v5;
	v40 =	vld [tilespmem:s8+$0x70];
	[tilespmem:v56+s24+$0x0] =	vst.idx.msk $0xffff, v34  }
0x134: {  	v43 =	vmul.f32 $8.000000000e+00, v57;
	v42 =	vadd.s32 v3, v8;
	v41 =	vadd.f32 v17, v4;
	[tilespmem:v60+s24+$0x0] =	vst.idx.msk $0xffff, v37;
	v44 =	vld [tilespmem:s8+$0xFFFFFFB0]  }
0x135: {  	v46 =	vadd.s32 v3, v13;
	v45 =	vadd.f32 v38, v4;
	v47 =	vmul.f32 $8.000000000e+00, v61;
	[tilespmem:v32+s24+$0x0] =	vst.idx.msk $0xffff, v5;
	v48 =	vld [tilespmem:s8+$0xFFFFFFF0]  }
0x136: {  	v50 =	vmul.f32 $8.000000000e+00, v33;
	[tilespmem:v15+s24+$0x0] =	vst.idx.msk $0xffff, v41;
	v49 =	vadd.s32 v3, v11;
	v5 =	vadd.f32 v43, v4;
	v51 =	vld [tilespmem:s8+$0x30]  }
0x137: {  	[tilespmem:v6+s24+$0x0] =	vst.idx.msk $0xffff, v45;
	v52 =	vadd.f32 v47, v4;
	v53 =	vmul.f32 $8.000000000e+00, v24;
	v54 =	vadd.s32 v3, v31  }
0x138: {  	v55 =	vadd.s32 v3, v12;
	[tilespmem:v39+s24+$0x0] =	vst.idx.msk $0xffff, v5;
	v5 =	vadd.f32 v50, v4;
	v56 =	vmul.f32 $8.000000000e+00, v40  }
0x139: {  	v58 =	vadd.s32 v3, v20;
	[tilespmem:v42+s24+$0x0] =	vst.idx.msk $0xffff, v52;
	v57 =	vadd.f32 v53, v4;
	v59 =	vmul.f32 $8.000000000e+00, v44  }
0x13a: {  	v60 =	vadd.s32 v3, v35;
	[tilespmem:v46+s24+$0x0] =	vst.idx.msk $0xffff, v5;
	v61 =	vmul.f32 $8.000000000e+00, v48;
	v5 =	vadd.f32 v56, v4  }
0x13b: {  	[tilespmem:v49+s24+$0x0] =	vst.idx.msk $0xffff, v57;
	v63 =	vmul.f32 $8.000000000e+00, v51;
	v62 =	vadd.f32 v59, v4  }
0x13c: {  	s11 =	sshll.u32 s4, $0x12;
	[tilespmem:v54+s24+$0x0] =	vst.idx.msk $0xffff, v5;
	v5 =	vadd.f32 v61, v4  }
0x13d: {  	s0 =	sor.u32 s5, s11;
	v4 =	vadd.f32 v63, v4;
	[tilespmem:v55+s24+$0x0] =	vst.idx.msk $0xffff, v62  }
0x13e: {  	s0 =	sshrl.u32 s0, $0x3;
	[tilespmem:v58+s24+$0x0] =	vst.idx.msk $0xffff, v5  }
0x13f: {  	s14 =	simm.s32 $0x15800;
	s4 =	sadd.s32 s1, s0;
	[tilespmem:v60+s24+$0x0] =	vst.idx.msk $0xffff, v4  }
0x140: {  	[hbm4b:s4+s3] =	stream.linear.scatter [tilespmem:s14], [sflag:$0x7], $0x80, $0x38;
	[tilespmem:$0x1E000] =	vst v63  }
0x141: {  	s7 =	simm.s32 $0x15888;
	s8 =	sadd.s32 $0x10, s4  }
0x142: {  	[hbm4b:s8+s3] =	stream.linear.scatter [tilespmem:s7], [sflag:$0x7], $0x80, $0x38;
	[tilespmem:$0x1E000] =	vst v63  }
0x143: {  	s11 =	simm.s32 $0x15910;
	s14 =	sadd.s32 $0x20, s4  }
0x144: {  	[hbm4b:s14+s3] =	stream.linear.scatter [tilespmem:s11], [sflag:$0x7], $0x80, $0x38;
	[tilespmem:$0x1E000] =	vst v63  }
0x145: {  	s7 =	simm.s32 $0x15998;
	s8 =	sadd.s32 $0x30, s4  }
0x146: {  	[hbm4b:s8+s3] =	stream.linear.scatter [tilespmem:s7], [sflag:$0x7], $0x80, $0x38;
	[tilespmem:$0x1E000] =	vst v63  }
0x147: {  	s11 =	simm.s32 $0x15A20;
	s14 =	sadd.s32 $0x40, s4  }
0x148: {  	[hbm4b:s14+s3] =	stream.linear.scatter [tilespmem:s11], [sflag:$0x7], $0x80, $0x38;
	[tilespmem:$0x1E000] =	vst v63  }
0x149: {  	s0 =	simm.s32 $0x440;
	s7 =	simm.s32 $0x15AA8;
	s8 =	sadd.s32 $0x50, s4  }
0x14a: {  	[hbm4b:s8+s3] =	stream.linear.scatter [tilespmem:s7], [sflag:$0x7], $0x80, $0x38;
	[tilespmem:$0x1E000] =	vst v63  }
0x14b: {  	s11 =	simm.s32 $0x15B30;
	s14 =	sadd.s32 $0x60, s4;
	s7 =	simm.s32 $0x2200  }
0x14c: {  	[hbm4b:s14+s3] =	stream.linear.scatter [tilespmem:s11], [sflag:$0x7], $0x80, $0x38;
	[tilespmem:$0x1E000] =	vst v63  }
0x14d: {  	s8 =	simm.s32 $0x15BB8;
	s11 =	sadd.s32 $0x70, s4;
	s4 =	sadd.s32 $0x1000, s4  }
.LBB2_11:
0x14e: {  	[hbm4b:s11+s3] =	stream.linear.scatter [tilespmem:s8], [sflag:$0x7], $0x80, $0x38;
	[tilespmem:$0x1E000] =	vst v63  }
0x14f: {  	s8 =	smov.u32 s0;
	s0 =	smov.u32 s7  }
0x150: {  	s14 =	sadd.s32 $0x1100, s7;
	s0 =	sshra.s32 s0, $0x2;
	s11 =	sadd.s32 $0x15800, s8  }
0x151: {  	[hbm4b:s4+s3] =	stream.linear.scatter [tilespmem:s11], [sflag:$0x7], $0x80, $0x38;
	[tilespmem:$0x1E000] =	vst v63  }
0x152: {  	p2 =	sne.s32 s7, $0x7700;
	s7 =	sadd.s32 $0x15888, s8;
	s11 =	sadd.s32 $0x10, s4  }
0x153: {  	[hbm4b:s11+s3] =	stream.linear.scatter [tilespmem:s7], [sflag:$0x7], $0x80, $0x38;
	[tilespmem:$0x1E000] =	vst v63  }
0x154: {  	s7 =	sadd.s32 $0x15910, s8;
	s11 =	sadd.s32 $0x20, s4  }
0x155: {  	[hbm4b:s11+s3] =	stream.linear.scatter [tilespmem:s7], [sflag:$0x7], $0x80, $0x38;
	[tilespmem:$0x1E000] =	vst v63  }
0x156: {  	s7 =	sadd.s32 $0x15998, s8;
	s11 =	sadd.s32 $0x30, s4  }
0x157: {  	[hbm4b:s11+s3] =	stream.linear.scatter [tilespmem:s7], [sflag:$0x7], $0x80, $0x38;
	[tilespmem:$0x1E000] =	vst v63  }
0x158: {  	s7 =	sadd.s32 $0x15A20, s8;
	s11 =	sadd.s32 $0x40, s4  }
0x159: {  	[hbm4b:s11+s3] =	stream.linear.scatter [tilespmem:s7], [sflag:$0x7], $0x80, $0x38;
	[tilespmem:$0x1E000] =	vst v63  }
.Ltmp4:
0x15a: {  	s7 =	sadd.s32 $0x15AA8, s8;
	s11 =	sadd.s32 $0x50, s4;
	(pc) =	sbr.rel @p2 .LBB2_11-.Ltmp4, $4  }
0x15b: {  	[hbm4b:s11+s3] =	stream.linear.scatter [tilespmem:s7], [sflag:$0x7], $0x80, $0x38;
	[tilespmem:$0x1E000] =	vst v63  }
0x15c: {  	s7 =	sadd.s32 $0x15B30, s8;
	s11 =	sadd.s32 $0x60, s4;
	s8 =	sadd.s32 $0x15BB8, s8  }
0x15d: {  	[hbm4b:s11+s3] =	stream.linear.scatter [tilespmem:s7], [sflag:$0x7], $0x80, $0x38;
	[tilespmem:$0x1E000] =	vst v63  }
0x15e: {  	s11 =	sadd.s32 $0x70, s4;
	s4 =	sadd.s32 $0x1000, s4;
	s7 =	smov.u32 s14  }
0x15f: {  	[hbm4b:s11+s3] =	stream.linear.scatter [tilespmem:s8], [sflag:$0x7], $0x80, $0x38;
	[tilespmem:$0x1E000] =	vst v63  }
0x160: {  	s7 =	sadd.s32 $0x15800, s0  }
0x161: {  	[hbm4b:s4+s3] =	stream.linear.scatter [tilespmem:s7], [sflag:$0x7], $0x80, $0x38;
	[tilespmem:$0x1E000] =	vst v63  }
0x162: {  	s11 =	sadd.s32 $0x15888, s0;
	s14 =	sadd.s32 $0x10, s4  }
0x163: {  	[hbm4b:s14+s3] =	stream.linear.scatter [tilespmem:s11], [sflag:$0x7], $0x80, $0x38;
	[tilespmem:$0x1E000] =	vst v63  }
0x164: {  	s11 =	sadd.s32 $0x15910, s0;
	s14 =	sadd.s32 $0x20, s4  }
0x165: {  	[hbm4b:s14+s3] =	stream.linear.scatter [tilespmem:s11], [sflag:$0x7], $0x80, $0x38;
	[tilespmem:$0x1E000] =	vst v63  }
0x166: {  	s11 =	sadd.s32 $0x15998, s0;
	s14 =	sadd.s32 $0x30, s4  }
0x167: {  	[hbm4b:s14+s3] =	stream.linear.scatter [tilespmem:s11], [sflag:$0x7], $0x80, $0x38;
	[tilespmem:$0x1E000] =	vst v63  }
0x168: {  	s11 =	sadd.s32 $0x15A20, s0;
	s14 =	sadd.s32 $0x40, s4  }
0x169: {  	[hbm4b:s14+s3] =	stream.linear.scatter [tilespmem:s11], [sflag:$0x7], $0x80, $0x38;
	[tilespmem:$0x1E000] =	vst v63  }
0x16a: {  	s11 =	sadd.s32 $0x15AA8, s0;
	s14 =	sadd.s32 $0x50, s4  }
0x16b: {  	[hbm4b:s14+s3] =	stream.linear.scatter [tilespmem:s11], [sflag:$0x7], $0x80, $0x38;
	[tilespmem:$0x1E000] =	vst v63  }
0x16c: {  	s11 =	sadd.s32 $0x15B30, s0;
	s14 =	sadd.s32 $0x60, s4  }
0x16d: {  	[hbm4b:s14+s3] =	stream.linear.scatter [tilespmem:s11], [sflag:$0x7], $0x80, $0x38;
	[tilespmem:$0x1E000] =	vst v63  }
0x16e: {  	s8 =	sadd.s32 $0x70, s4;
	s7 =	sadd.s32 $0x15BB8, s0  }
0x16f: {  	[hbm4b:s8+s3] =	stream.linear.scatter [tilespmem:s7], [sflag:$0x7], $0x80, $0x38;
	[tilespmem:$0x1E000] =	vst v63  }
0x170: {  	s0 =	sadd.s32 @!p0 $0xC00, s19;
	_ =	swait.ge [sflag:s25], $0x2000  }
0x171: {  	s4 =	simm.s32 @!p0 $0x80;
	s0 =	sand.u32 @!p0 $0x7FE00, s0;
	[sflag:s25] =	ssyncset.done $0x0  }
0x172: {  	s0 =	sshrl.u32 @!p0 s0, $0x2;
	s7 =	simm.s32 @!p0 $0xB600;
	[sflag:s25] =	ssyncadd.s32 $0xFFFFE000  }
0x173: {  	[tilespmem:s7], [sflag:$0x2] =	stream.indirect.gather @!p0 [hbm4b:s6+s4], $0x40, s0, s4, $0xb8;
	[tilespmem:$0x1E000] =	vst v63  }
0x174: {  	_ =	swait.ge @p1 [sflag:s9], $0x2000  }
0x175: {  	[sflag:s9] =	ssyncset.done @p1 $0x0  }
0x176: {  	s8 =	simm.s32 $0xD680;
	s4 =	sadd.s32 $0x2, s18;
	[sflag:s9] =	ssyncadd.s32 @p1 $0xFFFFE000  }
0x177: {  	s11 =	sshll.u32 s4, $0x6;
	v4 =	vld [tilespmem:s8+$0x40]  }
0x178: {  	s14 =	simm.s32 $0x3;
	s0 =	sand.u32 $0x3FFFFFC0, s11  }
0x179: {  	v5 =	vmov s14;
	v10 =	vld [tilespmem:s0+$0x6400]  }
0x17a: {  	v15 =	vand.u32 $0x7F, v5  }
0x17b: {  	v9 =	vadd.s32 v0, v15;
	v8 =	vld [tilespmem:s8+$0xFFFFFF80]  }
0x17c: {  	s11 =	simm.s32 $0x0;
	v11 =	vld [tilespmem:s8+$0xFFFFFFC0];
	v4 =	vmul.f32 $8.000000000e+00, v4  }
0x17d: {  	s14 =	simm.s32 $0x1;
	v6 =	vmov s11;
	v12 =	vld [tilespmem:s8+$0x0]  }
0x17e: {  	s11 =	simm.s32 $0x2;
	v7 =	vld [tilespmem:s0+$0x6410];
	v14 =	vand.u32 $0x7C, v6;
	v6 =	vmov s14;
	v13 =	vadd.f32 v4, v10  }
0x17f: {  	v5 =	vld [tilespmem:s0+$0x6420];
	v17 =	vmov s11;
	v16 =	vadd.s32 v0, v14;
	v30 =	vand.u32 $0x7D, v6  }
0x180: {  	v6 =	vand.u32 $0x7E, v17;
	v17 =	vadd.s32 v0, v30;
	v8 =	vmul.f32 $8.000000000e+00, v8;
	v4 =	vld [tilespmem:s0+$0x6430];
	[tilespmem:v9+s26+$0x0] =	vst.idx.msk $0xffff, v13  }
0x181: {  	v9 =	vmul.f32 $8.000000000e+00, v11;
	v11 =	vadd.s32 v0, v6;
	v13 =	vld [tilespmem:s8+$0x50]  }
0x182: {  	v12 =	vmul.f32 $8.000000000e+00, v12;
	v8 =	vadd.f32 v8, v10  }
0x183: {  	v9 =	vadd.f32 v9, v10  }
0x184: {  	[tilespmem:v16+s26+$0x0] =	vst.idx.msk $0xffff, v8;
	v8 =	vadd.f32 v12, v10  }
0x185: {  	v12 =	vld [tilespmem:s8+$0xFFFFFF90];
	[tilespmem:v17+s26+$0x0] =	vst.idx.msk $0xffff, v9;
	v9 =	vadd.s32 v1, v15  }
0x186: {  	v16 =	vld [tilespmem:s8+$0xFFFFFFD0];
	[tilespmem:v11+s26+$0x0] =	vst.idx.msk $0xffff, v8;
	v8 =	vmul.f32 $8.000000000e+00, v13  }
0x187: {  	s7 =	simm.s32 $0xD780;
	v11 =	vld [tilespmem:s8+$0x10]  }
0x188: {  	v19 =	vld [tilespmem:s7+$0x40];
	v8 =	vadd.f32 v8, v7  }
0x189: {  	v26 =	vadd.s32 v2, v15;
	s14 =	simm.s32 $0x4;
	v13 =	vadd.s32 v1, v14  }
0x18a: {  	v18 =	vadd.s32 v1, v30;
	v17 =	vmov s14;
	v12 =	vmul.f32 $8.000000000e+00, v12;
	[tilespmem:v9+s26+$0x0] =	vst.idx.msk $0xffff, v8  }
0x18b: {  	s11 =	simm.s32 $0x7;
	v8 =	vand.u32 $0x7C, v17;
	v9 =	vmul.f32 $8.000000000e+00, v16;
	v16 =	vadd.s32 v1, v6;
	v17 =	vld [tilespmem:s8+$0x60]  }
0x18c: {  	v20 =	vld [tilespmem:s7+$0xFFFFFF80];
	v21 =	vmov s11;
	v12 =	vadd.f32 v12, v7;
	v11 =	vmul.f32 $8.000000000e+00, v11  }
0x18d: {  	v24 =	vld [tilespmem:s7+$0xFFFFFFC0];
	v19 =	vmul.f32 $8.000000000e+00, v19;
	v23 =	vadd.f32 v9, v7;
	v9 =	vand.u32 $0x7F, v21  }
0x18e: {  	s14 =	simm.s32 $0x5;
	[tilespmem:v13+s26+$0x0] =	vst.idx.msk $0xffff, v12;
	v12 =	vld [tilespmem:s7+$0x0];
	v11 =	vadd.f32 v11, v7;
	v25 =	vadd.s32 v0, v9  }
0x18f: {  	s11 =	simm.s32 $0x6;
	v19 =	vadd.f32 v19, v10;
	v22 =	vadd.s32 v0, v8;
	v21 =	vmov s14;
	[tilespmem:v18+s26+$0x0] =	vst.idx.msk $0xffff, v23;
	v23 =	vld [tilespmem:s8+$0xFFFFFFA0]  }
0x190: {  	v13 =	vand.u32 $0x7D, v21;
	v18 =	vmov s11;
	[tilespmem:v16+s26+$0x0] =	vst.idx.msk $0xffff, v11;
	v16 =	vld [tilespmem:s8+$0xFFFFFFE0];
	v17 =	vmul.f32 $8.000000000e+00, v17  }
0x191: {  	v11 =	vand.u32 $0x7E, v18;
	v18 =	vmul.f32 $8.000000000e+00, v20;
	v20 =	vadd.s32 v0, v13;
	v21 =	vld [tilespmem:s8+$0x20]  }
0x192: {  	v24 =	vmul.f32 $8.000000000e+00, v24;
	v27 =	vadd.s32 v0, v11;
	v17 =	vadd.f32 v17, v5  }
0x193: {  	v12 =	vmul.f32 $8.000000000e+00, v12;
	v18 =	vadd.f32 v18, v10;
	[tilespmem:v25+s26+$0x0] =	vst.idx.msk $0xffff, v19;
	v19 =	vadd.s32 v2, v14  }
0x194: {  	v24 =	vadd.f32 v24, v10;
	v25 =	vld [tilespmem:s7+$0x50];
	v23 =	vmul.f32 $8.000000000e+00, v23;
	[tilespmem:v26+s26+$0x0] =	vst.idx.msk $0xffff, v17;
	v17 =	vadd.s32 v2, v30  }
0x195: {  	[tilespmem:v22+s26+$0x0] =	vst.idx.msk $0xffff, v18;
	v18 =	vadd.f32 v12, v10;
	v16 =	vmul.f32 $8.000000000e+00, v16;
	v26 =	vadd.s32 v2, v6;
	v22 =	vld [tilespmem:s8+$0x70]  }
0x196: {  	s0 =	simm.s32 $0x8;
	v28 =	vld [tilespmem:s7+$0xFFFFFF90];
	[tilespmem:v20+s26+$0x0] =	vst.idx.msk $0xffff, v24;
	v21 =	vmul.f32 $8.000000000e+00, v21;
	v23 =	vadd.f32 v23, v5  }
0x197: {  	v31 =	vadd.s32 v1, v9;
	v12 =	vmov s0;
	v24 =	vld [tilespmem:s7+$0xFFFFFFD0];
	[tilespmem:v27+s26+$0x0] =	vst.idx.msk $0xffff, v18;
	v16 =	vadd.f32 v16, v5  }
0x198: {  	s14 =	simm.s32 $0x9;
	v14 =	vadd.s32 v3, v14;
	v12 =	vand.u32 $0x7C, v12;
	v27 =	vld [tilespmem:s7+$0x10];
	v29 =	vadd.f32 v21, v5;
	[tilespmem:v19+s26+$0x0] =	vst.idx.msk $0xffff, v23  }
0x199: {  	v20 =	vmov s14;
	v19 =	vadd.s32 v3, v15;
	v32 =	vmul.f32 $8.000000000e+00, v25;
	v21 =	vld [tilespmem:s8+$0xFFFFFFB0];
	[tilespmem:v17+s26+$0x0] =	vst.idx.msk $0xffff, v16  }
0x19a: {  	v18 =	vadd.s32 v0, v12;
	v25 =	vadd.s32 v1, v8;
	[tilespmem:v26+s26+$0x0] =	vst.idx.msk $0xffff, v29;
	v15 =	vmul.f32 $8.000000000e+00, v22;
	v17 =	vld [tilespmem:s8+$0xFFFFFFF0]  }
0x19b: {  	v23 =	vadd.s32 v1, v13;
	v28 =	vmul.f32 $8.000000000e+00, v28;
	v32 =	vadd.f32 v32, v7;
	v16 =	vld [tilespmem:s8+$0x30]  }
0x19c: {  	v26 =	vmul.f32 $8.000000000e+00, v24;
	v22 =	vadd.s32 v1, v11;
	s8 =	simm.s32 $0xD880;
	v24 =	vadd.f32 v15, v4  }
0x19d: {  	s11 =	simm.s32 $0xC;
	v29 =	vld [tilespmem:s8+$0x40];
	v28 =	vadd.f32 v28, v7;
	v27 =	vmul.f32 $8.000000000e+00, v27;
	[tilespmem:v31+s26+$0x0] =	vst.idx.msk $0xffff, v32;
	v15 =	vadd.s32 v3, v30  }
.LBB2_13:
0x19e: {  	p2 =	slt.u32 s11, $0x7C;
	s14 =	sadd.s32 $0x3, s0;
	v26 =	vadd.f32 v26, v7;
	v30 =	vld [tilespmem:s7+$0x60];
	v21 =	vmul.f32 $8.000000000e+00, v21;
	v31 =	vadd.s32 v3, v6;
	[tilespmem:v19+s26+$0x0] =	vst.idx.msk $0xffff, v24  }
0x19f: {  	v32 =	vmovc v13;
	v6 =	vmovc v11;
	v19 =	vld [tilespmem:s8+$0xFFFFFF80];
	v24 =	vmov s14;
	[tilespmem:v25+s26+$0x0] =	vst.idx.msk $0xffff, v28;
	v25 =	vadd.f32 v27, v7;
	v17 =	vmul.f32 $8.000000000e+00, v17  }
0x1a0: {  	s14 =	sadd.s32 $0x2, s0;
	s0 =	smov.u32 s11;
	v27 =	vld [tilespmem:s8+$0xFFFFFFC0];
	v24 =	vand.u32 $0x7F, v24;
	[tilespmem:v23+s26+$0x0] =	vst.idx.msk $0xffff, v26;
	v11 =	vadd.f32 v21, v4;
	v13 =	vmul.f32 $8.000000000e+00, v16  }
0x1a1: {  	v16 =	vmov s14;
	v21 =	vld [tilespmem:s8+$0x0];
	v23 =	vadd.s32 v0, v24;
	[tilespmem:v22+s26+$0x0] =	vst.idx.msk $0xffff, v25;
	v17 =	vadd.f32 v17, v4  }
0x1a2: {  	v26 =	vadd.s32 v2, v9;
	v22 =	vmul.f32 $8.000000000e+00, v29;
	v25 =	vld [tilespmem:s7+$0xFFFFFFA0];
	[tilespmem:v14+s26+$0x0] =	vst.idx.msk $0xffff, v11;
	v14 =	vadd.f32 v13, v4  }
0x1a3: {  	v13 =	vand.u32 $0x7D, v20;
	v11 =	vand.u32 $0x7E, v16;
	v16 =	vld [tilespmem:s7+$0xFFFFFFE0];
	v20 =	vmul.f32 $8.000000000e+00, v30;
	[tilespmem:v15+s26+$0x0] =	vst.idx.msk $0xffff, v17  }
0x1a4: {  	v17 =	vadd.s32 v0, v13;
	v15 =	vmul.f32 $8.000000000e+00, v19;
	v19 =	vadd.f32 v22, v10;
	v22 =	vld [tilespmem:s7+$0x20];
	[tilespmem:v31+s26+$0x0] =	vst.idx.msk $0xffff, v14  }
0x1a5: {  	v14 =	vmul.f32 $8.000000000e+00, v27;
	v27 =	vadd.s32 v0, v11;
	v20 =	vadd.f32 v20, v5  }
0x1a6: {  	v15 =	vadd.f32 v15, v10;
	v21 =	vmul.f32 $8.000000000e+00, v21;
	[tilespmem:v23+s26+$0x0] =	vst.idx.msk $0xffff, v19;
	v19 =	vadd.s32 v2, v8  }
0x1a7: {  	v28 =	vadd.s32 v2, v32;
	v14 =	vadd.f32 v14, v10;
	v23 =	vld [tilespmem:s8+$0x50];
	v25 =	vmul.f32 $8.000000000e+00, v25;
	[tilespmem:v26+s26+$0x0] =	vst.idx.msk $0xffff, v20  }
0x1a8: {  	v26 =	vadd.s32 v2, v6;
	[tilespmem:v18+s26+$0x0] =	vst.idx.msk $0xffff, v15;
	v15 =	vadd.f32 v21, v10;
	v16 =	vmul.f32 $8.000000000e+00, v16;
	v29 =	vld [tilespmem:s7+$0x70]  }
0x1a9: {  	v18 =	vmov s11;
	v30 =	vld [tilespmem:s8+$0xFFFFFF90];
	[tilespmem:v17+s26+$0x0] =	vst.idx.msk $0xffff, v14;
	v14 =	vadd.f32 v25, v5;
	v17 =	vmul.f32 $8.000000000e+00, v22  }
0x1aa: {  	s14 =	sadd.s32 $0x1, s11;
	v31 =	vand.u32 $0x7C, v18;
	v22 =	vld [tilespmem:s8+$0xFFFFFFD0];
	[tilespmem:v27+s26+$0x0] =	vst.idx.msk $0xffff, v15;
	v15 =	vadd.f32 v16, v5  }
0x1ab: {  	v33 =	vadd.s32 v1, v24;
	v20 =	vmov s14;
	v27 =	vld [tilespmem:s8+$0x10];
	[tilespmem:v19+s26+$0x0] =	vst.idx.msk $0xffff, v14;
	v16 =	vadd.f32 v17, v5  }
.Ltmp5:
0x1ac: {  	v14 =	vadd.s32 v3, v8;
	v19 =	vadd.s32 v3, v9;
	v34 =	vmul.f32 $8.000000000e+00, v23;
	v21 =	vld [tilespmem:s7+$0xFFFFFFB0];
	[tilespmem:v28+s26+$0x0] =	vst.idx.msk $0xffff, v15;
	(pc) =	sbr.rel @p2 .LBB2_13-.Ltmp5, $4  }
0x1ad: {  	v25 =	vadd.s32 v1, v12;
	v18 =	vadd.s32 v0, v31;
	v17 =	vld [tilespmem:s7+$0xFFFFFFF0];
	[tilespmem:v26+s26+$0x0] =	vst.idx.msk $0xffff, v16;
	v15 =	vmul.f32 $8.000000000e+00, v29  }
0x1ae: {  	v9 =	vmovc v24;
	v8 =	vmovc v12;
	v23 =	vadd.s32 v1, v13;
	v28 =	vmul.f32 $8.000000000e+00, v30;
	v30 =	vadd.f32 v34, v7;
	v16 =	vld [tilespmem:s7+$0x30];
	s7 =	smov.u32 s8  }
0x1af: {  	v12 =	vmovc v31;
	s8 =	sadd.s32 $0x100, s8;
	v26 =	vmul.f32 $8.000000000e+00, v22;
	v22 =	vadd.s32 v1, v11;
	v24 =	vadd.f32 v15, v4  }
0x1b0: {  	s11 =	sadd.s32 $0x4, s11;
	v15 =	vadd.s32 v3, v32;
	v29 =	vld [tilespmem:s8+$0x40];
	v28 =	vadd.f32 v28, v7;
	v27 =	vmul.f32 $8.000000000e+00, v27;
	[tilespmem:v33+s26+$0x0] =	vst.idx.msk $0xffff, v30  }
0x1b1: {  	s11 =	sadd.s32 $0x3, s0;
	v30 =	vld [tilespmem:s8+$0xFFFFFF80]  }
0x1b2: {  	v32 =	vld [tilespmem:s8+$0xFFFFFFC0];
	v31 =	vmov s11  }
0x1b3: {  	v33 =	vld [tilespmem:s8+$0x0];
	v31 =	vand.u32 $0x7F, v31  }
0x1b4: {  	s14 =	sadd.s32 $0x2, s0;
	v34 =	vadd.s32 v0, v31  }
0x1b5: {  	v20 =	vand.u32 $0x7D, v20;
	v35 =	vmov s14;
	v29 =	vmul.f32 $8.000000000e+00, v29  }
0x1b6: {  	v36 =	vadd.s32 v0, v20;
	v35 =	vand.u32 $0x7E, v35;
	v30 =	vmul.f32 $8.000000000e+00, v30  }
0x1b7: {  	v37 =	vadd.s32 v0, v35;
	v32 =	vmul.f32 $8.000000000e+00, v32;
	v29 =	vadd.f32 v29, v10  }
0x1b8: {  	v33 =	vmul.f32 $8.000000000e+00, v33;
	v30 =	vadd.f32 v30, v10  }
0x1b9: {  	v58 =	vadd.f32 v32, v10;
	[tilespmem:v34+s26+$0x0] =	vst.idx.msk $0xffff, v29  }
0x1ba: {  	v60 =	vadd.f32 v33, v10;
	[tilespmem:v18+s26+$0x0] =	vst.idx.msk $0xffff, v30;
	v59 =	vld [tilespmem:s8+$0x50]  }
0x1bb: {  	[tilespmem:v36+s26+$0x0] =	vst.idx.msk $0xffff, v58;
	v30 =	vld [tilespmem:s8+$0xFFFFFF90]  }
0x1bc: {  	[tilespmem:v37+s26+$0x0] =	vst.idx.msk $0xffff, v60;
	v29 =	vld [tilespmem:s8+$0xFFFFFFD0]  }
0x1bd: {  	v10 =	vld [tilespmem:s8+$0x10]  }
0x1be: {  	v61 =	vadd.s32 v1, v31  }
0x1bf: {  	v26 =	vadd.f32 v26, v7;
	v62 =	vadd.s32 v1, v12;
	v18 =	vmul.f32 $8.000000000e+00, v59  }
0x1c0: {  	v63 =	vld [tilespmem:s7+$0x60];
	[tilespmem:v25+s26+$0x0] =	vst.idx.msk $0xffff, v28;
	v27 =	vadd.f32 v27, v7;
	v36 =	vadd.s32 v1, v20;
	v34 =	vmul.f32 $8.000000000e+00, v30  }
0x1c1: {  	[tilespmem:v23+s26+$0x0] =	vst.idx.msk $0xffff, v26;
	v39 =	vadd.s32 v1, v35;
	v37 =	vld [tilespmem:s7+$0xFFFFFFA0];
	v38 =	vmul.f32 $8.000000000e+00, v29;
	v18 =	vadd.f32 v18, v7  }
0x1c2: {  	[tilespmem:v22+s26+$0x0] =	vst.idx.msk $0xffff, v27;
	v40 =	vld [tilespmem:s7+$0xFFFFFFE0];
	v10 =	vmul.f32 $8.000000000e+00, v10;
	v41 =	vadd.f32 v34, v7  }
0x1c3: {  	v42 =	vld [tilespmem:s7+$0x20];
	v26 =	vadd.f32 v38, v7;
	[tilespmem:v61+s26+$0x0] =	vst.idx.msk $0xffff, v18  }
0x1c4: {  	v21 =	vmul.f32 $8.000000000e+00, v21;
	v43 =	vadd.s32 v2, v9;
	v44 =	vadd.f32 v10, v7;
	[tilespmem:v62+s26+$0x0] =	vst.idx.msk $0xffff, v41;
	v45 =	vld [tilespmem:s8+$0x60]  }
0x1c5: {  	v46 =	vadd.s32 v2, v8;
	v25 =	vmul.f32 $8.000000000e+00, v63;
	[tilespmem:v36+s26+$0x0] =	vst.idx.msk $0xffff, v26;
	v47 =	vld [tilespmem:s8+$0xFFFFFFA0]  }
0x1c6: {  	v48 =	vadd.s32 v2, v13;
	v21 =	vadd.f32 v21, v4;
	v23 =	vmul.f32 $8.000000000e+00, v37;
	[tilespmem:v39+s26+$0x0] =	vst.idx.msk $0xffff, v44;
	v49 =	vld [tilespmem:s8+$0xFFFFFFE0]  }
0x1c7: {  	[tilespmem:v19+s26+$0x0] =	vst.idx.msk $0xffff, v24;
	v51 =	vadd.s32 v2, v11;
	v50 =	vadd.f32 v25, v5;
	v22 =	vmul.f32 $8.000000000e+00, v40;
	v52 =	vld [tilespmem:s8+$0x20]  }
0x1c8: {  	v54 =	vadd.s32 v2, v31;
	[tilespmem:v14+s26+$0x0] =	vst.idx.msk $0xffff, v21;
	v53 =	vadd.f32 v23, v5;
	v18 =	vmul.f32 $8.000000000e+00, v42  }
0x1c9: {  	v56 =	vadd.s32 v2, v12;
	[tilespmem:v43+s26+$0x0] =	vst.idx.msk $0xffff, v50;
	v55 =	vadd.f32 v22, v5;
	v10 =	vmul.f32 $8.000000000e+00, v45  }
0x1ca: {  	v60 =	vadd.s32 v2, v20;
	v57 =	vld [tilespmem:s7+$0x70];
	[tilespmem:v46+s26+$0x0] =	vst.idx.msk $0xffff, v53;
	v58 =	vadd.f32 v18, v5;
	v59 =	vmul.f32 $8.000000000e+00, v47  }
0x1cb: {  	v32 =	vadd.s32 v2, v35;
	[tilespmem:v48+s26+$0x0] =	vst.idx.msk $0xffff, v55;
	v61 =	vld [tilespmem:s7+$0xFFFFFFB0];
	v63 =	vmul.f32 $8.000000000e+00, v49;
	v62 =	vadd.f32 v10, v5  }
0x1cc: {  	v33 =	vld [tilespmem:s7+$0xFFFFFFF0];
	[tilespmem:v51+s26+$0x0] =	vst.idx.msk $0xffff, v58;
	v36 =	vmul.f32 $8.000000000e+00, v52;
	v34 =	vadd.f32 v59, v5  }
0x1cd: {  	v6 =	vadd.s32 v3, v6;
	v17 =	vmul.f32 $8.000000000e+00, v17;
	v24 =	vld [tilespmem:s7+$0x30];
	v37 =	vadd.f32 v63, v5;
	[tilespmem:v54+s26+$0x0] =	vst.idx.msk $0xffff, v62  }
0x1ce: {  	v38 =	vmul.f32 $8.000000000e+00, v16;
	v39 =	vadd.s32 v3, v9;
	v5 =	vadd.f32 v36, v5;
	v40 =	vld [tilespmem:s8+$0x70];
	[tilespmem:v56+s26+$0x0] =	vst.idx.msk $0xffff, v34  }
0x1cf: {  	v43 =	vmul.f32 $8.000000000e+00, v57;
	v42 =	vadd.s32 v3, v8;
	v41 =	vadd.f32 v17, v4;
	[tilespmem:v60+s26+$0x0] =	vst.idx.msk $0xffff, v37;
	v44 =	vld [tilespmem:s8+$0xFFFFFFB0]  }
0x1d0: {  	v46 =	vadd.s32 v3, v13;
	v45 =	vadd.f32 v38, v4;
	v47 =	vmul.f32 $8.000000000e+00, v61;
	[tilespmem:v32+s26+$0x0] =	vst.idx.msk $0xffff, v5;
	v48 =	vld [tilespmem:s8+$0xFFFFFFF0]  }
0x1d1: {  	v50 =	vmul.f32 $8.000000000e+00, v33;
	[tilespmem:v15+s26+$0x0] =	vst.idx.msk $0xffff, v41;
	v49 =	vadd.s32 v3, v11;
	v5 =	vadd.f32 v43, v4;
	v51 =	vld [tilespmem:s8+$0x30]  }
0x1d2: {  	[tilespmem:v6+s26+$0x0] =	vst.idx.msk $0xffff, v45;
	v52 =	vadd.f32 v47, v4;
	v53 =	vmul.f32 $8.000000000e+00, v24;
	v54 =	vadd.s32 v3, v31  }
0x1d3: {  	v55 =	vadd.s32 v3, v12;
	[tilespmem:v39+s26+$0x0] =	vst.idx.msk $0xffff, v5;
	v5 =	vadd.f32 v50, v4;
	v56 =	vmul.f32 $8.000000000e+00, v40  }
0x1d4: {  	v58 =	vadd.s32 v3, v20;
	[tilespmem:v42+s26+$0x0] =	vst.idx.msk $0xffff, v52;
	v57 =	vadd.f32 v53, v4;
	v59 =	vmul.f32 $8.000000000e+00, v44  }
0x1d5: {  	v60 =	vadd.s32 v3, v35;
	[tilespmem:v46+s26+$0x0] =	vst.idx.msk $0xffff, v5;
	v61 =	vmul.f32 $8.000000000e+00, v48;
	v5 =	vadd.f32 v56, v4  }
0x1d6: {  	[tilespmem:v49+s26+$0x0] =	vst.idx.msk $0xffff, v57;
	v63 =	vmul.f32 $8.000000000e+00, v51;
	v62 =	vadd.f32 v59, v4  }
0x1d7: {  	s11 =	sshll.u32 s4, $0x12;
	[tilespmem:v54+s26+$0x0] =	vst.idx.msk $0xffff, v5;
	v5 =	vadd.f32 v61, v4  }
0x1d8: {  	s0 =	sor.u32 s5, s11;
	v4 =	vadd.f32 v63, v4;
	[tilespmem:v55+s26+$0x0] =	vst.idx.msk $0xffff, v62  }
0x1d9: {  	s0 =	sshrl.u32 s0, $0x3;
	[tilespmem:v58+s26+$0x0] =	vst.idx.msk $0xffff, v5  }
0x1da: {  	s14 =	simm.s32 $0x17A00;
	s4 =	sadd.s32 s1, s0;
	[tilespmem:v60+s26+$0x0] =	vst.idx.msk $0xffff, v4  }
0x1db: {  	[hbm4b:s4+s3] =	stream.linear.scatter [tilespmem:s14], [sflag:$0x8], $0x80, $0x38;
	[tilespmem:$0x1E000] =	vst v63  }
0x1dc: {  	s7 =	simm.s32 $0x17A88;
	s8 =	sadd.s32 $0x10, s4  }
0x1dd: {  	[hbm4b:s8+s3] =	stream.linear.scatter [tilespmem:s7], [sflag:$0x8], $0x80, $0x38;
	[tilespmem:$0x1E000] =	vst v63  }
0x1de: {  	s11 =	simm.s32 $0x17B10;
	s14 =	sadd.s32 $0x20, s4  }
0x1df: {  	[hbm4b:s14+s3] =	stream.linear.scatter [tilespmem:s11], [sflag:$0x8], $0x80, $0x38;
	[tilespmem:$0x1E000] =	vst v63  }
0x1e0: {  	s7 =	simm.s32 $0x17B98;
	s8 =	sadd.s32 $0x30, s4  }
0x1e1: {  	[hbm4b:s8+s3] =	stream.linear.scatter [tilespmem:s7], [sflag:$0x8], $0x80, $0x38;
	[tilespmem:$0x1E000] =	vst v63  }
0x1e2: {  	s11 =	simm.s32 $0x17C20;
	s14 =	sadd.s32 $0x40, s4  }
0x1e3: {  	[hbm4b:s14+s3] =	stream.linear.scatter [tilespmem:s11], [sflag:$0x8], $0x80, $0x38;
	[tilespmem:$0x1E000] =	vst v63  }
0x1e4: {  	s0 =	simm.s32 $0x440;
	s7 =	simm.s32 $0x17CA8;
	s8 =	sadd.s32 $0x50, s4  }
0x1e5: {  	[hbm4b:s8+s3] =	stream.linear.scatter [tilespmem:s7], [sflag:$0x8], $0x80, $0x38;
	[tilespmem:$0x1E000] =	vst v63  }
0x1e6: {  	s11 =	simm.s32 $0x17D30;
	s14 =	sadd.s32 $0x60, s4;
	s7 =	simm.s32 $0x2200  }
0x1e7: {  	[hbm4b:s14+s3] =	stream.linear.scatter [tilespmem:s11], [sflag:$0x8], $0x80, $0x38;
	[tilespmem:$0x1E000] =	vst v63  }
0x1e8: {  	s8 =	simm.s32 $0x17DB8;
	s11 =	sadd.s32 $0x70, s4;
	s4 =	sadd.s32 $0x1000, s4  }
.LBB2_15:
0x1e9: {  	[hbm4b:s11+s3] =	stream.linear.scatter [tilespmem:s8], [sflag:$0x8], $0x80, $0x38;
	[tilespmem:$0x1E000] =	vst v63  }
0x1ea: {  	s8 =	smov.u32 s0;
	s0 =	smov.u32 s7  }
0x1eb: {  	s14 =	sadd.s32 $0x1100, s7;
	s0 =	sshra.s32 s0, $0x2;
	s11 =	sadd.s32 $0x17A00, s8  }
0x1ec: {  	[hbm4b:s4+s3] =	stream.linear.scatter [tilespmem:s11], [sflag:$0x8], $0x80, $0x38;
	[tilespmem:$0x1E000] =	vst v63  }
0x1ed: {  	p2 =	sne.s32 s7, $0x7700;
	s7 =	sadd.s32 $0x17A88, s8;
	s11 =	sadd.s32 $0x10, s4  }
0x1ee: {  	[hbm4b:s11+s3] =	stream.linear.scatter [tilespmem:s7], [sflag:$0x8], $0x80, $0x38;
	[tilespmem:$0x1E000] =	vst v63  }
0x1ef: {  	s7 =	sadd.s32 $0x17B10, s8;
	s11 =	sadd.s32 $0x20, s4  }
0x1f0: {  	[hbm4b:s11+s3] =	stream.linear.scatter [tilespmem:s7], [sflag:$0x8], $0x80, $0x38;
	[tilespmem:$0x1E000] =	vst v63  }
0x1f1: {  	s7 =	sadd.s32 $0x17B98, s8;
	s11 =	sadd.s32 $0x30, s4  }
0x1f2: {  	[hbm4b:s11+s3] =	stream.linear.scatter [tilespmem:s7], [sflag:$0x8], $0x80, $0x38;
	[tilespmem:$0x1E000] =	vst v63  }
0x1f3: {  	s7 =	sadd.s32 $0x17C20, s8;
	s11 =	sadd.s32 $0x40, s4  }
0x1f4: {  	[hbm4b:s11+s3] =	stream.linear.scatter [tilespmem:s7], [sflag:$0x8], $0x80, $0x38;
	[tilespmem:$0x1E000] =	vst v63  }
.Ltmp6:
0x1f5: {  	s7 =	sadd.s32 $0x17CA8, s8;
	s11 =	sadd.s32 $0x50, s4;
	(pc) =	sbr.rel @p2 .LBB2_15-.Ltmp6, $4  }
0x1f6: {  	[hbm4b:s11+s3] =	stream.linear.scatter [tilespmem:s7], [sflag:$0x8], $0x80, $0x38;
	[tilespmem:$0x1E000] =	vst v63  }
0x1f7: {  	s7 =	sadd.s32 $0x17D30, s8;
	s11 =	sadd.s32 $0x60, s4;
	s8 =	sadd.s32 $0x17DB8, s8  }
0x1f8: {  	[hbm4b:s11+s3] =	stream.linear.scatter [tilespmem:s7], [sflag:$0x8], $0x80, $0x38;
	[tilespmem:$0x1E000] =	vst v63  }
0x1f9: {  	s11 =	sadd.s32 $0x70, s4;
	s4 =	sadd.s32 $0x1000, s4;
	s7 =	smov.u32 s14  }
0x1fa: {  	[hbm4b:s11+s3] =	stream.linear.scatter [tilespmem:s8], [sflag:$0x8], $0x80, $0x38;
	[tilespmem:$0x1E000] =	vst v63  }
0x1fb: {  	s7 =	sadd.s32 $0x17A00, s0  }
0x1fc: {  	[hbm4b:s4+s3] =	stream.linear.scatter [tilespmem:s7], [sflag:$0x8], $0x80, $0x38;
	[tilespmem:$0x1E000] =	vst v63  }
0x1fd: {  	s11 =	sadd.s32 $0x17A88, s0;
	s14 =	sadd.s32 $0x10, s4  }
0x1fe: {  	[hbm4b:s14+s3] =	stream.linear.scatter [tilespmem:s11], [sflag:$0x8], $0x80, $0x38;
	[tilespmem:$0x1E000] =	vst v63  }
0x1ff: {  	s11 =	sadd.s32 $0x17B10, s0;
	s14 =	sadd.s32 $0x20, s4  }
0x200: {  	[hbm4b:s14+s3] =	stream.linear.scatter [tilespmem:s11], [sflag:$0x8], $0x80, $0x38;
	[tilespmem:$0x1E000] =	vst v63  }
0x201: {  	s11 =	sadd.s32 $0x17B98, s0;
	s14 =	sadd.s32 $0x30, s4  }
0x202: {  	[hbm4b:s14+s3] =	stream.linear.scatter [tilespmem:s11], [sflag:$0x8], $0x80, $0x38;
	[tilespmem:$0x1E000] =	vst v63  }
0x203: {  	s11 =	sadd.s32 $0x17C20, s0;
	s14 =	sadd.s32 $0x40, s4  }
0x204: {  	[hbm4b:s14+s3] =	stream.linear.scatter [tilespmem:s11], [sflag:$0x8], $0x80, $0x38;
	[tilespmem:$0x1E000] =	vst v63  }
0x205: {  	s11 =	sadd.s32 $0x17CA8, s0;
	s14 =	sadd.s32 $0x50, s4  }
0x206: {  	[hbm4b:s14+s3] =	stream.linear.scatter [tilespmem:s11], [sflag:$0x8], $0x80, $0x38;
	[tilespmem:$0x1E000] =	vst v63  }
0x207: {  	s11 =	sadd.s32 $0x17D30, s0;
	s14 =	sadd.s32 $0x60, s4  }
0x208: {  	[hbm4b:s14+s3] =	stream.linear.scatter [tilespmem:s11], [sflag:$0x8], $0x80, $0x38;
	[tilespmem:$0x1E000] =	vst v63  }
0x209: {  	s11 =	sadd.s32 $0x17DB8, s0;
	s14 =	sadd.s32 $0x70, s4  }
0x20a: {  	[hbm4b:s14+s3] =	stream.linear.scatter [tilespmem:s11], [sflag:$0x8], $0x80, $0x38;
	[tilespmem:$0x1E000] =	vst v63  }
0x20b: {  	s0 =	sadd.s32 @!p0 $0xE00, s19;
	_ =	swait.ge [sflag:s28], $0x2000  }
0x20c: {  	s7 =	simm.s32 @!p0 $0xD600;
	s0 =	sand.u32 @!p0 $0x7FE00, s0;
	[sflag:s28] =	ssyncset.done $0x0  }
0x20d: {  	s4 =	simm.s32 @!p0 $0x80;
	s0 =	sshrl.u32 @!p0 s0, $0x2;
	[sflag:s28] =	ssyncadd.s32 $0xFFFFE000  }
0x20e: {  	[tilespmem:s7], [sflag:$0x3] =	stream.indirect.gather @!p0 [hbm4b:s6+s4], $0x40, s0, s4, $0xb8;
	[tilespmem:$0x1E000] =	vst v63  }
0x20f: {  	_ =	swait.ge @p1 [sflag:s10], $0x2000  }
0x210: {  	[sflag:s10] =	ssyncset.done @p1 $0x0  }
0x211: {  	s8 =	simm.s32 $0xF680;
	s4 =	sadd.s32 $0x3, s18;
	[sflag:s10] =	ssyncadd.s32 @p1 $0xFFFFE000  }
0x212: {  	s7 =	sshll.u32 s4, $0x6;
	v4 =	vld [tilespmem:s8+$0x40]  }
0x213: {  	s11 =	simm.s32 $0x3;
	s0 =	sand.u32 $0x3FFFFFC0, s7  }
0x214: {  	v5 =	vmov s11;
	v10 =	vld [tilespmem:s0+$0x6400]  }
0x215: {  	v15 =	vand.u32 $0x7F, v5  }
0x216: {  	v9 =	vadd.s32 v0, v15;
	v8 =	vld [tilespmem:s8+$0xFFFFFF80]  }
0x217: {  	s14 =	simm.s32 $0x0;
	v11 =	vld [tilespmem:s8+$0xFFFFFFC0];
	v4 =	vmul.f32 $8.000000000e+00, v4  }
0x218: {  	v6 =	vmov s14;
	s18 =	simm.s32 $0x1;
	v12 =	vld [tilespmem:s8+$0x0]  }
0x219: {  	s11 =	simm.s32 $0x2;
	v14 =	vand.u32 $0x7C, v6;
	v6 =	vmov s18;
	v7 =	vld [tilespmem:s0+$0x6410];
	v13 =	vadd.f32 v4, v10  }
0x21a: {  	v17 =	vmov s11;
	v16 =	vadd.s32 v0, v14;
	v30 =	vand.u32 $0x7D, v6;
	v5 =	vld [tilespmem:s0+$0x6420]  }
0x21b: {  	v6 =	vand.u32 $0x7E, v17;
	v17 =	vadd.s32 v0, v30;
	v8 =	vmul.f32 $8.000000000e+00, v8;
	v4 =	vld [tilespmem:s0+$0x6430];
	[tilespmem:v9+s29+$0x0] =	vst.idx.msk $0xffff, v13  }
0x21c: {  	v9 =	vmul.f32 $8.000000000e+00, v11;
	v11 =	vadd.s32 v0, v6;
	v13 =	vld [tilespmem:s8+$0x50]  }
0x21d: {  	v12 =	vmul.f32 $8.000000000e+00, v12;
	v8 =	vadd.f32 v8, v10  }
0x21e: {  	v9 =	vadd.f32 v9, v10  }
0x21f: {  	[tilespmem:v16+s29+$0x0] =	vst.idx.msk $0xffff, v8;
	v8 =	vadd.f32 v12, v10  }
0x220: {  	v12 =	vld [tilespmem:s8+$0xFFFFFF90];
	[tilespmem:v17+s29+$0x0] =	vst.idx.msk $0xffff, v9;
	v9 =	vadd.s32 v1, v15  }
0x221: {  	v16 =	vld [tilespmem:s8+$0xFFFFFFD0];
	[tilespmem:v11+s29+$0x0] =	vst.idx.msk $0xffff, v8;
	v8 =	vmul.f32 $8.000000000e+00, v13  }
0x222: {  	s7 =	simm.s32 $0xF780;
	v11 =	vld [tilespmem:s8+$0x10]  }
0x223: {  	v19 =	vld [tilespmem:s7+$0x40];
	v8 =	vadd.f32 v8, v7  }
0x224: {  	s14 =	simm.s32 $0x4;
	v26 =	vadd.s32 v2, v15;
	v13 =	vadd.s32 v1, v14  }
0x225: {  	v18 =	vadd.s32 v1, v30;
	v17 =	vmov s14;
	v12 =	vmul.f32 $8.000000000e+00, v12;
	[tilespmem:v9+s29+$0x0] =	vst.idx.msk $0xffff, v8  }
0x226: {  	s18 =	simm.s32 $0x7;
	v8 =	vand.u32 $0x7C, v17;
	v9 =	vmul.f32 $8.000000000e+00, v16;
	v16 =	vadd.s32 v1, v6;
	v17 =	vld [tilespmem:s8+$0x60]  }
0x227: {  	v21 =	vmov s18;
	v20 =	vld [tilespmem:s7+$0xFFFFFF80];
	v12 =	vadd.f32 v12, v7;
	v11 =	vmul.f32 $8.000000000e+00, v11  }
0x228: {  	v24 =	vld [tilespmem:s7+$0xFFFFFFC0];
	v19 =	vmul.f32 $8.000000000e+00, v19;
	v23 =	vadd.f32 v9, v7;
	v9 =	vand.u32 $0x7F, v21  }
0x229: {  	s11 =	simm.s32 $0x5;
	[tilespmem:v13+s29+$0x0] =	vst.idx.msk $0xffff, v12;
	v12 =	vld [tilespmem:s7+$0x0];
	v11 =	vadd.f32 v11, v7;
	v25 =	vadd.s32 v0, v9  }
0x22a: {  	v19 =	vadd.f32 v19, v10;
	s14 =	simm.s32 $0x6;
	v22 =	vadd.s32 v0, v8;
	v21 =	vmov s11;
	[tilespmem:v18+s29+$0x0] =	vst.idx.msk $0xffff, v23;
	v23 =	vld [tilespmem:s8+$0xFFFFFFA0]  }
0x22b: {  	v13 =	vand.u32 $0x7D, v21;
	v18 =	vmov s14;
	[tilespmem:v16+s29+$0x0] =	vst.idx.msk $0xffff, v11;
	v16 =	vld [tilespmem:s8+$0xFFFFFFE0];
	v17 =	vmul.f32 $8.000000000e+00, v17  }
0x22c: {  	v11 =	vand.u32 $0x7E, v18;
	v18 =	vmul.f32 $8.000000000e+00, v20;
	v20 =	vadd.s32 v0, v13;
	v21 =	vld [tilespmem:s8+$0x20]  }
0x22d: {  	v24 =	vmul.f32 $8.000000000e+00, v24;
	v27 =	vadd.s32 v0, v11;
	v17 =	vadd.f32 v17, v5  }
0x22e: {  	v12 =	vmul.f32 $8.000000000e+00, v12;
	v18 =	vadd.f32 v18, v10;
	[tilespmem:v25+s29+$0x0] =	vst.idx.msk $0xffff, v19;
	v19 =	vadd.s32 v2, v14  }
0x22f: {  	v24 =	vadd.f32 v24, v10;
	v25 =	vld [tilespmem:s7+$0x50];
	v23 =	vmul.f32 $8.000000000e+00, v23;
	[tilespmem:v26+s29+$0x0] =	vst.idx.msk $0xffff, v17;
	v17 =	vadd.s32 v2, v30  }
0x230: {  	[tilespmem:v22+s29+$0x0] =	vst.idx.msk $0xffff, v18;
	v18 =	vadd.f32 v12, v10;
	v16 =	vmul.f32 $8.000000000e+00, v16;
	v26 =	vadd.s32 v2, v6;
	v22 =	vld [tilespmem:s8+$0x70]  }
0x231: {  	s0 =	simm.s32 $0x8;
	v28 =	vld [tilespmem:s7+$0xFFFFFF90];
	[tilespmem:v20+s29+$0x0] =	vst.idx.msk $0xffff, v24;
	v21 =	vmul.f32 $8.000000000e+00, v21;
	v23 =	vadd.f32 v23, v5  }
0x232: {  	v31 =	vadd.s32 v1, v9;
	v12 =	vmov s0;
	v24 =	vld [tilespmem:s7+$0xFFFFFFD0];
	[tilespmem:v27+s29+$0x0] =	vst.idx.msk $0xffff, v18;
	v16 =	vadd.f32 v16, v5  }
0x233: {  	s18 =	simm.s32 $0x9;
	v14 =	vadd.s32 v3, v14;
	v12 =	vand.u32 $0x7C, v12;
	v27 =	vld [tilespmem:s7+$0x10];
	v29 =	vadd.f32 v21, v5;
	[tilespmem:v19+s29+$0x0] =	vst.idx.msk $0xffff, v23  }
0x234: {  	v20 =	vmov s18;
	v19 =	vadd.s32 v3, v15;
	v32 =	vmul.f32 $8.000000000e+00, v25;
	v21 =	vld [tilespmem:s8+$0xFFFFFFB0];
	[tilespmem:v17+s29+$0x0] =	vst.idx.msk $0xffff, v16  }
0x235: {  	v18 =	vadd.s32 v0, v12;
	v25 =	vadd.s32 v1, v8;
	[tilespmem:v26+s29+$0x0] =	vst.idx.msk $0xffff, v29;
	v15 =	vmul.f32 $8.000000000e+00, v22;
	v17 =	vld [tilespmem:s8+$0xFFFFFFF0]  }
0x236: {  	v23 =	vadd.s32 v1, v13;
	v28 =	vmul.f32 $8.000000000e+00, v28;
	v32 =	vadd.f32 v32, v7;
	v16 =	vld [tilespmem:s8+$0x30]  }
0x237: {  	v26 =	vmul.f32 $8.000000000e+00, v24;
	v22 =	vadd.s32 v1, v11;
	s8 =	simm.s32 $0xF880;
	v24 =	vadd.f32 v15, v4  }
0x238: {  	s11 =	simm.s32 $0xC;
	v29 =	vld [tilespmem:s8+$0x40];
	v28 =	vadd.f32 v28, v7;
	v27 =	vmul.f32 $8.000000000e+00, v27;
	[tilespmem:v31+s29+$0x0] =	vst.idx.msk $0xffff, v32;
	v15 =	vadd.s32 v3, v30  }
.LBB2_17:
0x239: {  	p2 =	slt.u32 s11, $0x7C;
	s14 =	sadd.s32 $0x3, s0;
	v26 =	vadd.f32 v26, v7;
	v30 =	vld [tilespmem:s7+$0x60];
	v21 =	vmul.f32 $8.000000000e+00, v21;
	v31 =	vadd.s32 v3, v6;
	[tilespmem:v19+s29+$0x0] =	vst.idx.msk $0xffff, v24  }
0x23a: {  	v32 =	vmovc v13;
	v6 =	vmovc v11;
	v19 =	vld [tilespmem:s8+$0xFFFFFF80];
	v24 =	vmov s14;
	[tilespmem:v25+s29+$0x0] =	vst.idx.msk $0xffff, v28;
	v25 =	vadd.f32 v27, v7;
	v17 =	vmul.f32 $8.000000000e+00, v17  }
0x23b: {  	s14 =	sadd.s32 $0x2, s0;
	s0 =	smov.u32 s11;
	v27 =	vld [tilespmem:s8+$0xFFFFFFC0];
	v24 =	vand.u32 $0x7F, v24;
	[tilespmem:v23+s29+$0x0] =	vst.idx.msk $0xffff, v26;
	v11 =	vadd.f32 v21, v4;
	v13 =	vmul.f32 $8.000000000e+00, v16  }
0x23c: {  	v16 =	vmov s14;
	v21 =	vld [tilespmem:s8+$0x0];
	v23 =	vadd.s32 v0, v24;
	[tilespmem:v22+s29+$0x0] =	vst.idx.msk $0xffff, v25;
	v17 =	vadd.f32 v17, v4  }
0x23d: {  	v26 =	vadd.s32 v2, v9;
	v22 =	vmul.f32 $8.000000000e+00, v29;
	v25 =	vld [tilespmem:s7+$0xFFFFFFA0];
	[tilespmem:v14+s29+$0x0] =	vst.idx.msk $0xffff, v11;
	v14 =	vadd.f32 v13, v4  }
0x23e: {  	v13 =	vand.u32 $0x7D, v20;
	v11 =	vand.u32 $0x7E, v16;
	v16 =	vld [tilespmem:s7+$0xFFFFFFE0];
	v20 =	vmul.f32 $8.000000000e+00, v30;
	[tilespmem:v15+s29+$0x0] =	vst.idx.msk $0xffff, v17  }
0x23f: {  	v17 =	vadd.s32 v0, v13;
	v15 =	vmul.f32 $8.000000000e+00, v19;
	v19 =	vadd.f32 v22, v10;
	v22 =	vld [tilespmem:s7+$0x20];
	[tilespmem:v31+s29+$0x0] =	vst.idx.msk $0xffff, v14  }
0x240: {  	v14 =	vmul.f32 $8.000000000e+00, v27;
	v27 =	vadd.s32 v0, v11;
	v20 =	vadd.f32 v20, v5  }
0x241: {  	v15 =	vadd.f32 v15, v10;
	v21 =	vmul.f32 $8.000000000e+00, v21;
	[tilespmem:v23+s29+$0x0] =	vst.idx.msk $0xffff, v19;
	v19 =	vadd.s32 v2, v8  }
0x242: {  	v28 =	vadd.s32 v2, v32;
	v14 =	vadd.f32 v14, v10;
	v23 =	vld [tilespmem:s8+$0x50];
	v25 =	vmul.f32 $8.000000000e+00, v25;
	[tilespmem:v26+s29+$0x0] =	vst.idx.msk $0xffff, v20  }
0x243: {  	v26 =	vadd.s32 v2, v6;
	[tilespmem:v18+s29+$0x0] =	vst.idx.msk $0xffff, v15;
	v15 =	vadd.f32 v21, v10;
	v16 =	vmul.f32 $8.000000000e+00, v16;
	v29 =	vld [tilespmem:s7+$0x70]  }
0x244: {  	v18 =	vmov s11;
	v30 =	vld [tilespmem:s8+$0xFFFFFF90];
	[tilespmem:v17+s29+$0x0] =	vst.idx.msk $0xffff, v14;
	v14 =	vadd.f32 v25, v5;
	v17 =	vmul.f32 $8.000000000e+00, v22  }
0x245: {  	s14 =	sadd.s32 $0x1, s11;
	v31 =	vand.u32 $0x7C, v18;
	v22 =	vld [tilespmem:s8+$0xFFFFFFD0];
	[tilespmem:v27+s29+$0x0] =	vst.idx.msk $0xffff, v15;
	v15 =	vadd.f32 v16, v5  }
0x246: {  	v33 =	vadd.s32 v1, v24;
	v20 =	vmov s14;
	v27 =	vld [tilespmem:s8+$0x10];
	[tilespmem:v19+s29+$0x0] =	vst.idx.msk $0xffff, v14;
	v16 =	vadd.f32 v17, v5  }
.Ltmp7:
0x247: {  	v14 =	vadd.s32 v3, v8;
	v19 =	vadd.s32 v3, v9;
	v34 =	vmul.f32 $8.000000000e+00, v23;
	v21 =	vld [tilespmem:s7+$0xFFFFFFB0];
	[tilespmem:v28+s29+$0x0] =	vst.idx.msk $0xffff, v15;
	(pc) =	sbr.rel @p2 .LBB2_17-.Ltmp7, $4  }
0x248: {  	v25 =	vadd.s32 v1, v12;
	v18 =	vadd.s32 v0, v31;
	v17 =	vld [tilespmem:s7+$0xFFFFFFF0];
	[tilespmem:v26+s29+$0x0] =	vst.idx.msk $0xffff, v16;
	v15 =	vmul.f32 $8.000000000e+00, v29  }
0x249: {  	v9 =	vmovc v24;
	v8 =	vmovc v12;
	v23 =	vadd.s32 v1, v13;
	v28 =	vmul.f32 $8.000000000e+00, v30;
	v30 =	vadd.f32 v34, v7;
	v16 =	vld [tilespmem:s7+$0x30];
	s7 =	smov.u32 s8  }
0x24a: {  	v12 =	vmovc v31;
	s8 =	sadd.s32 $0x100, s8;
	v26 =	vmul.f32 $8.000000000e+00, v22;
	v22 =	vadd.s32 v1, v11;
	v24 =	vadd.f32 v15, v4  }
0x24b: {  	s11 =	sadd.s32 $0x4, s11;
	v15 =	vadd.s32 v3, v32;
	v29 =	vld [tilespmem:s8+$0x40];
	v28 =	vadd.f32 v28, v7;
	v27 =	vmul.f32 $8.000000000e+00, v27;
	[tilespmem:v33+s29+$0x0] =	vst.idx.msk $0xffff, v30  }
0x24c: {  	s11 =	sadd.s32 $0x3, s0;
	v30 =	vld [tilespmem:s8+$0xFFFFFF80]  }
0x24d: {  	v32 =	vld [tilespmem:s8+$0xFFFFFFC0];
	v31 =	vmov s11  }
0x24e: {  	v33 =	vld [tilespmem:s8+$0x0];
	v31 =	vand.u32 $0x7F, v31  }
0x24f: {  	s18 =	sadd.s32 $0x2, s0;
	v34 =	vadd.s32 v0, v31  }
0x250: {  	v20 =	vand.u32 $0x7D, v20;
	v35 =	vmov s18;
	v29 =	vmul.f32 $8.000000000e+00, v29  }
0x251: {  	v36 =	vadd.s32 v0, v20;
	v35 =	vand.u32 $0x7E, v35;
	v30 =	vmul.f32 $8.000000000e+00, v30  }
0x252: {  	v37 =	vadd.s32 v0, v35;
	v32 =	vmul.f32 $8.000000000e+00, v32;
	v29 =	vadd.f32 v29, v10  }
0x253: {  	v33 =	vmul.f32 $8.000000000e+00, v33;
	v30 =	vadd.f32 v30, v10  }
0x254: {  	v58 =	vadd.f32 v32, v10;
	[tilespmem:v34+s29+$0x0] =	vst.idx.msk $0xffff, v29  }
0x255: {  	v60 =	vadd.f32 v33, v10;
	[tilespmem:v18+s29+$0x0] =	vst.idx.msk $0xffff, v30;
	v59 =	vld [tilespmem:s8+$0x50]  }
0x256: {  	[tilespmem:v36+s29+$0x0] =	vst.idx.msk $0xffff, v58;
	v30 =	vld [tilespmem:s8+$0xFFFFFF90]  }
0x257: {  	[tilespmem:v37+s29+$0x0] =	vst.idx.msk $0xffff, v60;
	v29 =	vld [tilespmem:s8+$0xFFFFFFD0]  }
0x258: {  	v10 =	vld [tilespmem:s8+$0x10]  }
0x259: {  	v61 =	vadd.s32 v1, v31  }
0x25a: {  	v26 =	vadd.f32 v26, v7;
	v62 =	vadd.s32 v1, v12;
	v18 =	vmul.f32 $8.000000000e+00, v59  }
0x25b: {  	v63 =	vld [tilespmem:s7+$0x60];
	[tilespmem:v25+s29+$0x0] =	vst.idx.msk $0xffff, v28;
	v27 =	vadd.f32 v27, v7;
	v36 =	vadd.s32 v1, v20;
	v34 =	vmul.f32 $8.000000000e+00, v30  }
0x25c: {  	[tilespmem:v23+s29+$0x0] =	vst.idx.msk $0xffff, v26;
	v39 =	vadd.s32 v1, v35;
	v37 =	vld [tilespmem:s7+$0xFFFFFFA0];
	v38 =	vmul.f32 $8.000000000e+00, v29;
	v18 =	vadd.f32 v18, v7  }
0x25d: {  	[tilespmem:v22+s29+$0x0] =	vst.idx.msk $0xffff, v27;
	v40 =	vld [tilespmem:s7+$0xFFFFFFE0];
	v10 =	vmul.f32 $8.000000000e+00, v10;
	v41 =	vadd.f32 v34, v7  }
0x25e: {  	v42 =	vld [tilespmem:s7+$0x20];
	v26 =	vadd.f32 v38, v7;
	[tilespmem:v61+s29+$0x0] =	vst.idx.msk $0xffff, v18  }
0x25f: {  	v21 =	vmul.f32 $8.000000000e+00, v21;
	v43 =	vadd.s32 v2, v9;
	v44 =	vadd.f32 v10, v7;
	[tilespmem:v62+s29+$0x0] =	vst.idx.msk $0xffff, v41;
	v45 =	vld [tilespmem:s8+$0x60]  }
0x260: {  	v46 =	vadd.s32 v2, v8;
	v25 =	vmul.f32 $8.000000000e+00, v63;
	[tilespmem:v36+s29+$0x0] =	vst.idx.msk $0xffff, v26;
	v47 =	vld [tilespmem:s8+$0xFFFFFFA0]  }
0x261: {  	v48 =	vadd.s32 v2, v13;
	v21 =	vadd.f32 v21, v4;
	v23 =	vmul.f32 $8.000000000e+00, v37;
	[tilespmem:v39+s29+$0x0] =	vst.idx.msk $0xffff, v44;
	v49 =	vld [tilespmem:s8+$0xFFFFFFE0]  }
0x262: {  	[tilespmem:v19+s29+$0x0] =	vst.idx.msk $0xffff, v24;
	v51 =	vadd.s32 v2, v11;
	v50 =	vadd.f32 v25, v5;
	v22 =	vmul.f32 $8.000000000e+00, v40;
	v52 =	vld [tilespmem:s8+$0x20]  }
0x263: {  	v54 =	vadd.s32 v2, v31;
	[tilespmem:v14+s29+$0x0] =	vst.idx.msk $0xffff, v21;
	v53 =	vadd.f32 v23, v5;
	v18 =	vmul.f32 $8.000000000e+00, v42  }
0x264: {  	v56 =	vadd.s32 v2, v12;
	[tilespmem:v43+s29+$0x0] =	vst.idx.msk $0xffff, v50;
	v55 =	vadd.f32 v22, v5;
	v10 =	vmul.f32 $8.000000000e+00, v45  }
0x265: {  	v60 =	vadd.s32 v2, v20;
	v57 =	vld [tilespmem:s7+$0x70];
	[tilespmem:v46+s29+$0x0] =	vst.idx.msk $0xffff, v53;
	v58 =	vadd.f32 v18, v5;
	v59 =	vmul.f32 $8.000000000e+00, v47  }
0x266: {  	v32 =	vadd.s32 v2, v35;
	[tilespmem:v48+s29+$0x0] =	vst.idx.msk $0xffff, v55;
	v61 =	vld [tilespmem:s7+$0xFFFFFFB0];
	v63 =	vmul.f32 $8.000000000e+00, v49;
	v62 =	vadd.f32 v10, v5  }
0x267: {  	v33 =	vld [tilespmem:s7+$0xFFFFFFF0];
	[tilespmem:v51+s29+$0x0] =	vst.idx.msk $0xffff, v58;
	v36 =	vmul.f32 $8.000000000e+00, v52;
	v34 =	vadd.f32 v59, v5  }
0x268: {  	v6 =	vadd.s32 v3, v6;
	v17 =	vmul.f32 $8.000000000e+00, v17;
	v24 =	vld [tilespmem:s7+$0x30];
	v37 =	vadd.f32 v63, v5;
	[tilespmem:v54+s29+$0x0] =	vst.idx.msk $0xffff, v62  }
0x269: {  	v38 =	vmul.f32 $8.000000000e+00, v16;
	v39 =	vadd.s32 v3, v9;
	v5 =	vadd.f32 v36, v5;
	v40 =	vld [tilespmem:s8+$0x70];
	[tilespmem:v56+s29+$0x0] =	vst.idx.msk $0xffff, v34  }
0x26a: {  	v43 =	vmul.f32 $8.000000000e+00, v57;
	v42 =	vadd.s32 v3, v8;
	v41 =	vadd.f32 v17, v4;
	[tilespmem:v60+s29+$0x0] =	vst.idx.msk $0xffff, v37;
	v44 =	vld [tilespmem:s8+$0xFFFFFFB0]  }
0x26b: {  	v46 =	vadd.s32 v3, v13;
	v45 =	vadd.f32 v38, v4;
	v47 =	vmul.f32 $8.000000000e+00, v61;
	[tilespmem:v32+s29+$0x0] =	vst.idx.msk $0xffff, v5;
	v48 =	vld [tilespmem:s8+$0xFFFFFFF0]  }
0x26c: {  	v50 =	vmul.f32 $8.000000000e+00, v33;
	[tilespmem:v15+s29+$0x0] =	vst.idx.msk $0xffff, v41;
	v49 =	vadd.s32 v3, v11;
	v5 =	vadd.f32 v43, v4;
	v51 =	vld [tilespmem:s8+$0x30]  }
0x26d: {  	[tilespmem:v6+s29+$0x0] =	vst.idx.msk $0xffff, v45;
	v52 =	vadd.f32 v47, v4;
	v53 =	vmul.f32 $8.000000000e+00, v24;
	v54 =	vadd.s32 v3, v31  }
0x26e: {  	v55 =	vadd.s32 v3, v12;
	[tilespmem:v39+s29+$0x0] =	vst.idx.msk $0xffff, v5;
	v5 =	vadd.f32 v50, v4;
	v56 =	vmul.f32 $8.000000000e+00, v40  }
0x26f: {  	v58 =	vadd.s32 v3, v20;
	[tilespmem:v42+s29+$0x0] =	vst.idx.msk $0xffff, v52;
	v57 =	vadd.f32 v53, v4;
	v59 =	vmul.f32 $8.000000000e+00, v44  }
0x270: {  	v60 =	vadd.s32 v3, v35;
	[tilespmem:v46+s29+$0x0] =	vst.idx.msk $0xffff, v5;
	v61 =	vmul.f32 $8.000000000e+00, v48;
	v5 =	vadd.f32 v56, v4  }
0x271: {  	[tilespmem:v49+s29+$0x0] =	vst.idx.msk $0xffff, v57;
	v63 =	vmul.f32 $8.000000000e+00, v51;
	v62 =	vadd.f32 v59, v4  }
0x272: {  	s4 =	sshll.u32 s4, $0x12;
	[tilespmem:v54+s29+$0x0] =	vst.idx.msk $0xffff, v5;
	v5 =	vadd.f32 v61, v4  }
0x273: {  	s0 =	sor.u32 s5, s4;
	v4 =	vadd.f32 v63, v4;
	[tilespmem:v55+s29+$0x0] =	vst.idx.msk $0xffff, v62  }
0x274: {  	s0 =	sshrl.u32 s0, $0x3;
	[tilespmem:v58+s29+$0x0] =	vst.idx.msk $0xffff, v5  }
0x275: {  	s4 =	sadd.s32 s1, s0;
	s7 =	simm.s32 $0x19C00;
	[tilespmem:v60+s29+$0x0] =	vst.idx.msk $0xffff, v4  }
0x276: {  	[hbm4b:s4+s3] =	stream.linear.scatter [tilespmem:s7], [sflag:$0x9], $0x80, $0x38;
	[tilespmem:$0x1E000] =	vst v63  }
0x277: {  	s11 =	sadd.s32 $0x10, s4;
	s8 =	simm.s32 $0x19C88  }
0x278: {  	[hbm4b:s11+s3] =	stream.linear.scatter [tilespmem:s8], [sflag:$0x9], $0x80, $0x38;
	[tilespmem:$0x1E000] =	vst v63  }
0x279: {  	s14 =	simm.s32 $0x19D10;
	s0 =	simm.s32 $0x440;
	s18 =	sadd.s32 $0x20, s4  }
0x27a: {  	[hbm4b:s18+s3] =	stream.linear.scatter [tilespmem:s14], [sflag:$0x9], $0x80, $0x38;
	[tilespmem:$0x1E000] =	vst v63  }
0x27b: {  	s7 =	simm.s32 $0x2200;
	s8 =	simm.s32 $0x19D98;
	s11 =	sadd.s32 $0x30, s4  }
0x27c: {  	[hbm4b:s11+s3] =	stream.linear.scatter [tilespmem:s8], [sflag:$0x9], $0x80, $0x38;
	[tilespmem:$0x1E000] =	vst v63  }
0x27d: {  	s14 =	simm.s32 $0x19E20;
	s18 =	sadd.s32 $0x40, s4;
	s8 =	simm.s32 $0x19EA8  }
0x27e: {  	[hbm4b:s18+s3] =	stream.linear.scatter [tilespmem:s14], [sflag:$0x9], $0x80, $0x38;
	[tilespmem:$0x1E000] =	vst v63  }
0x27f: {  	s11 =	sadd.s32 $0x50, s4;
	s14 =	simm.s32 $0x19F30;
	s18 =	sadd.s32 $0x60, s4  }
0x280: {  	[hbm4b:s11+s3] =	stream.linear.scatter [tilespmem:s8], [sflag:$0x9], $0x80, $0x38;
	[tilespmem:$0x1E000] =	vst v63  }
0x281: {  	s8 =	simm.s32 $0x19FB8;
	s11 =	sadd.s32 $0x70, s4;
	s4 =	sadd.s32 $0x1000, s4  }
0x282: {  	[hbm4b:s18+s3] =	stream.linear.scatter [tilespmem:s14], [sflag:$0x9], $0x80, $0x38;
	[tilespmem:$0x1E000] =	vst v63  }
.LBB2_19:
0x283: {  	[hbm4b:s11+s3] =	stream.linear.scatter [tilespmem:s8], [sflag:$0x9], $0x80, $0x38;
	[tilespmem:$0x1E000] =	vst v63  }
0x284: {  	s8 =	smov.u32 s0;
	s0 =	smov.u32 s7  }
0x285: {  	s14 =	sadd.s32 $0x1100, s7;
	s0 =	sshra.s32 s0, $0x2;
	s11 =	sadd.s32 $0x19C00, s8  }
0x286: {  	[hbm4b:s4+s3] =	stream.linear.scatter [tilespmem:s11], [sflag:$0x9], $0x80, $0x38;
	[tilespmem:$0x1E000] =	vst v63  }
0x287: {  	p2 =	sne.s32 s7, $0x7700;
	s7 =	sadd.s32 $0x19C88, s8;
	s11 =	sadd.s32 $0x10, s4  }
0x288: {  	[hbm4b:s11+s3] =	stream.linear.scatter [tilespmem:s7], [sflag:$0x9], $0x80, $0x38;
	[tilespmem:$0x1E000] =	vst v63  }
0x289: {  	s7 =	sadd.s32 $0x19D10, s8;
	s11 =	sadd.s32 $0x20, s4  }
0x28a: {  	[hbm4b:s11+s3] =	stream.linear.scatter [tilespmem:s7], [sflag:$0x9], $0x80, $0x38;
	[tilespmem:$0x1E000] =	vst v63  }
0x28b: {  	s7 =	sadd.s32 $0x19D98, s8;
	s11 =	sadd.s32 $0x30, s4  }
0x28c: {  	[hbm4b:s11+s3] =	stream.linear.scatter [tilespmem:s7], [sflag:$0x9], $0x80, $0x38;
	[tilespmem:$0x1E000] =	vst v63  }
0x28d: {  	s7 =	sadd.s32 $0x19E20, s8;
	s11 =	sadd.s32 $0x40, s4  }
0x28e: {  	[hbm4b:s11+s3] =	stream.linear.scatter [tilespmem:s7], [sflag:$0x9], $0x80, $0x38;
	[tilespmem:$0x1E000] =	vst v63  }
.Ltmp8:
0x28f: {  	s7 =	sadd.s32 $0x19EA8, s8;
	s11 =	sadd.s32 $0x50, s4;
	(pc) =	sbr.rel @p2 .LBB2_19-.Ltmp8, $4  }
0x290: {  	[hbm4b:s11+s3] =	stream.linear.scatter [tilespmem:s7], [sflag:$0x9], $0x80, $0x38;
	[tilespmem:$0x1E000] =	vst v63  }
0x291: {  	s7 =	sadd.s32 $0x19F30, s8;
	s11 =	sadd.s32 $0x60, s4;
	s8 =	sadd.s32 $0x19FB8, s8  }
0x292: {  	[hbm4b:s11+s3] =	stream.linear.scatter [tilespmem:s7], [sflag:$0x9], $0x80, $0x38;
	[tilespmem:$0x1E000] =	vst v63  }
0x293: {  	s11 =	sadd.s32 $0x70, s4;
	s4 =	sadd.s32 $0x1000, s4;
	s7 =	smov.u32 s14  }
0x294: {  	[hbm4b:s11+s3] =	stream.linear.scatter [tilespmem:s8], [sflag:$0x9], $0x80, $0x38;
	[tilespmem:$0x1E000] =	vst v63  }
0x295: {  	s7 =	sadd.s32 $0x19C00, s0  }
0x296: {  	[hbm4b:s4+s3] =	stream.linear.scatter [tilespmem:s7], [sflag:$0x9], $0x80, $0x38;
	[tilespmem:$0x1E000] =	vst v63  }
0x297: {  	s14 =	sadd.s32 $0x19C88, s0;
	s18 =	sadd.s32 $0x10, s4  }
0x298: {  	[hbm4b:s18+s3] =	stream.linear.scatter [tilespmem:s14], [sflag:$0x9], $0x80, $0x38;
	[tilespmem:$0x1E000] =	vst v63  }
0x299: {  	s8 =	sadd.s32 $0x19D10, s0;
	s11 =	sadd.s32 $0x20, s4  }
0x29a: {  	[hbm4b:s11+s3] =	stream.linear.scatter [tilespmem:s8], [sflag:$0x9], $0x80, $0x38;
	[tilespmem:$0x1E000] =	vst v63  }
0x29b: {  	s14 =	sadd.s32 $0x19D98, s0;
	s18 =	sadd.s32 $0x30, s4  }
0x29c: {  	[hbm4b:s18+s3] =	stream.linear.scatter [tilespmem:s14], [sflag:$0x9], $0x80, $0x38;
	[tilespmem:$0x1E000] =	vst v63  }
0x29d: {  	s8 =	sadd.s32 $0x19E20, s0;
	s11 =	sadd.s32 $0x40, s4  }
0x29e: {  	[hbm4b:s11+s3] =	stream.linear.scatter [tilespmem:s8], [sflag:$0x9], $0x80, $0x38;
	[tilespmem:$0x1E000] =	vst v63  }
0x29f: {  	s14 =	sadd.s32 $0x19EA8, s0;
	s18 =	sadd.s32 $0x50, s4  }
0x2a0: {  	[hbm4b:s18+s3] =	stream.linear.scatter [tilespmem:s14], [sflag:$0x9], $0x80, $0x38;
	[tilespmem:$0x1E000] =	vst v63  }
0x2a1: {  	s11 =	sadd.s32 $0x19F30, s0;
	s14 =	sadd.s32 $0x60, s4  }
0x2a2: {  	[hbm4b:s14+s3] =	stream.linear.scatter [tilespmem:s11], [sflag:$0x9], $0x80, $0x38;
	[tilespmem:$0x1E000] =	vst v63  }
0x2a3: {  	s7 =	sadd.s32 $0x70, s4;
	s18 =	sadd.s32 $0x19FB8, s0;
	s0 =	sadd.s32 @!p0 $0x1000, s19  }
0x2a4: {  	[hbm4b:s7+s3] =	stream.linear.scatter [tilespmem:s18], [sflag:$0x9], $0x80, $0x38;
	[tilespmem:$0x1E000] =	vst v63  }
0x2a5: {  	s4 =	sand.u32 @!p0 $0xE00, s19;
	s0 =	sand.u32 @!p0 $0x7F000, s0;
	_ =	swait.ge [sflag:s30], $0x2000  }
0x2a6: {  	s0 =	sor.u32 @!p0 s4, s0;
	s4 =	simm.s32 @!p0 $0x80;
	[sflag:s30] =	ssyncset.done $0x0  }
0x2a7: {  	s0 =	sshrl.u32 @!p0 s0, $0x2;
	s7 =	simm.s32 @!p0 $0xF600;
	[sflag:s30] =	ssyncadd.s32 $0xFFFFE000  }
0x2a8: {  	[tilespmem:s7], [sflag:$0x4] =	stream.indirect.gather @!p0 [hbm4b:s6+s4], $0x40, s0, s4, $0xb8;
	[tilespmem:$0x1E000] =	vst v63  }
0x2a9: {  	_ =	swait.ge @p1 [sflag:s12], $0x2000  }
0x2aa: {  	[sflag:s12] =	ssyncset.done @p1 $0x0  }
0x2ab: {  	s7 =	simm.s32 $0x11680;
	[sflag:s12] =	ssyncadd.s32 @p1 $0xFFFFE000  }
0x2ac: {  	s8 =	sshll.u32 s17, $0x6;
	v4 =	vld [tilespmem:s7+$0x40]  }
0x2ad: {  	s11 =	simm.s32 $0x3;
	s0 =	sand.u32 $0x3FFFFFC0, s8  }
0x2ae: {  	v5 =	vmov s11;
	v10 =	vld [tilespmem:s0+$0x6400]  }
0x2af: {  	v15 =	vand.u32 $0x7F, v5  }
0x2b0: {  	v9 =	vadd.s32 v0, v15;
	v8 =	vld [tilespmem:s7+$0xFFFFFF80]  }
0x2b1: {  	s14 =	simm.s32 $0x0;
	v11 =	vld [tilespmem:s7+$0xFFFFFFC0];
	v4 =	vmul.f32 $8.000000000e+00, v4  }
0x2b2: {  	v6 =	vmov s14;
	s18 =	simm.s32 $0x1;
	v12 =	vld [tilespmem:s7+$0x0]  }
0x2b3: {  	s19 =	simm.s32 $0x2;
	v14 =	vand.u32 $0x7C, v6;
	v6 =	vmov s18;
	v7 =	vld [tilespmem:s0+$0x6410];
	v13 =	vadd.f32 v4, v10  }
0x2b4: {  	v17 =	vmov s19;
	v16 =	vadd.s32 v0, v14;
	v30 =	vand.u32 $0x7D, v6;
	v5 =	vld [tilespmem:s0+$0x6420]  }
0x2b5: {  	v6 =	vand.u32 $0x7E, v17;
	v17 =	vadd.s32 v0, v30;
	v8 =	vmul.f32 $8.000000000e+00, v8;
	v4 =	vld [tilespmem:s0+$0x6430];
	[tilespmem:v9+s31+$0x0] =	vst.idx.msk $0xffff, v13  }
0x2b6: {  	v9 =	vmul.f32 $8.000000000e+00, v11;
	v11 =	vadd.s32 v0, v6;
	v13 =	vld [tilespmem:s7+$0x50]  }
0x2b7: {  	v12 =	vmul.f32 $8.000000000e+00, v12;
	v8 =	vadd.f32 v8, v10  }
0x2b8: {  	v9 =	vadd.f32 v9, v10  }
0x2b9: {  	[tilespmem:v16+s31+$0x0] =	vst.idx.msk $0xffff, v8;
	v8 =	vadd.f32 v12, v10  }
0x2ba: {  	v12 =	vld [tilespmem:s7+$0xFFFFFF90];
	[tilespmem:v17+s31+$0x0] =	vst.idx.msk $0xffff, v9;
	v9 =	vadd.s32 v1, v15  }
0x2bb: {  	v16 =	vld [tilespmem:s7+$0xFFFFFFD0];
	[tilespmem:v11+s31+$0x0] =	vst.idx.msk $0xffff, v8;
	v8 =	vmul.f32 $8.000000000e+00, v13  }
0x2bc: {  	s4 =	simm.s32 $0x11780;
	v11 =	vld [tilespmem:s7+$0x10]  }
0x2bd: {  	s11 =	simm.s32 $0x7;
	v19 =	vld [tilespmem:s4+$0x40];
	v8 =	vadd.f32 v8, v7  }
0x2be: {  	v21 =	vmov s11;
	s8 =	simm.s32 $0x4;
	v13 =	vadd.s32 v1, v14  }
0x2bf: {  	v18 =	vadd.s32 v1, v30;
	v17 =	vmov s8;
	v12 =	vmul.f32 $8.000000000e+00, v12;
	[tilespmem:v9+s31+$0x0] =	vst.idx.msk $0xffff, v8  }
0x2c0: {  	v8 =	vand.u32 $0x7C, v17;
	v9 =	vmul.f32 $8.000000000e+00, v16;
	v16 =	vadd.s32 v1, v6;
	v17 =	vld [tilespmem:s7+$0x60]  }
0x2c1: {  	v26 =	vadd.s32 v2, v15;
	v20 =	vld [tilespmem:s4+$0xFFFFFF80];
	v12 =	vadd.f32 v12, v7;
	v11 =	vmul.f32 $8.000000000e+00, v11  }
0x2c2: {  	v24 =	vld [tilespmem:s4+$0xFFFFFFC0];
	v19 =	vmul.f32 $8.000000000e+00, v19;
	v23 =	vadd.f32 v9, v7;
	v9 =	vand.u32 $0x7F, v21  }
0x2c3: {  	s14 =	simm.s32 $0x5;
	[tilespmem:v13+s31+$0x0] =	vst.idx.msk $0xffff, v12;
	v12 =	vld [tilespmem:s4+$0x0];
	v11 =	vadd.f32 v11, v7;
	v25 =	vadd.s32 v0, v9  }
0x2c4: {  	s18 =	simm.s32 $0x6;
	v19 =	vadd.f32 v19, v10;
	v22 =	vadd.s32 v0, v8;
	v21 =	vmov s14;
	[tilespmem:v18+s31+$0x0] =	vst.idx.msk $0xffff, v23;
	v23 =	vld [tilespmem:s7+$0xFFFFFFA0]  }
0x2c5: {  	v13 =	vand.u32 $0x7D, v21;
	v18 =	vmov s18;
	[tilespmem:v16+s31+$0x0] =	vst.idx.msk $0xffff, v11;
	v16 =	vld [tilespmem:s7+$0xFFFFFFE0];
	v17 =	vmul.f32 $8.000000000e+00, v17  }
0x2c6: {  	v11 =	vand.u32 $0x7E, v18;
	v18 =	vmul.f32 $8.000000000e+00, v20;
	v20 =	vadd.s32 v0, v13;
	v21 =	vld [tilespmem:s7+$0x20]  }
0x2c7: {  	v24 =	vmul.f32 $8.000000000e+00, v24;
	v27 =	vadd.s32 v0, v11;
	v17 =	vadd.f32 v17, v5  }
0x2c8: {  	v12 =	vmul.f32 $8.000000000e+00, v12;
	v18 =	vadd.f32 v18, v10;
	[tilespmem:v25+s31+$0x0] =	vst.idx.msk $0xffff, v19;
	v19 =	vadd.s32 v2, v14  }
0x2c9: {  	v24 =	vadd.f32 v24, v10;
	v25 =	vld [tilespmem:s4+$0x50];
	v23 =	vmul.f32 $8.000000000e+00, v23;
	[tilespmem:v26+s31+$0x0] =	vst.idx.msk $0xffff, v17;
	v17 =	vadd.s32 v2, v30  }
0x2ca: {  	[tilespmem:v22+s31+$0x0] =	vst.idx.msk $0xffff, v18;
	v18 =	vadd.f32 v12, v10;
	v16 =	vmul.f32 $8.000000000e+00, v16;
	v26 =	vadd.s32 v2, v6;
	v22 =	vld [tilespmem:s7+$0x70]  }
0x2cb: {  	s0 =	simm.s32 $0x8;
	v28 =	vld [tilespmem:s4+$0xFFFFFF90];
	[tilespmem:v20+s31+$0x0] =	vst.idx.msk $0xffff, v24;
	v21 =	vmul.f32 $8.000000000e+00, v21;
	v23 =	vadd.f32 v23, v5  }
0x2cc: {  	v31 =	vadd.s32 v1, v9;
	v12 =	vmov s0;
	v24 =	vld [tilespmem:s4+$0xFFFFFFD0];
	[tilespmem:v27+s31+$0x0] =	vst.idx.msk $0xffff, v18;
	v16 =	vadd.f32 v16, v5  }
0x2cd: {  	s19 =	simm.s32 $0x9;
	v14 =	vadd.s32 v3, v14;
	v12 =	vand.u32 $0x7C, v12;
	v27 =	vld [tilespmem:s4+$0x10];
	v29 =	vadd.f32 v21, v5;
	[tilespmem:v19+s31+$0x0] =	vst.idx.msk $0xffff, v23  }
0x2ce: {  	v20 =	vmov s19;
	v19 =	vadd.s32 v3, v15;
	v32 =	vmul.f32 $8.000000000e+00, v25;
	v21 =	vld [tilespmem:s7+$0xFFFFFFB0];
	[tilespmem:v17+s31+$0x0] =	vst.idx.msk $0xffff, v16  }
0x2cf: {  	v18 =	vadd.s32 v0, v12;
	v25 =	vadd.s32 v1, v8;
	[tilespmem:v26+s31+$0x0] =	vst.idx.msk $0xffff, v29;
	v15 =	vmul.f32 $8.000000000e+00, v22;
	v17 =	vld [tilespmem:s7+$0xFFFFFFF0]  }
0x2d0: {  	v23 =	vadd.s32 v1, v13;
	v28 =	vmul.f32 $8.000000000e+00, v28;
	v32 =	vadd.f32 v32, v7;
	v16 =	vld [tilespmem:s7+$0x30]  }
0x2d1: {  	v26 =	vmul.f32 $8.000000000e+00, v24;
	v22 =	vadd.s32 v1, v11;
	s7 =	simm.s32 $0x11880;
	v24 =	vadd.f32 v15, v4  }
0x2d2: {  	s8 =	simm.s32 $0xC;
	v29 =	vld [tilespmem:s7+$0x40];
	v28 =	vadd.f32 v28, v7;
	v27 =	vmul.f32 $8.000000000e+00, v27;
	[tilespmem:v31+s31+$0x0] =	vst.idx.msk $0xffff, v32;
	v15 =	vadd.s32 v3, v30  }
.LBB2_21:
0x2d3: {  	p0 =	slt.u32 s8, $0x7C;
	s11 =	sadd.s32 $0x3, s0;
	v26 =	vadd.f32 v26, v7;
	v30 =	vld [tilespmem:s4+$0x60];
	v21 =	vmul.f32 $8.000000000e+00, v21;
	v31 =	vadd.s32 v3, v6;
	[tilespmem:v19+s31+$0x0] =	vst.idx.msk $0xffff, v24  }
0x2d4: {  	v32 =	vmovc v13;
	v6 =	vmovc v11;
	v19 =	vld [tilespmem:s7+$0xFFFFFF80];
	v24 =	vmov s11;
	[tilespmem:v25+s31+$0x0] =	vst.idx.msk $0xffff, v28;
	v25 =	vadd.f32 v27, v7;
	v17 =	vmul.f32 $8.000000000e+00, v17  }
0x2d5: {  	s11 =	sadd.s32 $0x2, s0;
	s0 =	smov.u32 s8;
	v27 =	vld [tilespmem:s7+$0xFFFFFFC0];
	v24 =	vand.u32 $0x7F, v24;
	[tilespmem:v23+s31+$0x0] =	vst.idx.msk $0xffff, v26;
	v11 =	vadd.f32 v21, v4;
	v13 =	vmul.f32 $8.000000000e+00, v16  }
0x2d6: {  	v16 =	vmov s11;
	v21 =	vld [tilespmem:s7+$0x0];
	v23 =	vadd.s32 v0, v24;
	[tilespmem:v22+s31+$0x0] =	vst.idx.msk $0xffff, v25;
	v17 =	vadd.f32 v17, v4  }
0x2d7: {  	v26 =	vadd.s32 v2, v9;
	v22 =	vmul.f32 $8.000000000e+00, v29;
	v25 =	vld [tilespmem:s4+$0xFFFFFFA0];
	[tilespmem:v14+s31+$0x0] =	vst.idx.msk $0xffff, v11;
	v14 =	vadd.f32 v13, v4  }
0x2d8: {  	v13 =	vand.u32 $0x7D, v20;
	v11 =	vand.u32 $0x7E, v16;
	v16 =	vld [tilespmem:s4+$0xFFFFFFE0];
	v20 =	vmul.f32 $8.000000000e+00, v30;
	[tilespmem:v15+s31+$0x0] =	vst.idx.msk $0xffff, v17  }
0x2d9: {  	v17 =	vadd.s32 v0, v13;
	v15 =	vmul.f32 $8.000000000e+00, v19;
	v19 =	vadd.f32 v22, v10;
	v22 =	vld [tilespmem:s4+$0x20];
	[tilespmem:v31+s31+$0x0] =	vst.idx.msk $0xffff, v14  }
0x2da: {  	v14 =	vmul.f32 $8.000000000e+00, v27;
	v27 =	vadd.s32 v0, v11;
	v20 =	vadd.f32 v20, v5  }
0x2db: {  	v15 =	vadd.f32 v15, v10;
	v21 =	vmul.f32 $8.000000000e+00, v21;
	[tilespmem:v23+s31+$0x0] =	vst.idx.msk $0xffff, v19;
	v19 =	vadd.s32 v2, v8  }
0x2dc: {  	v28 =	vadd.s32 v2, v32;
	v14 =	vadd.f32 v14, v10;
	v23 =	vld [tilespmem:s7+$0x50];
	v25 =	vmul.f32 $8.000000000e+00, v25;
	[tilespmem:v26+s31+$0x0] =	vst.idx.msk $0xffff, v20  }
0x2dd: {  	v26 =	vadd.s32 v2, v6;
	[tilespmem:v18+s31+$0x0] =	vst.idx.msk $0xffff, v15;
	v15 =	vadd.f32 v21, v10;
	v16 =	vmul.f32 $8.000000000e+00, v16;
	v29 =	vld [tilespmem:s4+$0x70]  }
0x2de: {  	v18 =	vmov s8;
	v30 =	vld [tilespmem:s7+$0xFFFFFF90];
	[tilespmem:v17+s31+$0x0] =	vst.idx.msk $0xffff, v14;
	v14 =	vadd.f32 v25, v5;
	v17 =	vmul.f32 $8.000000000e+00, v22  }
0x2df: {  	s11 =	sadd.s32 $0x1, s8;
	v31 =	vand.u32 $0x7C, v18;
	v22 =	vld [tilespmem:s7+$0xFFFFFFD0];
	[tilespmem:v27+s31+$0x0] =	vst.idx.msk $0xffff, v15;
	v15 =	vadd.f32 v16, v5  }
0x2e0: {  	v33 =	vadd.s32 v1, v24;
	v20 =	vmov s11;
	v27 =	vld [tilespmem:s7+$0x10];
	[tilespmem:v19+s31+$0x0] =	vst.idx.msk $0xffff, v14;
	v16 =	vadd.f32 v17, v5  }
.Ltmp9:
0x2e1: {  	v14 =	vadd.s32 v3, v8;
	v19 =	vadd.s32 v3, v9;
	v34 =	vmul.f32 $8.000000000e+00, v23;
	v21 =	vld [tilespmem:s4+$0xFFFFFFB0];
	[tilespmem:v28+s31+$0x0] =	vst.idx.msk $0xffff, v15;
	(pc) =	sbr.rel @p0 .LBB2_21-.Ltmp9, $4  }
0x2e2: {  	v25 =	vadd.s32 v1, v12;
	v18 =	vadd.s32 v0, v31;
	v17 =	vld [tilespmem:s4+$0xFFFFFFF0];
	[tilespmem:v26+s31+$0x0] =	vst.idx.msk $0xffff, v16;
	v15 =	vmul.f32 $8.000000000e+00, v29  }
0x2e3: {  	v9 =	vmovc v24;
	v8 =	vmovc v12;
	v23 =	vadd.s32 v1, v13;
	v28 =	vmul.f32 $8.000000000e+00, v30;
	v30 =	vadd.f32 v34, v7;
	v16 =	vld [tilespmem:s4+$0x30];
	s4 =	smov.u32 s7  }
0x2e4: {  	v12 =	vmovc v31;
	s7 =	sadd.s32 $0x100, s7;
	v26 =	vmul.f32 $8.000000000e+00, v22;
	v22 =	vadd.s32 v1, v11;
	v24 =	vadd.f32 v15, v4  }
0x2e5: {  	s8 =	sadd.s32 $0x4, s8;
	v15 =	vadd.s32 v3, v32;
	v29 =	vld [tilespmem:s7+$0x40];
	v28 =	vadd.f32 v28, v7;
	v27 =	vmul.f32 $8.000000000e+00, v27;
	[tilespmem:v33+s31+$0x0] =	vst.idx.msk $0xffff, v30  }
0x2e6: {  	s8 =	sadd.s32 $0x3, s0;
	v30 =	vld [tilespmem:s7+$0xFFFFFF80]  }
0x2e7: {  	v32 =	vld [tilespmem:s7+$0xFFFFFFC0];
	v31 =	vmov s8  }
0x2e8: {  	v33 =	vld [tilespmem:s7+$0x0];
	v31 =	vand.u32 $0x7F, v31  }
0x2e9: {  	s19 =	sadd.s32 $0x2, s0;
	v34 =	vadd.s32 v0, v31  }
0x2ea: {  	v20 =	vand.u32 $0x7D, v20;
	v35 =	vmov s19;
	v29 =	vmul.f32 $8.000000000e+00, v29  }
0x2eb: {  	v36 =	vadd.s32 v0, v20;
	v35 =	vand.u32 $0x7E, v35;
	v30 =	vmul.f32 $8.000000000e+00, v30  }
0x2ec: {  	v37 =	vadd.s32 v0, v35;
	v32 =	vmul.f32 $8.000000000e+00, v32;
	v29 =	vadd.f32 v29, v10  }
0x2ed: {  	v33 =	vmul.f32 $8.000000000e+00, v33;
	v30 =	vadd.f32 v30, v10  }
0x2ee: {  	v58 =	vadd.f32 v32, v10;
	[tilespmem:v34+s31+$0x0] =	vst.idx.msk $0xffff, v29  }
0x2ef: {  	v60 =	vadd.f32 v33, v10;
	[tilespmem:v18+s31+$0x0] =	vst.idx.msk $0xffff, v30;
	v59 =	vld [tilespmem:s7+$0x50]  }
0x2f0: {  	[tilespmem:v36+s31+$0x0] =	vst.idx.msk $0xffff, v58;
	v30 =	vld [tilespmem:s7+$0xFFFFFF90]  }
0x2f1: {  	[tilespmem:v37+s31+$0x0] =	vst.idx.msk $0xffff, v60;
	v29 =	vld [tilespmem:s7+$0xFFFFFFD0]  }
0x2f2: {  	v10 =	vld [tilespmem:s7+$0x10]  }
0x2f3: {  	v61 =	vadd.s32 v1, v31  }
0x2f4: {  	v26 =	vadd.f32 v26, v7;
	v62 =	vadd.s32 v1, v12;
	v18 =	vmul.f32 $8.000000000e+00, v59  }
0x2f5: {  	v63 =	vld [tilespmem:s4+$0x60];
	[tilespmem:v25+s31+$0x0] =	vst.idx.msk $0xffff, v28;
	v27 =	vadd.f32 v27, v7;
	v36 =	vadd.s32 v1, v20;
	v34 =	vmul.f32 $8.000000000e+00, v30  }
0x2f6: {  	[tilespmem:v23+s31+$0x0] =	vst.idx.msk $0xffff, v26;
	v39 =	vadd.s32 v1, v35;
	v37 =	vld [tilespmem:s4+$0xFFFFFFA0];
	v38 =	vmul.f32 $8.000000000e+00, v29;
	v18 =	vadd.f32 v18, v7  }
0x2f7: {  	[tilespmem:v22+s31+$0x0] =	vst.idx.msk $0xffff, v27;
	v40 =	vld [tilespmem:s4+$0xFFFFFFE0];
	v10 =	vmul.f32 $8.000000000e+00, v10;
	v41 =	vadd.f32 v34, v7  }
0x2f8: {  	v42 =	vld [tilespmem:s4+$0x20];
	v26 =	vadd.f32 v38, v7;
	[tilespmem:v61+s31+$0x0] =	vst.idx.msk $0xffff, v18  }
0x2f9: {  	v21 =	vmul.f32 $8.000000000e+00, v21;
	v43 =	vadd.s32 v2, v9;
	v44 =	vadd.f32 v10, v7;
	[tilespmem:v62+s31+$0x0] =	vst.idx.msk $0xffff, v41;
	v45 =	vld [tilespmem:s7+$0x60]  }
0x2fa: {  	v46 =	vadd.s32 v2, v8;
	v25 =	vmul.f32 $8.000000000e+00, v63;
	[tilespmem:v36+s31+$0x0] =	vst.idx.msk $0xffff, v26;
	v47 =	vld [tilespmem:s7+$0xFFFFFFA0]  }
0x2fb: {  	v48 =	vadd.s32 v2, v13;
	v21 =	vadd.f32 v21, v4;
	v23 =	vmul.f32 $8.000000000e+00, v37;
	[tilespmem:v39+s31+$0x0] =	vst.idx.msk $0xffff, v44;
	v49 =	vld [tilespmem:s7+$0xFFFFFFE0]  }
0x2fc: {  	[tilespmem:v19+s31+$0x0] =	vst.idx.msk $0xffff, v24;
	v51 =	vadd.s32 v2, v11;
	v50 =	vadd.f32 v25, v5;
	v22 =	vmul.f32 $8.000000000e+00, v40;
	v52 =	vld [tilespmem:s7+$0x20]  }
0x2fd: {  	v54 =	vadd.s32 v2, v31;
	[tilespmem:v14+s31+$0x0] =	vst.idx.msk $0xffff, v21;
	v53 =	vadd.f32 v23, v5;
	v18 =	vmul.f32 $8.000000000e+00, v42  }
0x2fe: {  	v56 =	vadd.s32 v2, v12;
	[tilespmem:v43+s31+$0x0] =	vst.idx.msk $0xffff, v50;
	v55 =	vadd.f32 v22, v5;
	v10 =	vmul.f32 $8.000000000e+00, v45  }
0x2ff: {  	v60 =	vadd.s32 v2, v20;
	v57 =	vld [tilespmem:s4+$0x70];
	[tilespmem:v46+s31+$0x0] =	vst.idx.msk $0xffff, v53;
	v58 =	vadd.f32 v18, v5;
	v59 =	vmul.f32 $8.000000000e+00, v47  }
0x300: {  	v32 =	vadd.s32 v2, v35;
	[tilespmem:v48+s31+$0x0] =	vst.idx.msk $0xffff, v55;
	v61 =	vld [tilespmem:s4+$0xFFFFFFB0];
	v63 =	vmul.f32 $8.000000000e+00, v49;
	v62 =	vadd.f32 v10, v5  }
0x301: {  	v33 =	vld [tilespmem:s4+$0xFFFFFFF0];
	[tilespmem:v51+s31+$0x0] =	vst.idx.msk $0xffff, v58;
	v36 =	vmul.f32 $8.000000000e+00, v52;
	v34 =	vadd.f32 v59, v5  }
0x302: {  	v6 =	vadd.s32 v3, v6;
	v17 =	vmul.f32 $8.000000000e+00, v17;
	v24 =	vld [tilespmem:s4+$0x30];
	v37 =	vadd.f32 v63, v5;
	[tilespmem:v54+s31+$0x0] =	vst.idx.msk $0xffff, v62  }
0x303: {  	v38 =	vmul.f32 $8.000000000e+00, v16;
	v39 =	vadd.s32 v3, v9;
	v5 =	vadd.f32 v36, v5;
	v40 =	vld [tilespmem:s7+$0x70];
	[tilespmem:v56+s31+$0x0] =	vst.idx.msk $0xffff, v34  }
0x304: {  	v43 =	vmul.f32 $8.000000000e+00, v57;
	v42 =	vadd.s32 v3, v8;
	v41 =	vadd.f32 v17, v4;
	[tilespmem:v60+s31+$0x0] =	vst.idx.msk $0xffff, v37;
	v44 =	vld [tilespmem:s7+$0xFFFFFFB0]  }
0x305: {  	v46 =	vadd.s32 v3, v13;
	v45 =	vadd.f32 v38, v4;
	v47 =	vmul.f32 $8.000000000e+00, v61;
	[tilespmem:v32+s31+$0x0] =	vst.idx.msk $0xffff, v5;
	v48 =	vld [tilespmem:s7+$0xFFFFFFF0]  }
0x306: {  	v50 =	vmul.f32 $8.000000000e+00, v33;
	[tilespmem:v15+s31+$0x0] =	vst.idx.msk $0xffff, v41;
	v49 =	vadd.s32 v3, v11;
	v5 =	vadd.f32 v43, v4;
	v51 =	vld [tilespmem:s7+$0x30]  }
0x307: {  	[tilespmem:v6+s31+$0x0] =	vst.idx.msk $0xffff, v45;
	v52 =	vadd.f32 v47, v4;
	v53 =	vmul.f32 $8.000000000e+00, v24;
	v54 =	vadd.s32 v3, v31  }
0x308: {  	v55 =	vadd.s32 v3, v12;
	[tilespmem:v39+s31+$0x0] =	vst.idx.msk $0xffff, v5;
	v5 =	vadd.f32 v50, v4;
	v56 =	vmul.f32 $8.000000000e+00, v40  }
0x309: {  	v58 =	vadd.s32 v3, v20;
	[tilespmem:v42+s31+$0x0] =	vst.idx.msk $0xffff, v52;
	v57 =	vadd.f32 v53, v4;
	v59 =	vmul.f32 $8.000000000e+00, v44  }
0x30a: {  	v60 =	vadd.s32 v3, v35;
	[tilespmem:v46+s31+$0x0] =	vst.idx.msk $0xffff, v5;
	v61 =	vmul.f32 $8.000000000e+00, v48;
	v5 =	vadd.f32 v56, v4  }
0x30b: {  	[tilespmem:v49+s31+$0x0] =	vst.idx.msk $0xffff, v57;
	v63 =	vmul.f32 $8.000000000e+00, v51;
	v62 =	vadd.f32 v59, v4  }
0x30c: {  	s4 =	sshll.u32 s17, $0x12;
	[tilespmem:v54+s31+$0x0] =	vst.idx.msk $0xffff, v5;
	v5 =	vadd.f32 v61, v4  }
0x30d: {  	s0 =	sor.u32 s5, s4;
	v4 =	vadd.f32 v63, v4;
	[tilespmem:v55+s31+$0x0] =	vst.idx.msk $0xffff, v62  }
0x30e: {  	s0 =	sshrl.u32 s0, $0x3;
	[tilespmem:v58+s31+$0x0] =	vst.idx.msk $0xffff, v5  }
0x30f: {  	s4 =	sadd.s32 s1, s0;
	s7 =	simm.s32 $0x1BE00;
	[tilespmem:v60+s31+$0x0] =	vst.idx.msk $0xffff, v4  }
0x310: {  	[hbm4b:s4+s3] =	stream.linear.scatter [tilespmem:s7], [sflag:$0xA], $0x80, $0x38;
	[tilespmem:$0x1E000] =	vst v63  }
0x311: {  	s8 =	simm.s32 $0x1BE88;
	s11 =	sadd.s32 $0x10, s4  }
0x312: {  	[hbm4b:s11+s3] =	stream.linear.scatter [tilespmem:s8], [sflag:$0xA], $0x80, $0x38;
	[tilespmem:$0x1E000] =	vst v63  }
0x313: {  	s14 =	simm.s32 $0x1BF10;
	s18 =	simm.s32 $0x1BF98;
	s17 =	sadd.s32 $0x20, s4  }
0x314: {  	[hbm4b:s17+s3] =	stream.linear.scatter [tilespmem:s14], [sflag:$0xA], $0x80, $0x38;
	[tilespmem:$0x1E000] =	vst v63  }
0x315: {  	s0 =	simm.s32 $0x440;
	s19 =	sadd.s32 $0x30, s4;
	s7 =	simm.s32 $0x2200  }
0x316: {  	[hbm4b:s19+s3] =	stream.linear.scatter [tilespmem:s18], [sflag:$0xA], $0x80, $0x38;
	[tilespmem:$0x1E000] =	vst v63  }
0x317: {  	s8 =	simm.s32 $0x1C020;
	s11 =	sadd.s32 $0x40, s4;
	s14 =	simm.s32 $0x1C0A8  }
0x318: {  	[hbm4b:s11+s3] =	stream.linear.scatter [tilespmem:s8], [sflag:$0xA], $0x80, $0x38;
	[tilespmem:$0x1E000] =	vst v63  }
0x319: {  	s17 =	sadd.s32 $0x50, s4;
	s18 =	simm.s32 $0x1C130;
	s19 =	sadd.s32 $0x60, s4  }
0x31a: {  	[hbm4b:s17+s3] =	stream.linear.scatter [tilespmem:s14], [sflag:$0xA], $0x80, $0x38;
	[tilespmem:$0x1E000] =	vst v63  }
0x31b: {  	s8 =	simm.s32 $0x1C1B8;
	s11 =	sadd.s32 $0x70, s4;
	s4 =	sadd.s32 $0x1000, s4  }
0x31c: {  	[hbm4b:s19+s3] =	stream.linear.scatter [tilespmem:s18], [sflag:$0xA], $0x80, $0x38;
	[tilespmem:$0x1E000] =	vst v63  }
.LBB2_23:
0x31d: {  	[hbm4b:s11+s3] =	stream.linear.scatter [tilespmem:s8], [sflag:$0xA], $0x80, $0x38;
	[tilespmem:$0x1E000] =	vst v63  }
0x31e: {  	s8 =	smov.u32 s0;
	s0 =	smov.u32 s7  }
0x31f: {  	s14 =	sadd.s32 $0x1100, s7;
	s0 =	sshra.s32 s0, $0x2;
	s11 =	sadd.s32 $0x1BE00, s8  }
0x320: {  	[hbm4b:s4+s3] =	stream.linear.scatter [tilespmem:s11], [sflag:$0xA], $0x80, $0x38;
	[tilespmem:$0x1E000] =	vst v63  }
0x321: {  	p0 =	sne.s32 s7, $0x7700;
	s7 =	sadd.s32 $0x1BE88, s8;
	s11 =	sadd.s32 $0x10, s4  }
0x322: {  	[hbm4b:s11+s3] =	stream.linear.scatter [tilespmem:s7], [sflag:$0xA], $0x80, $0x38;
	[tilespmem:$0x1E000] =	vst v63  }
0x323: {  	s7 =	sadd.s32 $0x1BF10, s8;
	s11 =	sadd.s32 $0x20, s4  }
0x324: {  	[hbm4b:s11+s3] =	stream.linear.scatter [tilespmem:s7], [sflag:$0xA], $0x80, $0x38;
	[tilespmem:$0x1E000] =	vst v63  }
0x325: {  	s7 =	sadd.s32 $0x1BF98, s8;
	s11 =	sadd.s32 $0x30, s4  }
0x326: {  	[hbm4b:s11+s3] =	stream.linear.scatter [tilespmem:s7], [sflag:$0xA], $0x80, $0x38;
	[tilespmem:$0x1E000] =	vst v63  }
0x327: {  	s7 =	sadd.s32 $0x1C020, s8;
	s11 =	sadd.s32 $0x40, s4  }
0x328: {  	[hbm4b:s11+s3] =	stream.linear.scatter [tilespmem:s7], [sflag:$0xA], $0x80, $0x38;
	[tilespmem:$0x1E000] =	vst v63  }
.Ltmp10:
0x329: {  	s7 =	sadd.s32 $0x1C0A8, s8;
	s11 =	sadd.s32 $0x50, s4;
	(pc) =	sbr.rel @p0 .LBB2_23-.Ltmp10, $4  }
0x32a: {  	[hbm4b:s11+s3] =	stream.linear.scatter [tilespmem:s7], [sflag:$0xA], $0x80, $0x38;
	[tilespmem:$0x1E000] =	vst v63  }
0x32b: {  	s7 =	sadd.s32 $0x1C130, s8;
	s11 =	sadd.s32 $0x60, s4;
	s8 =	sadd.s32 $0x1C1B8, s8  }
0x32c: {  	[hbm4b:s11+s3] =	stream.linear.scatter [tilespmem:s7], [sflag:$0xA], $0x80, $0x38;
	[tilespmem:$0x1E000] =	vst v63  }
0x32d: {  	s11 =	sadd.s32 $0x70, s4;
	s4 =	sadd.s32 $0x1000, s4;
	s7 =	smov.u32 s14  }
0x32e: {  	[hbm4b:s11+s3] =	stream.linear.scatter [tilespmem:s8], [sflag:$0xA], $0x80, $0x38;
	[tilespmem:$0x1E000] =	vst v63  }
0x32f: {  	s7 =	sadd.s32 $0x1BE00, s0  }
0x330: {  	[hbm4b:s4+s3] =	stream.linear.scatter [tilespmem:s7], [sflag:$0xA], $0x80, $0x38;
	[tilespmem:$0x1E000] =	vst v63  }
0x331: {  	s18 =	sadd.s32 $0x1BE88, s0;
	s19 =	sadd.s32 $0x10, s4  }
0x332: {  	[hbm4b:s19+s3] =	stream.linear.scatter [tilespmem:s18], [sflag:$0xA], $0x80, $0x38;
	[tilespmem:$0x1E000] =	vst v63  }
0x333: {  	s8 =	sadd.s32 $0x1BF10, s0;
	s11 =	sadd.s32 $0x20, s4  }
0x334: {  	[hbm4b:s11+s3] =	stream.linear.scatter [tilespmem:s8], [sflag:$0xA], $0x80, $0x38;
	[tilespmem:$0x1E000] =	vst v63  }
0x335: {  	s14 =	sadd.s32 $0x1BF98, s0;
	s17 =	sadd.s32 $0x30, s4  }
0x336: {  	[hbm4b:s17+s3] =	stream.linear.scatter [tilespmem:s14], [sflag:$0xA], $0x80, $0x38;
	[tilespmem:$0x1E000] =	vst v63  }
0x337: {  	s16 =	sadd.s32 $0x1, s16;
	s18 =	sadd.s32 $0x1C020, s0;
	s19 =	sadd.s32 $0x40, s4  }
0x338: {  	[hbm4b:s19+s3] =	stream.linear.scatter [tilespmem:s18], [sflag:$0xA], $0x80, $0x38;
	[tilespmem:$0x1E000] =	vst v63  }
0x339: {  	p0 =	sne.s32 s16, $0x28;
	s8 =	sadd.s32 $0x1C0A8, s0;
	s11 =	sadd.s32 $0x50, s4  }
0x33a: {  	[hbm4b:s11+s3] =	stream.linear.scatter [tilespmem:s8], [sflag:$0xA], $0x80, $0x38;
	[tilespmem:$0x1E000] =	vst v63  }
.Ltmp11:
0x33b: {  	_ = 	snop;
	(pc) =	sbr.rel @p0 .LBB2_4-.Ltmp11, $4  }
0x33c: {  	s14 =	sadd.s32 $0x1C130, s0;
	s17 =	sadd.s32 $0x60, s4  }
0x33d: {  	[hbm4b:s17+s3] =	stream.linear.scatter [tilespmem:s14], [sflag:$0xA], $0x80, $0x38;
	[tilespmem:$0x1E000] =	vst v63  }
0x33e: {  	s18 =	sadd.s32 $0x1C1B8, s0;
	s19 =	sadd.s32 $0x70, s4  }
0x33f: {  	[hbm4b:s19+s3] =	stream.linear.scatter [tilespmem:s18], [sflag:$0xA], $0x80, $0x38;
	[tilespmem:$0x1E000] =	vst v63  }
0x340: {  	s0 =	simm.s32 $0x6  }
0x341: {  	_ =	swait.ge [sflag:s0], $0x2000  }
0x342: {  	[sflag:s0] =	ssyncset.done $0x0  }
0x343: {  	[sflag:s0] =	ssyncadd.s32 $0xFFFFE000  }
0x344: {  	_ =	swait.ge [sflag:s2], $0x2000  }
0x345: {  	[sflag:s2] =	ssyncset.done $0x0  }
0x346: {  	[sflag:s2] =	ssyncadd.s32 $0xFFFFE000  }
0x347: {  	_ =	swait.ge [sflag:s9], $0x2000  }
0x348: {  	[sflag:s9] =	ssyncset.done $0x0  }
0x349: {  	[sflag:s9] =	ssyncadd.s32 $0xFFFFE000  }
0x34a: {  	_ =	swait.ge [sflag:s10], $0x2000  }
0x34b: {  	[sflag:s10] =	ssyncset.done $0x0  }
0x34c: {  	[sflag:s10] =	ssyncadd.s32 $0xFFFFE000  }
0x34d: {  	_ =	swait.ge [sflag:s12], $0x2000  }
0x34e: {  	s4 =	rddreg [dreg:$0x7]  }
0x34f: {  	s19 =	rddreg [dreg:$0x6];
	s4 =	sadd.s32 $0x1, s4  }
0x350: {  	p0 =	sne.s32 s4, s19  }
.Ltmp12:
0x351: {  	_ = 	snop;
	(pc) =	sbr.rel @p0 .LBB2_1-.Ltmp12, $3  }
0x352: {  	_ =	sdelay $0x1  }
0x353: {  	[sflag:s12] =	ssyncset.done $0x0  }
0x354: {  	[sflag:s12] =	ssyncadd.s32 $0xFFFFE000  }
0x355: {  	_ =	sfence.sel $0x180000  }
0x356: {  	[bflag:$0x0] =	sbarrier.arrive $0xFFFF  }
0x357: {  	_ =	strace $0x90000047  }
0x358: {  	s0 =	stileid.u32;
	[bflag:$0x2] =	sbarrier.arrive $0xFFFF  }
0x359: {  	p0 =	sne.s32 s0, $0x0;
	s0 =	rddreg [dreg:$0x3]  }
0x35a: {  	s0 =	sadd.s32 @!p0 $0x100000, s0  }
0x35b: {  	[sflag:s0] =	ssyncadd.tile.s32 @!p0 $0x1;
	_ =	shalt  }
.Lfunc_end2:
_tile_overlayer_lowered:
.L_overlay_start_2:
0x35c: {  	(tag) =	ssettag $0x2  }
0x35d: {  	s0 =	rddreg [dreg:$0x0];
	s2 =	stileid.u32  }
0x35e: {  	s1 =	rddreg [dreg:$0x1];
	p0 =	sne.s32 s2, $0x0  }
0x35f: {  	s3 =	rddreg [dreg:$0x2];
	[bflag:$0x3] =	sbarrier.arrive $0xFFFF;
	s2 =	simm.s32 @!p0 $0x1C0B  }
0x360: {  	[timem:s3], [sflag:s2] =	dma.local @!p0 [hbm:s0], s1  }
0x361: {  	s0 =	simm.s32 @!p0 $0xB  }
0x362: {  	_ =	swait.ge @!p0 [sflag:s0], s1  }
0x363: {  	s1 =	ssub.s32 @!p0 $0x0, s1;
	[sflag:s0] =	ssyncset.done @!p0 $0x0  }
0x364: {  	[sflag:s0] =	ssyncadd.s32 @!p0 s1  }
0x365: {  	[bflag:$0x3] =	sbarrier.arrive $0xFFFF  }
0x366: {  	_ =	shalt  }

</sc_bundles>
